<compile_context>
chip_gen: v7x
topology: tpu7x:2x2x1
jax: 0.10.2.dev20260603
libtpu: 0.0.44.dev20260713+nightly
codegen_flags: <defaults>
</compile_context>

<pallas_src>
import functools

import jax
import jax.numpy as jnp
from jax import lax
from jax.experimental import pallas as pl
from jax.experimental.pallas import tpu as pltpu
from jax.experimental.pallas import tpu_sc as plsc

N = 10000
E = 320000
D = 128
H = 128
DEC = 64
NUM_MASK = 5000

NC = 2
NS = 16
NW = NC * NS
N_PAD = 10240
EPW = E // NW
CH = 80
N_CH = EPW // CH
ROWS_PT = N_PAD // NS
MASK_PAD = 5120
MPW = MASK_PAD // NW

GCH = 80
GK = 4
NG = N_CH // GK

_mesh = lambda: plsc.VectorSubcoreMesh(core_axis_name="c", subcore_axis_name="s")


def _fill_1d(ref, n, value):
    def body(i, _):
        ref[pl.ds(i * 16, 16)] = jnp.full((16,), value, jnp.float32)
        return 0
    lax.fori_loop(0, n // 16, body, 0)


def _fill_2d(ref, rows, cols, value):
    def body(i, _):
        ref[i // (cols // 16), pl.ds((i % (cols // 16)) * 16, 16)] = (
            jnp.full((16,), value, jnp.float32))
        return 0
    lax.fori_loop(0, rows * (cols // 16), body, 0)


def _deg_flag_sc(dst, mask_pad):

    @functools.partial(
        pl.kernel,
        out_type=(
            jax.ShapeDtypeStruct((NC, N_PAD), jnp.float32),
            jax.ShapeDtypeStruct((NC, N_PAD), jnp.float32),
        ),
        mesh=_mesh(),
        scratch_types=[
            [pltpu.VMEM((CH,), jnp.int32) for _ in range(4)],
            pltpu.VMEM((CH,), jnp.float32),
            pltpu.VMEM((ROWS_PT,), jnp.float32),
            [pltpu.SemaphoreType.DMA for _ in range(4)],
            pltpu.SemaphoreType.DMA,
            pltpu.VMEM_SHARED((N_PAD,), jnp.float32),
            pltpu.VMEM_SHARED((N_PAD,), jnp.float32),
        ],
    )
    def k(dst_hbm, mask_hbm, deg_out, flag_out, idx, ones_v, zero_v,
          isems, ssem, deg_acc, flag_acc):
        c = lax.axis_index("c")
        s = lax.axis_index("s")
        wid = s * NC + c

        _fill_1d(ones_v, CH, 1.0)
        _fill_1d(zero_v, ROWS_PT, 0.0)
        pltpu.sync_copy(zero_v, deg_acc.at[pl.ds(s * ROWS_PT, ROWS_PT)])
        pltpu.sync_copy(zero_v, flag_acc.at[pl.ds(s * ROWS_PT, ROWS_PT)])
        plsc.subcore_barrier()

        def hist_chunks(src_idx_hbm, base, nk, acc):
            idd = [pltpu.async_copy(src_idx_hbm.at[pl.ds(base + kk * CH, CH)],
                                    idx[kk], isems[kk]) for kk in range(nk)]
            ss = []
            for kk in range(nk):
                idd[kk].wait()
                ss.append(pltpu.async_copy(ones_v, acc.at[idx[kk]], ssem,
                                           add=True))
            for kk in range(nk):
                ss[kk].wait()

        def ebody(i, _):
            hist_chunks(dst_hbm, wid * EPW + i * 4 * CH, 4, deg_acc)
            return 0
        lax.fori_loop(0, N_CH // 4, ebody, 0)
        hist_chunks(dst_hbm, wid * EPW + (N_CH // 4) * 4 * CH, N_CH % 4,
                    deg_acc)
        hist_chunks(mask_hbm, wid * MPW, MPW // CH, flag_acc)
        plsc.subcore_barrier()

        base = s * ROWS_PT
        pltpu.sync_copy(deg_acc.at[pl.ds(base, ROWS_PT)],
                        deg_out.at[c, pl.ds(base, ROWS_PT)])
        pltpu.sync_copy(flag_acc.at[pl.ds(base, ROWS_PT)],
                        flag_out.at[c, pl.ds(base, ROWS_PT)])

    return k(dst, mask_pad)


def _agg_sc(h, src, dst, width):

    @functools.partial(
        pl.kernel,
        out_type=jax.ShapeDtypeStruct((NC, N_PAD, width), jnp.float32),
        mesh=_mesh(),
        scratch_types=[
            [pltpu.VMEM((GCH,), jnp.int32) for _ in range(GK)],
            [pltpu.VMEM((GCH,), jnp.int32) for _ in range(GK)],
            [pltpu.VMEM((GCH, width), jnp.float32) for _ in range(GK)],
            [pltpu.SemaphoreType.DMA for _ in range(GK)],
            [pltpu.SemaphoreType.DMA for _ in range(GK)],
            [pltpu.SemaphoreType.DMA for _ in range(GK)],
            pltpu.SemaphoreType.DMA,
            pltpu.VMEM_SHARED((N_PAD, width), jnp.float32),
        ],
        compiler_params=pltpu.CompilerParams(
            use_tc_tiling_on_sc=(width % 128 == 0)),
    )
    def k(h_hbm, src_hbm, dst_hbm, out_hbm, sidx, didx, rows,
          gsem, isems, isemd, ssem, acc):
        c = lax.axis_index("c")
        s = lax.axis_index("s")
        wid = s * NC + c
        wbase = wid * EPW

        _fill_2d(rows[0], GCH, width, 0.0)
        for kk in range(ROWS_PT // GCH):
            pltpu.sync_copy(rows[0],
                            acc.at[pl.ds(s * ROWS_PT + kk * GCH, GCH), :])
        plsc.subcore_barrier()

        def chunk_work(base, nk):
            sd = [pltpu.async_copy(src_hbm.at[pl.ds(base + kk * GCH, GCH)],
                                   sidx[kk], isems[kk]) for kk in range(nk)]
            dd = [pltpu.async_copy(dst_hbm.at[pl.ds(base + kk * GCH, GCH)],
                                   didx[kk], isemd[kk]) for kk in range(nk)]
            gd = []
            for kk in range(nk):
                sd[kk].wait()
                gd.append(pltpu.async_copy(h_hbm.at[sidx[kk]], rows[kk],
                                           gsem[kk]))
            for kk in range(nk):
                dd[kk].wait()
            ss = []
            for kk in range(nk):
                gd[kk].wait()
                ss.append(pltpu.async_copy(rows[kk], acc.at[didx[kk]],
                                           ssem, add=True))
            for kk in range(nk):
                ss[kk].wait()

        def gbody(j, _):
            chunk_work(wbase + j * GK * GCH, GK)
            return 0
        lax.fori_loop(0, NG, gbody, 0)
        chunk_work(wbase + NG * GK * GCH, N_CH - NG * GK)
        plsc.subcore_barrier()

        for kk in range(ROWS_PT // GCH):
            base = s * ROWS_PT + kk * GCH
            pltpu.sync_copy(acc.at[pl.ds(base, GCH), :],
                            out_hbm.at[c, pl.ds(base, GCH), :])

    return k(h, src, dst)


_BLK = 2000
_GRID = N // _BLK
_P = jax.lax.Precision.DEFAULT


def _enc_tc(x, W_enc, mask_token, degt, flagt):
    def body(x_ref, w_ref, mt_ref, degt_ref, flagt_ref, o_ref):
        deg = degt_ref[:, 0:1] + degt_ref[:, 1:2] + 1.0
        dinv = lax.rsqrt(deg)
        flag = flagt_ref[:, 0:1] + flagt_ref[:, 1:2]
        h = jnp.dot(x_ref[...], w_ref[...], precision=_P,
                    preferred_element_type=jnp.float32)
        m1 = jnp.dot(mt_ref[...], w_ref[...], precision=_P,
                     preferred_element_type=jnp.float32)
        o_ref[...] = dinv * jnp.where(flag > 0.0, m1, h)

    return pl.pallas_call(
        body,
        grid=(_GRID,),
        in_specs=[
            pl.BlockSpec((_BLK, D), lambda i: (i, 0)),
            pl.BlockSpec((D, H), lambda i: (0, 0)),
            pl.BlockSpec((1, D), lambda i: (0, 0)),
            pl.BlockSpec((_BLK, NC), lambda i: (i, 0)),
            pl.BlockSpec((_BLK, NC), lambda i: (i, 0)),
        ],
        out_specs=pl.BlockSpec((_BLK, H), lambda i: (i, 0)),
        out_shape=jax.ShapeDtypeStruct((N, H), jnp.float32),
    )(x, W_enc, mask_token, degt, flagt)


def _dec_tc(agg1, h1p, degt, b_enc, W_dec):
    def body(p_ref, h_ref, degt_ref, b_ref, w_ref, o_ref):
        deg = degt_ref[:, 0:1] + degt_ref[:, 1:2] + 1.0
        dinv = lax.rsqrt(deg)
        z = dinv * (p_ref[0] + p_ref[1] + h_ref[...]) + b_ref[...]
        o_ref[...] = dinv * jnp.dot(z, w_ref[...], precision=_P,
                                    preferred_element_type=jnp.float32)

    return pl.pallas_call(
        body,
        grid=(_GRID,),
        in_specs=[
            pl.BlockSpec((NC, _BLK, H), lambda i: (0, i, 0)),
            pl.BlockSpec((_BLK, H), lambda i: (i, 0)),
            pl.BlockSpec((_BLK, NC), lambda i: (i, 0)),
            pl.BlockSpec((1, H), lambda i: (0, 0)),
            pl.BlockSpec((H, DEC), lambda i: (0, 0)),
        ],
        out_specs=pl.BlockSpec((_BLK, DEC), lambda i: (i, 0)),
        out_shape=jax.ShapeDtypeStruct((N, DEC), jnp.float32),
    )(agg1, h1p, degt, b_enc, W_dec)


def _out_tc(agg2, h2p, degt, b_dec, W_mlp, b_mlp):
    def body(p_ref, h_ref, degt_ref, bd_ref, w_ref, bm_ref, o_ref):
        deg = degt_ref[:, 0:1] + degt_ref[:, 1:2] + 1.0
        dinv = lax.rsqrt(deg)
        hdec = jnp.maximum(
            dinv * (p_ref[0] + p_ref[1] + h_ref[...]) + bd_ref[...], 0.0)
        o_ref[...] = jnp.dot(hdec, w_ref[...], precision=_P,
                             preferred_element_type=jnp.float32) + bm_ref[...]

    return pl.pallas_call(
        body,
        grid=(_GRID,),
        in_specs=[
            pl.BlockSpec((NC, _BLK, DEC), lambda i: (0, i, 0)),
            pl.BlockSpec((_BLK, DEC), lambda i: (i, 0)),
            pl.BlockSpec((_BLK, NC), lambda i: (i, 0)),
            pl.BlockSpec((1, DEC), lambda i: (0, 0)),
            pl.BlockSpec((DEC, D), lambda i: (0, 0)),
            pl.BlockSpec((1, D), lambda i: (0, 0)),
        ],
        out_specs=pl.BlockSpec((_BLK, D), lambda i: (i, 0)),
        out_shape=jax.ShapeDtypeStruct((N, D), jnp.float32),
    )(agg2, h2p, degt, b_dec, W_mlp, b_mlp)


def kernel(x, edge_index, mask_indices, mask_token, W_enc, b_enc, W_dec,
           b_dec, W_mlp, b_mlp):
    mi = mask_indices.astype(jnp.int32)
    mask_pad = jnp.concatenate(
        [mi, jnp.full((MASK_PAD - NUM_MASK,), N, jnp.int32)])

    src = edge_index[0]
    dst = edge_index[1]
    deg_p, flag_p = _deg_flag_sc(dst, mask_pad)
    degt = deg_p[:, :N].T
    flagt = flag_p[:, :N].T

    h1p = _enc_tc(x, W_enc, mask_token, degt, flagt)
    agg1 = _agg_sc(h1p, src, dst, H)
    h2p = _dec_tc(agg1, h1p, degt, b_enc.reshape(1, H), W_dec)
    agg2 = _agg_sc(h2p, src, dst, DEC)
    x_rec = _out_tc(agg2, h2p, degt, b_dec.reshape(1, DEC), W_mlp,
                    b_mlp.reshape(1, D))
    return (x_rec, x, mask_indices)

# --- scband reference (transcript-rebuilt; emitter-appended) ---
"""Pipeline reference for scband-graph-mae-17093969838150 (READ-ONLY COPY).

The authoritative reference and input builder live on the scoring server;
editing this copy changes nothing except your own understanding.
"""

import jax, jax.numpy as jnp
import numpy as np

N = 10000
E = 320000
D = 128   # in_channels
H = 128   # out_channels (encoder output)
DEC = 64  # decoder_dim
MASK_RATE = 0.5


def gcn_conv(x, edge_index, W, b):
    # GCNConv with added self-loops and symmetric normalization D^-1/2 A D^-1/2
    n = x.shape[0]
    h = x @ W
    src = edge_index[0]
    dst = edge_index[1]
    loops = jnp.arange(n, dtype=src.dtype)
    src = jnp.concatenate([src, loops])
    dst = jnp.concatenate([dst, loops])
    ones = jnp.ones(src.shape[0], dtype=h.dtype)
    deg = jax.ops.segment_sum(ones, dst, num_segments=n)
    dinv = jax.lax.rsqrt(jnp.maximum(deg, 1.0))
    norm = dinv[src] * dinv[dst]
    msgs = h[src] * norm[:, None]
    out = jax.ops.segment_sum(msgs, dst, num_segments=n)
    return out + b


def setup_inputs(seed: int = 0) -> dict:
    key = jax.random.key(seed)
    ks = jax.random.split(key, 10)
    x = jax.random.normal(ks[0], (N, D), dtype=jnp.float32)
    edge_index = jax.random.randint(ks[1], (2, E), 0, N, dtype=jnp.int32)
    num_mask = int(N * MASK_RATE)
    mask_indices = jax.random.permutation(ks[2], N)[:num_mask]
    mask_token = jax.random.normal(ks[3], (1, D), dtype=jnp.float32)
    W_enc = jax.random.normal(ks[4], (D, H), dtype=jnp.float32) * (1.0 / np.sqrt(D))
    b_enc = jnp.zeros((H,), dtype=jnp.float32)
    W_dec = jax.random.normal(ks[5], (H, DEC), dtype=jnp.float32) * (1.0 / np.sqrt(H))
    b_dec = jnp.zeros((DEC,), dtype=jnp.float32)
    W_mlp = jax.random.normal(ks[6], (DEC, D), dtype=jnp.float32) * (1.0 / np.sqrt(DEC))
    b_mlp = jnp.zeros((D,), dtype=jnp.float32)
    return {
        'x': x, 'edge_index': edge_index, 'mask_indices': mask_indices,
        'mask_token': mask_token, 'W_enc': W_enc, 'b_enc': b_enc,
        'W_dec': W_dec, 'b_dec': b_dec, 'W_mlp': W_mlp, 'b_mlp': b_mlp,
    }


def reference(x, edge_index, mask_indices, mask_token, W_enc, b_enc, W_dec, b_dec, W_mlp, b_mlp):
    # mask: scatter-overwrite mask_token into masked node rows
    x_masked = x.at[mask_indices].set(mask_token)
    # encoder: GCNConv(in_channels, out_channels)
    z = gcn_conv(x_masked, edge_index, W_enc, b_enc)
    # decoder GNN + relu
    h_decode = jax.nn.relu(gcn_conv(z, edge_index, W_dec, b_dec))
    # decoder MLP
    x_reconstructed = h_decode @ W_mlp + b_mlp
    return (x_reconstructed, x, mask_indices)

if __name__ == "__main__":
    import jax
    _d = setup_inputs()
    print(jax.jit(kernel)(*tuple(_d.values())))

</pallas_src>

<mosaic_0001>
#map = affine_map<(d0, d1) -> (0)>
#map1 = affine_map<(d0, d1) -> (0, 0)>
module attributes {stable_mosaic.version = 14 : i64} {
  func.func @k(%arg0: i32, %arg1: i32, %arg2: memref<320000xi32, #tpu.memory_space<hbm>>, %arg3: memref<5120xi32, #tpu.memory_space<hbm>>, %arg4: memref<2x10240xf32, #tpu.memory_space<hbm>>, %arg5: memref<2x10240xf32, #tpu.memory_space<hbm>>, %arg6: memref<80xi32, #tpu.memory_space<vmem>>, %arg7: memref<80xi32, #tpu.memory_space<vmem>>, %arg8: memref<80xi32, #tpu.memory_space<vmem>>, %arg9: memref<80xi32, #tpu.memory_space<vmem>>, %arg10: memref<80xf32, #tpu.memory_space<vmem>>, %arg11: memref<640xf32, #tpu.memory_space<vmem>>, %arg12: memref<!tpu.dma_semaphore, #tpu.memory_space<semaphore_mem>>, %arg13: memref<!tpu.dma_semaphore, #tpu.memory_space<semaphore_mem>>, %arg14: memref<!tpu.dma_semaphore, #tpu.memory_space<semaphore_mem>>, %arg15: memref<!tpu.dma_semaphore, #tpu.memory_space<semaphore_mem>>, %arg16: memref<!tpu.dma_semaphore, #tpu.memory_space<semaphore_mem>>, %arg17: memref<10240xf32, #tpu.memory_space<vmem_shared>>, %arg18: memref<10240xf32, #tpu.memory_space<vmem_shared>>) attributes {dimension_semantics = [#tpu.dimension_semantics<core_parallel>, #tpu.dimension_semantics<subcore_parallel>], iteration_bounds = array<i64: 2, 16>, scalar_prefetch = 0 : i64, scratch_operands = 13 : i64, tpu.core_type = #tpu.core_type<sc_vector_subcore>, window_params = [{transform_indices = #map}, {transform_indices = #map}, {transform_indices = #map1}, {transform_indices = #map1}]} {
    %mul3A = arith.constant 2 : i32
    %mul3A_0 = arith.muli %arg1, %mul3A : i32
    %add3A = arith.addi %mul3A_0, %arg0 : i32
    %scan3A = arith.constant 0 : i32
    %scan3A_1 = arith.constant 0 : i32
    %scan3A_2 = arith.constant 5 : i32
    %scan3A_3 = arith.addi %scan3A_1, %scan3A_2 : i32
    %scan3A_4 = arith.constant 1 : i32
    %scan3A_5 = scf.for %scan3A_62 = %scan3A_1 to %scan3A_3 step %scan3A_4 iter_args(%scan3A_63 = %scan3A) -> (i32)  : i32 {
      %broadcast_in_dim3A = arith.constant 1.000000e+00 : f32
      %broadcast_in_dim3A_64 = vector.broadcast %broadcast_in_dim3A : f32 to vector<16xf32>
      %mul3A_65 = arith.constant 16 : i32
      %mul3A_66 = arith.muli %scan3A_62, %mul3A_65 : i32
      %swap3A = arith.index_cast %mul3A_66 : i32 to index
      %swap3A_67 = tpu.vector_load %arg10[%swap3A] {strides = array<i32>} : memref<80xf32, #tpu.memory_space<vmem>>, vector<16xf32>,
      %swap3A_68 = vector.shape_cast %swap3A_67 : vector<16xf32> to vector<16xf32>
      %swap3A_69 = vector.shape_cast %broadcast_in_dim3A_64 : vector<16xf32> to vector<16xf32>
      tpu.vector_store %arg10[%swap3A], %swap3A_69 {strides = array<i32>} : memref<80xf32, #tpu.memory_space<vmem>>, vector<16xf32>,
      %scan3A_70 = arith.constant 0 : i32
      scf.yield %scan3A_70 : i32
    }
    %scan3A_6 = arith.constant 5 : i32
    %scan3A_7 = arith.constant 0 : i32
    %scan3A_8 = arith.constant 0 : i32
    %scan3A_9 = arith.constant 40 : i32
    %scan3A_10 = arith.addi %scan3A_8, %scan3A_9 : i32
    %scan3A_11 = arith.constant 1 : i32
    %scan3A_12 = scf.for %scan3A_62 = %scan3A_8 to %scan3A_10 step %scan3A_11 iter_args(%scan3A_63 = %scan3A_7) -> (i32)  : i32 {
      %broadcast_in_dim3A = arith.constant 0.000000e+00 : f32
      %broadcast_in_dim3A_64 = vector.broadcast %broadcast_in_dim3A : f32 to vector<16xf32>
      %mul3A_65 = arith.constant 16 : i32
      %mul3A_66 = arith.muli %scan3A_62, %mul3A_65 : i32
      %swap3A = arith.index_cast %mul3A_66 : i32 to index
      %swap3A_67 = tpu.vector_load %arg11[%swap3A] {strides = array<i32>} : memref<640xf32, #tpu.memory_space<vmem>>, vector<16xf32>,
      %swap3A_68 = vector.shape_cast %swap3A_67 : vector<16xf32> to vector<16xf32>
      %swap3A_69 = vector.shape_cast %broadcast_in_dim3A_64 : vector<16xf32> to vector<16xf32>
      tpu.vector_store %arg11[%swap3A], %swap3A_69 {strides = array<i32>} : memref<640xf32, #tpu.memory_space<vmem>>, vector<16xf32>,
      %scan3A_70 = arith.constant 0 : i32
      scf.yield %scan3A_70 : i32
    }
    %scan3A_13 = arith.constant 40 : i32
    %mul3A_14 = arith.constant 640 : i32
    %mul3A_15 = arith.muli %arg1, %mul3A_14 : i32
    "tpu.region"() ({
      %run_scoped3A = tpu.sem_alloc : memref<!tpu.dma_semaphore, #tpu.memory_space<semaphore_mem>>
      %dma_start3A_62 = tpu.memref_slice %arg17[%mul3A_15] : memref<10240xf32, #tpu.memory_space<vmem_shared>> -> memref<640xf32, #tpu.memory_space<vmem_shared>>
      %dma_start3A_63 = tpu.memref_slice %arg17[%mul3A_15] : memref<10240xf32, #tpu.memory_space<vmem_shared>> -> memref<640xf32, #tpu.memory_space<vmem_shared>>
      tpu.enqueue_dma source(%arg11 : memref<640xf32, #tpu.memory_space<vmem>>) target(%dma_start3A_63 : memref<640xf32, #tpu.memory_space<vmem_shared>>) target_semaphore(%run_scoped3A : memref<!tpu.dma_semaphore, #tpu.memory_space<semaphore_mem>>)
      %dma_wait3A_64 = tpu.memref_slice %arg17[%mul3A_15] : memref<10240xf32, #tpu.memory_space<vmem_shared>> -> memref<640xf32, #tpu.memory_space<vmem_shared>>
      %dma_wait3A_65 = tpu.memref_slice %arg17[%mul3A_15] : memref<10240xf32, #tpu.memory_space<vmem_shared>> -> memref<640xf32, #tpu.memory_space<vmem_shared>>
      tpu.wait_dma2 semaphore(%run_scoped3A : memref<!tpu.dma_semaphore, #tpu.memory_space<semaphore_mem>>) src(%arg11 : memref<640xf32, #tpu.memory_space<vmem>>) dst(%dma_wait3A_65 : memref<640xf32, #tpu.memory_space<vmem_shared>>)
      tpu.yield
    }) : () -> ()
    %mul3A_16 = arith.constant 640 : i32
    %mul3A_17 = arith.muli %arg1, %mul3A_16 : i32
    "tpu.region"() ({
      %run_scoped3A = tpu.sem_alloc : memref<!tpu.dma_semaphore, #tpu.memory_space<semaphore_mem>>
      %dma_start3A_62 = tpu.memref_slice %arg18[%mul3A_17] : memref<10240xf32, #tpu.memory_space<vmem_shared>> -> memref<640xf32, #tpu.memory_space<vmem_shared>>
      %dma_start3A_63 = tpu.memref_slice %arg18[%mul3A_17] : memref<10240xf32, #tpu.memory_space<vmem_shared>> -> memref<640xf32, #tpu.memory_space<vmem_shared>>
      tpu.enqueue_dma source(%arg11 : memref<640xf32, #tpu.memory_space<vmem>>) target(%dma_start3A_63 : memref<640xf32, #tpu.memory_space<vmem_shared>>) target_semaphore(%run_scoped3A : memref<!tpu.dma_semaphore, #tpu.memory_space<semaphore_mem>>)
      %dma_wait3A_64 = tpu.memref_slice %arg18[%mul3A_17] : memref<10240xf32, #tpu.memory_space<vmem_shared>> -> memref<640xf32, #tpu.memory_space<vmem_shared>>
      %dma_wait3A_65 = tpu.memref_slice %arg18[%mul3A_17] : memref<10240xf32, #tpu.memory_space<vmem_shared>> -> memref<640xf32, #tpu.memory_space<vmem_shared>>
      tpu.wait_dma2 semaphore(%run_scoped3A : memref<!tpu.dma_semaphore, #tpu.memory_space<semaphore_mem>>) src(%arg11 : memref<640xf32, #tpu.memory_space<vmem>>) dst(%dma_wait3A_65 : memref<640xf32, #tpu.memory_space<vmem_shared>>)
      tpu.yield
    }) : () -> ()
    %barrier3A = arith.constant 0 : index
    tpu.barrier barrier_id(%barrier3A)
    %scan3A_18 = arith.constant 0 : i32
    %scan3A_19 = arith.constant 0 : i32
    %scan3A_20 = arith.constant 31 : i32
    %scan3A_21 = arith.addi %scan3A_19, %scan3A_20 : i32
    %scan3A_22 = arith.constant 1 : i32
    %scan3A_23 = scf.for %scan3A_62 = %scan3A_19 to %scan3A_21 step %scan3A_22 iter_args(%scan3A_63 = %scan3A_18) -> (i32)  : i32 {
      %mul3A_64 = arith.constant 10000 : i32
      %mul3A_65 = arith.muli %add3A, %mul3A_64 : i32
      %mul3A_66 = arith.constant 4 : i32
      %mul3A_67 = arith.muli %scan3A_62, %mul3A_66 : i32
      %mul3A_68 = arith.constant 80 : i32
      %mul3A_69 = arith.muli %mul3A_67, %mul3A_68 : i32
      %add3A_70 = arith.addi %mul3A_65, %mul3A_69 : i32
      %add3A_71 = arith.constant 0 : i32
      %add3A_72 = arith.addi %add3A_70, %add3A_71 : i32
      %dma_start3A_73 = tpu.memref_slice %arg2[%add3A_72] : memref<320000xi32, #tpu.memory_space<hbm>> -> memref<80xi32, #tpu.memory_space<hbm>>
      %dma_start3A_74 = tpu.memref_slice %arg2[%add3A_72] : memref<320000xi32, #tpu.memory_space<hbm>> -> memref<80xi32, #tpu.memory_space<hbm>>
      tpu.enqueue_dma source(%dma_start3A_74 : memref<80xi32, #tpu.memory_space<hbm>>) target(%arg6 : memref<80xi32, #tpu.memory_space<vmem>>) target_semaphore(%arg12 : memref<!tpu.dma_semaphore, #tpu.memory_space<semaphore_mem>>)
      %add3A_75 = arith.constant 80 : i32
      %add3A_76 = arith.addi %add3A_70, %add3A_75 : i32
      %dma_start3A_77 = tpu.memref_slice %arg2[%add3A_76] : memref<320000xi32, #tpu.memory_space<hbm>> -> memref<80xi32, #tpu.memory_space<hbm>>
      %dma_start3A_78 = tpu.memref_slice %arg2[%add3A_76] : memref<320000xi32, #tpu.memory_space<hbm>> -> memref<80xi32, #tpu.memory_space<hbm>>
      tpu.enqueue_dma source(%dma_start3A_78 : memref<80xi32, #tpu.memory_space<hbm>>) target(%arg7 : memref<80xi32, #tpu.memory_space<vmem>>) target_semaphore(%arg13 : memref<!tpu.dma_semaphore, #tpu.memory_space<semaphore_mem>>)
      %add3A_79 = arith.constant 160 : i32
      %add3A_80 = arith.addi %add3A_70, %add3A_79 : i32
      %dma_start3A_81 = tpu.memref_slice %arg2[%add3A_80] : memref<320000xi32, #tpu.memory_space<hbm>> -> memref<80xi32, #tpu.memory_space<hbm>>
      %dma_start3A_82 = tpu.memref_slice %arg2[%add3A_80] : memref<320000xi32, #tpu.memory_space<hbm>> -> memref<80xi32, #tpu.memory_space<hbm>>
      tpu.enqueue_dma source(%dma_start3A_82 : memref<80xi32, #tpu.memory_space<hbm>>) target(%arg8 : memref<80xi32, #tpu.memory_space<vmem>>) target_semaphore(%arg14 : memref<!tpu.dma_semaphore, #tpu.memory_space<semaphore_mem>>)
      %add3A_83 = arith.constant 240 : i32
      %add3A_84 = arith.addi %add3A_70, %add3A_83 : i32
      %dma_start3A_85 = tpu.memref_slice %arg2[%add3A_84] : memref<320000xi32, #tpu.memory_space<hbm>> -> memref<80xi32, #tpu.memory_space<hbm>>
      %dma_start3A_86 = tpu.memref_slice %arg2[%add3A_84] : memref<320000xi32, #tpu.memory_space<hbm>> -> memref<80xi32, #tpu.memory_space<hbm>>
      tpu.enqueue_dma source(%dma_start3A_86 : memref<80xi32, #tpu.memory_space<hbm>>) target(%arg9 : memref<80xi32, #tpu.memory_space<vmem>>) target_semaphore(%arg15 : memref<!tpu.dma_semaphore, #tpu.memory_space<semaphore_mem>>)
      %dma_wait3A_87 = tpu.memref_slice %arg2[%add3A_72] : memref<320000xi32, #tpu.memory_space<hbm>> -> memref<80xi32, #tpu.memory_space<hbm>>
      %dma_wait3A_88 = tpu.memref_slice %arg2[%add3A_72] : memref<320000xi32, #tpu.memory_space<hbm>> -> memref<80xi32, #tpu.memory_space<hbm>>
      tpu.wait_dma2 semaphore(%arg12 : memref<!tpu.dma_semaphore, #tpu.memory_space<semaphore_mem>>) src(%dma_wait3A_88 : memref<80xi32, #tpu.memory_space<hbm>>) dst(%arg6 : memref<80xi32, #tpu.memory_space<vmem>>)
      %dma_start3A_89 = arith.constant 0 : i32
      %dma_start3A_90 = tpu.memref_slice %arg17[%dma_start3A_89] : memref<10240xf32, #tpu.memory_space<vmem_shared>> -> memref<10240xf32, #tpu.memory_space<vmem_shared>>
      tpu.enqueue_indirect_dma source(%arg10 : memref<80xf32, #tpu.memory_space<vmem>>) target(%dma_start3A_90 : memref<10240xf32, #tpu.memory_space<vmem_shared>>) offsets(%arg6 : memref<80xi32, #tpu.memory_space<vmem>>) semaphore(%arg16 : memref<!tpu.dma_semaphore, #tpu.memory_space<semaphore_mem>>) {add = true}
      %dma_wait3A_91 = tpu.memref_slice %arg2[%add3A_76] : memref<320000xi32, #tpu.memory_space<hbm>> -> memref<80xi32, #tpu.memory_space<hbm>>
      %dma_wait3A_92 = tpu.memref_slice %arg2[%add3A_76] : memref<320000xi32, #tpu.memory_space<hbm>> -> memref<80xi32, #tpu.memory_space<hbm>>
      tpu.wait_dma2 semaphore(%arg13 : memref<!tpu.dma_semaphore, #tpu.memory_space<semaphore_mem>>) src(%dma_wait3A_92 : memref<80xi32, #tpu.memory_space<hbm>>) dst(%arg7 : memref<80xi32, #tpu.memory_space<vmem>>)
      %dma_start3A_93 = arith.constant 0 : i32
      %dma_start3A_94 = tpu.memref_slice %arg17[%dma_start3A_93] : memref<10240xf32, #tpu.memory_space<vmem_shared>> -> memref<10240xf32, #tpu.memory_space<vmem_shared>>
      tpu.enqueue_indirect_dma source(%arg10 : memref<80xf32, #tpu.memory_space<vmem>>) target(%dma_start3A_94 : memref<10240xf32, #tpu.memory_space<vmem_shared>>) offsets(%arg7 : memref<80xi32, #tpu.memory_space<vmem>>) semaphore(%arg16 : memref<!tpu.dma_semaphore, #tpu.memory_space<semaphore_mem>>) {add = true}
      %dma_wait3A_95 = tpu.memref_slice %arg2[%add3A_80] : memref<320000xi32, #tpu.memory_space<hbm>> -> memref<80xi32, #tpu.memory_space<hbm>>
      %dma_wait3A_96 = tpu.memref_slice %arg2[%add3A_80] : memref<320000xi32, #tpu.memory_space<hbm>> -> memref<80xi32, #tpu.memory_space<hbm>>
      tpu.wait_dma2 semaphore(%arg14 : memref<!tpu.dma_semaphore, #tpu.memory_space<semaphore_mem>>) src(%dma_wait3A_96 : memref<80xi32, #tpu.memory_space<hbm>>) dst(%arg8 : memref<80xi32, #tpu.memory_space<vmem>>)
      %dma_start3A_97 = arith.constant 0 : i32
      %dma_start3A_98 = tpu.memref_slice %arg17[%dma_start3A_97] : memref<10240xf32, #tpu.memory_space<vmem_shared>> -> memref<10240xf32, #tpu.memory_space<vmem_shared>>
      tpu.enqueue_indirect_dma source(%arg10 : memref<80xf32, #tpu.memory_space<vmem>>) target(%dma_start3A_98 : memref<10240xf32, #tpu.memory_space<vmem_shared>>) offsets(%arg8 : memref<80xi32, #tpu.memory_space<vmem>>) semaphore(%arg16 : memref<!tpu.dma_semaphore, #tpu.memory_space<semaphore_mem>>) {add = true}
      %dma_wait3A_99 = tpu.memref_slice %arg2[%add3A_84] : memref<320000xi32, #tpu.memory_space<hbm>> -> memref<80xi32, #tpu.memory_space<hbm>>
      %dma_wait3A_100 = tpu.memref_slice %arg2[%add3A_84] : memref<320000xi32, #tpu.memory_space<hbm>> -> memref<80xi32, #tpu.memory_space<hbm>>
      tpu.wait_dma2 semaphore(%arg15 : memref<!tpu.dma_semaphore, #tpu.memory_space<semaphore_mem>>) src(%dma_wait3A_100 : memref<80xi32, #tpu.memory_space<hbm>>) dst(%arg9 : memref<80xi32, #tpu.memory_space<vmem>>)
      %dma_start3A_101 = arith.constant 0 : i32
      %dma_start3A_102 = tpu.memref_slice %arg17[%dma_start3A_101] : memref<10240xf32, #tpu.memory_space<vmem_shared>> -> memref<10240xf32, #tpu.memory_space<vmem_shared>>
      tpu.enqueue_indirect_dma source(%arg10 : memref<80xf32, #tpu.memory_space<vmem>>) target(%dma_start3A_102 : memref<10240xf32, #tpu.memory_space<vmem_shared>>) offsets(%arg9 : memref<80xi32, #tpu.memory_space<vmem>>) semaphore(%arg16 : memref<!tpu.dma_semaphore, #tpu.memory_space<semaphore_mem>>) {add = true}
      %dma_wait3A_103 = arith.constant 0 : i32
      %dma_wait3A_104 = tpu.memref_slice %arg17[%dma_wait3A_103] : memref<10240xf32, #tpu.memory_space<vmem_shared>> -> memref<10240xf32, #tpu.memory_space<vmem_shared>>
      tpu.wait_indirect_dma semaphore(%arg16 : memref<!tpu.dma_semaphore, #tpu.memory_space<semaphore_mem>>) src(%arg10 : memref<80xf32, #tpu.memory_space<vmem>>) dst(%dma_wait3A_104 : memref<10240xf32, #tpu.memory_space<vmem_shared>>)
      %dma_wait3A_105 = arith.constant 0 : i32
      %dma_wait3A_106 = tpu.memref_slice %arg17[%dma_wait3A_105] : memref<10240xf32, #tpu.memory_space<vmem_shared>> -> memref<10240xf32, #tpu.memory_space<vmem_shared>>
      tpu.wait_indirect_dma semaphore(%arg16 : memref<!tpu.dma_semaphore, #tpu.memory_space<semaphore_mem>>) src(%arg10 : memref<80xf32, #tpu.memory_space<vmem>>) dst(%dma_wait3A_106 : memref<10240xf32, #tpu.memory_space<vmem_shared>>)
      %dma_wait3A_107 = arith.constant 0 : i32
      %dma_wait3A_108 = tpu.memref_slice %arg17[%dma_wait3A_107] : memref<10240xf32, #tpu.memory_space<vmem_shared>> -> memref<10240xf32, #tpu.memory_space<vmem_shared>>
      tpu.wait_indirect_dma semaphore(%arg16 : memref<!tpu.dma_semaphore, #tpu.memory_space<semaphore_mem>>) src(%arg10 : memref<80xf32, #tpu.memory_space<vmem>>) dst(%dma_wait3A_108 : memref<10240xf32, #tpu.memory_space<vmem_shared>>)
      %dma_wait3A_109 = arith.constant 0 : i32
      %dma_wait3A_110 = tpu.memref_slice %arg17[%dma_wait3A_109] : memref<10240xf32, #tpu.memory_space<vmem_shared>> -> memref<10240xf32, #tpu.memory_space<vmem_shared>>
      tpu.wait_indirect_dma semaphore(%arg16 : memref<!tpu.dma_semaphore, #tpu.memory_space<semaphore_mem>>) src(%arg10 : memref<80xf32, #tpu.memory_space<vmem>>) dst(%dma_wait3A_110 : memref<10240xf32, #tpu.memory_space<vmem_shared>>)
      %scan3A_111 = arith.constant 0 : i32
      scf.yield %scan3A_111 : i32
    }
    %scan3A_24 = arith.constant 31 : i32
    %mul3A_25 = arith.constant 10000 : i32
    %mul3A_26 = arith.muli %add3A, %mul3A_25 : i32
    %add3A_27 = arith.constant 9920 : i32
    %add3A_28 = arith.addi %mul3A_26, %add3A_27 : i32
    %add3A_29 = arith.constant 0 : i32
    %add3A_30 = arith.addi %add3A_28, %add3A_29 : i32
    %dma_start3A = tpu.memref_slice %arg2[%add3A_30] : memref<320000xi32, #tpu.memory_space<hbm>> -> memref<80xi32, #tpu.memory_space<hbm>>
    %dma_start3A_31 = tpu.memref_slice %arg2[%add3A_30] : memref<320000xi32, #tpu.memory_space<hbm>> -> memref<80xi32, #tpu.memory_space<hbm>>
    tpu.enqueue_dma source(%dma_start3A_31 : memref<80xi32, #tpu.memory_space<hbm>>) target(%arg6 : memref<80xi32, #tpu.memory_space<vmem>>) target_semaphore(%arg12 : memref<!tpu.dma_semaphore, #tpu.memory_space<semaphore_mem>>)
    %dma_wait3A = tpu.memref_slice %arg2[%add3A_30] : memref<320000xi32, #tpu.memory_space<hbm>> -> memref<80xi32, #tpu.memory_space<hbm>>
    %dma_wait3A_32 = tpu.memref_slice %arg2[%add3A_30] : memref<320000xi32, #tpu.memory_space<hbm>> -> memref<80xi32, #tpu.memory_space<hbm>>
    tpu.wait_dma2 semaphore(%arg12 : memref<!tpu.dma_semaphore, #tpu.memory_space<semaphore_mem>>) src(%dma_wait3A_32 : memref<80xi32, #tpu.memory_space<hbm>>) dst(%arg6 : memref<80xi32, #tpu.memory_space<vmem>>)
    %dma_start3A_33 = arith.constant 0 : i32
    %dma_start3A_34 = tpu.memref_slice %arg17[%dma_start3A_33] : memref<10240xf32, #tpu.memory_space<vmem_shared>> -> memref<10240xf32, #tpu.memory_space<vmem_shared>>
    tpu.enqueue_indirect_dma source(%arg10 : memref<80xf32, #tpu.memory_space<vmem>>) target(%dma_start3A_34 : memref<10240xf32, #tpu.memory_space<vmem_shared>>) offsets(%arg6 : memref<80xi32, #tpu.memory_space<vmem>>) semaphore(%arg16 : memref<!tpu.dma_semaphore, #tpu.memory_space<semaphore_mem>>) {add = true}
    %dma_wait3A_35 = arith.constant 0 : i32
    %dma_wait3A_36 = tpu.memref_slice %arg17[%dma_wait3A_35] : memref<10240xf32, #tpu.memory_space<vmem_shared>> -> memref<10240xf32, #tpu.memory_space<vmem_shared>>
    tpu.wait_indirect_dma semaphore(%arg16 : memref<!tpu.dma_semaphore, #tpu.memory_space<semaphore_mem>>) src(%arg10 : memref<80xf32, #tpu.memory_space<vmem>>) dst(%dma_wait3A_36 : memref<10240xf32, #tpu.memory_space<vmem_shared>>)
    %mul3A_37 = arith.constant 160 : i32
    %mul3A_38 = arith.muli %add3A, %mul3A_37 : i32
    %add3A_39 = arith.constant 0 : i32
    %add3A_40 = arith.addi %mul3A_38, %add3A_39 : i32
    %dma_start3A_41 = tpu.memref_slice %arg3[%add3A_40] : memref<5120xi32, #tpu.memory_space<hbm>> -> memref<80xi32, #tpu.memory_space<hbm>>
    %dma_start3A_42 = tpu.memref_slice %arg3[%add3A_40] : memref<5120xi32, #tpu.memory_space<hbm>> -> memref<80xi32, #tpu.memory_space<hbm>>
    tpu.enqueue_dma source(%dma_start3A_42 : memref<80xi32, #tpu.memory_space<hbm>>) target(%arg6 : memref<80xi32, #tpu.memory_space<vmem>>) target_semaphore(%arg12 : memref<!tpu.dma_semaphore, #tpu.memory_space<semaphore_mem>>)
    %add3A_43 = arith.constant 80 : i32
    %add3A_44 = arith.addi %mul3A_38, %add3A_43 : i32
    %dma_start3A_45 = tpu.memref_slice %arg3[%add3A_44] : memref<5120xi32, #tpu.memory_space<hbm>> -> memref<80xi32, #tpu.memory_space<hbm>>
    %dma_start3A_46 = tpu.memref_slice %arg3[%add3A_44] : memref<5120xi32, #tpu.memory_space<hbm>> -> memref<80xi32, #tpu.memory_space<hbm>>
    tpu.enqueue_dma source(%dma_start3A_46 : memref<80xi32, #tpu.memory_space<hbm>>) target(%arg7 : memref<80xi32, #tpu.memory_space<vmem>>) target_semaphore(%arg13 : memref<!tpu.dma_semaphore, #tpu.memory_space<semaphore_mem>>)
    %dma_wait3A_47 = tpu.memref_slice %arg3[%add3A_40] : memref<5120xi32, #tpu.memory_space<hbm>> -> memref<80xi32, #tpu.memory_space<hbm>>
    %dma_wait3A_48 = tpu.memref_slice %arg3[%add3A_40] : memref<5120xi32, #tpu.memory_space<hbm>> -> memref<80xi32, #tpu.memory_space<hbm>>
    tpu.wait_dma2 semaphore(%arg12 : memref<!tpu.dma_semaphore, #tpu.memory_space<semaphore_mem>>) src(%dma_wait3A_48 : memref<80xi32, #tpu.memory_space<hbm>>) dst(%arg6 : memref<80xi32, #tpu.memory_space<vmem>>)
    %dma_start3A_49 = arith.constant 0 : i32
    %dma_start3A_50 = tpu.memref_slice %arg18[%dma_start3A_49] : memref<10240xf32, #tpu.memory_space<vmem_shared>> -> memref<10240xf32, #tpu.memory_space<vmem_shared>>
    tpu.enqueue_indirect_dma source(%arg10 : memref<80xf32, #tpu.memory_space<vmem>>) target(%dma_start3A_50 : memref<10240xf32, #tpu.memory_space<vmem_shared>>) offsets(%arg6 : memref<80xi32, #tpu.memory_space<vmem>>) semaphore(%arg16 : memref<!tpu.dma_semaphore, #tpu.memory_space<semaphore_mem>>) {add = true}
    %dma_wait3A_51 = tpu.memref_slice %arg3[%add3A_44] : memref<5120xi32, #tpu.memory_space<hbm>> -> memref<80xi32, #tpu.memory_space<hbm>>
    %dma_wait3A_52 = tpu.memref_slice %arg3[%add3A_44] : memref<5120xi32, #tpu.memory_space<hbm>> -> memref<80xi32, #tpu.memory_space<hbm>>
    tpu.wait_dma2 semaphore(%arg13 : memref<!tpu.dma_semaphore, #tpu.memory_space<semaphore_mem>>) src(%dma_wait3A_52 : memref<80xi32, #tpu.memory_space<hbm>>) dst(%arg7 : memref<80xi32, #tpu.memory_space<vmem>>)
    %dma_start3A_53 = arith.constant 0 : i32
    %dma_start3A_54 = tpu.memref_slice %arg18[%dma_start3A_53] : memref<10240xf32, #tpu.memory_space<vmem_shared>> -> memref<10240xf32, #tpu.memory_space<vmem_shared>>
    tpu.enqueue_indirect_dma source(%arg10 : memref<80xf32, #tpu.memory_space<vmem>>) target(%dma_start3A_54 : memref<10240xf32, #tpu.memory_space<vmem_shared>>) offsets(%arg7 : memref<80xi32, #tpu.memory_space<vmem>>) semaphore(%arg16 : memref<!tpu.dma_semaphore, #tpu.memory_space<semaphore_mem>>) {add = true}
    %dma_wait3A_55 = arith.constant 0 : i32
    %dma_wait3A_56 = tpu.memref_slice %arg18[%dma_wait3A_55] : memref<10240xf32, #tpu.memory_space<vmem_shared>> -> memref<10240xf32, #tpu.memory_space<vmem_shared>>
    tpu.wait_indirect_dma semaphore(%arg16 : memref<!tpu.dma_semaphore, #tpu.memory_space<semaphore_mem>>) src(%arg10 : memref<80xf32, #tpu.memory_space<vmem>>) dst(%dma_wait3A_56 : memref<10240xf32, #tpu.memory_space<vmem_shared>>)
    %dma_wait3A_57 = arith.constant 0 : i32
    %dma_wait3A_58 = tpu.memref_slice %arg18[%dma_wait3A_57] : memref<10240xf32, #tpu.memory_space<vmem_shared>> -> memref<10240xf32, #tpu.memory_space<vmem_shared>>
    tpu.wait_indirect_dma semaphore(%arg16 : memref<!tpu.dma_semaphore, #tpu.memory_space<semaphore_mem>>) src(%arg10 : memref<80xf32, #tpu.memory_space<vmem>>) dst(%dma_wait3A_58 : memref<10240xf32, #tpu.memory_space<vmem_shared>>)
    %barrier3A_59 = arith.constant 0 : index
    tpu.barrier barrier_id(%barrier3A_59)
    %mul3A_60 = arith.constant 640 : i32
    %mul3A_61 = arith.muli %arg1, %mul3A_60 : i32
    "tpu.region"() ({
      %run_scoped3A = tpu.sem_alloc : memref<!tpu.dma_semaphore, #tpu.memory_space<semaphore_mem>>
      %dma_start3A_62 = tpu.memref_slice %arg4[%arg0, %mul3A_61] : memref<2x10240xf32, #tpu.memory_space<hbm>> -> memref<1x640xf32, #tpu.memory_space<hbm>>
      %dma_start3A_63 = tpu.memref_squeeze %dma_start3A_62 : memref<1x640xf32, #tpu.memory_space<hbm>> -> memref<640xf32, #tpu.memory_space<hbm>>
      %dma_start3A_64 = tpu.memref_slice %arg17[%mul3A_61] : memref<10240xf32, #tpu.memory_space<vmem_shared>> -> memref<640xf32, #tpu.memory_space<vmem_shared>>
      tpu.enqueue_dma source(%dma_start3A_64 : memref<640xf32, #tpu.memory_space<vmem_shared>>) target(%dma_start3A_63 : memref<640xf32, #tpu.memory_space<hbm>>) target_semaphore(%run_scoped3A : memref<!tpu.dma_semaphore, #tpu.memory_space<semaphore_mem>>)
      %dma_wait3A_65 = tpu.memref_slice %arg4[%arg0, %mul3A_61] : memref<2x10240xf32, #tpu.memory_space<hbm>> -> memref<1x640xf32, #tpu.memory_space<hbm>>
      %dma_wait3A_66 = tpu.memref_squeeze %dma_wait3A_65 : memref<1x640xf32, #tpu.memory_space<hbm>> -> memref<640xf32, #tpu.memory_space<hbm>>
      %dma_wait3A_67 = tpu.memref_slice %arg17[%mul3A_61] : memref<10240xf32, #tpu.memory_space<vmem_shared>> -> memref<640xf32, #tpu.memory_space<vmem_shared>>
      tpu.wait_dma2 semaphore(%run_scoped3A : memref<!tpu.dma_semaphore, #tpu.memory_space<semaphore_mem>>) src(%dma_wait3A_67 : memref<640xf32, #tpu.memory_space<vmem_shared>>) dst(%dma_wait3A_66 : memref<640xf32, #tpu.memory_space<hbm>>)
      tpu.yield
    }) : () -> ()
    "tpu.region"() ({
      %run_scoped3A = tpu.sem_alloc : memref<!tpu.dma_semaphore, #tpu.memory_space<semaphore_mem>>
      %dma_start3A_62 = tpu.memref_slice %arg5[%arg0, %mul3A_61] : memref<2x10240xf32, #tpu.memory_space<hbm>> -> memref<1x640xf32, #tpu.memory_space<hbm>>
      %dma_start3A_63 = tpu.memref_squeeze %dma_start3A_62 : memref<1x640xf32, #tpu.memory_space<hbm>> -> memref<640xf32, #tpu.memory_space<hbm>>
      %dma_start3A_64 = tpu.memref_slice %arg18[%mul3A_61] : memref<10240xf32, #tpu.memory_space<vmem_shared>> -> memref<640xf32, #tpu.memory_space<vmem_shared>>
      tpu.enqueue_dma source(%dma_start3A_64 : memref<640xf32, #tpu.memory_space<vmem_shared>>) target(%dma_start3A_63 : memref<640xf32, #tpu.memory_space<hbm>>) target_semaphore(%run_scoped3A : memref<!tpu.dma_semaphore, #tpu.memory_space<semaphore_mem>>)
      %dma_wait3A_65 = tpu.memref_slice %arg5[%arg0, %mul3A_61] : memref<2x10240xf32, #tpu.memory_space<hbm>> -> memref<1x640xf32, #tpu.memory_space<hbm>>
      %dma_wait3A_66 = tpu.memref_squeeze %dma_wait3A_65 : memref<1x640xf32, #tpu.memory_space<hbm>> -> memref<640xf32, #tpu.memory_space<hbm>>
      %dma_wait3A_67 = tpu.memref_slice %arg18[%mul3A_61] : memref<10240xf32, #tpu.memory_space<vmem_shared>> -> memref<640xf32, #tpu.memory_space<vmem_shared>>
      tpu.wait_dma2 semaphore(%run_scoped3A : memref<!tpu.dma_semaphore, #tpu.memory_space<semaphore_mem>>) src(%dma_wait3A_67 : memref<640xf32, #tpu.memory_space<vmem_shared>>) dst(%dma_wait3A_66 : memref<640xf32, #tpu.memory_space<hbm>>)
      tpu.yield
    }) : () -> ()
    return
  }
}

#map = affine_map<(d0, d1) -> (0, 0)>
#map1 = affine_map<(d0, d1) -> (0)>
#map2 = affine_map<(d0, d1) -> (0, 0, 0)>
module attributes {stable_mosaic.version = 14 : i64} {
  func.func @k(%arg0: i32, %arg1: i32, %arg2: memref<10000x128xf32, #tpu.memory_space<hbm>>, %arg3: memref<320000xi32, #tpu.memory_space<hbm>>, %arg4: memref<320000xi32, #tpu.memory_space<hbm>>, %arg5: memref<2x10240x128xf32, #tpu.memory_space<hbm>>, %arg6: memref<80xi32, #tpu.memory_space<vmem>>, %arg7: memref<80xi32, #tpu.memory_space<vmem>>, %arg8: memref<80xi32, #tpu.memory_space<vmem>>, %arg9: memref<80xi32, #tpu.memory_space<vmem>>, %arg10: memref<80xi32, #tpu.memory_space<vmem>>, %arg11: memref<80xi32, #tpu.memory_space<vmem>>, %arg12: memref<80xi32, #tpu.memory_space<vmem>>, %arg13: memref<80xi32, #tpu.memory_space<vmem>>, %arg14: memref<80x128xf32, #tpu.memory_space<vmem>>, %arg15: memref<80x128xf32, #tpu.memory_space<vmem>>, %arg16: memref<80x128xf32, #tpu.memory_space<vmem>>, %arg17: memref<80x128xf32, #tpu.memory_space<vmem>>, %arg18: memref<!tpu.dma_semaphore, #tpu.memory_space<semaphore_mem>>, %arg19: memref<!tpu.dma_semaphore, #tpu.memory_space<semaphore_mem>>, %arg20: memref<!tpu.dma_semaphore, #tpu.memory_space<semaphore_mem>>, %arg21: memref<!tpu.dma_semaphore, #tpu.memory_space<semaphore_mem>>, %arg22: memref<!tpu.dma_semaphore, #tpu.memory_space<semaphore_mem>>, %arg23: memref<!tpu.dma_semaphore, #tpu.memory_space<semaphore_mem>>, %arg24: memref<!tpu.dma_semaphore, #tpu.memory_space<semaphore_mem>>, %arg25: memref<!tpu.dma_semaphore, #tpu.memory_space<semaphore_mem>>, %arg26: memref<!tpu.dma_semaphore, #tpu.memory_space<semaphore_mem>>, %arg27: memref<!tpu.dma_semaphore, #tpu.memory_space<semaphore_mem>>, %arg28: memref<!tpu.dma_semaphore, #tpu.memory_space<semaphore_mem>>, %arg29: memref<!tpu.dma_semaphore, #tpu.memory_space<semaphore_mem>>, %arg30: memref<!tpu.dma_semaphore, #tpu.memory_space<semaphore_mem>>, %arg31: memref<10240x128xf32, #tpu.memory_space<vmem_shared>>) attributes {dimension_semantics = [#tpu.dimension_semantics<core_parallel>, #tpu.dimension_semantics<subcore_parallel>], iteration_bounds = array<i64: 2, 16>, scalar_prefetch = 0 : i64, scratch_operands = 26 : i64, tpu.core_type = #tpu.core_type<sc_vector_subcore>, window_params = [{transform_indices = #map}, {transform_indices = #map1}, {transform_indices = #map1}, {transform_indices = #map2}]} {
    %mul3A = arith.constant 2 : i32
    %mul3A_0 = arith.muli %arg1, %mul3A : i32
    %add3A = arith.addi %mul3A_0, %arg0 : i32
    %mul3A_1 = arith.constant 10000 : i32
    %mul3A_2 = arith.muli %add3A, %mul3A_1 : i32
    %scan3A = arith.constant 0 : i32
    %scan3A_3 = arith.constant 0 : i32
    %scan3A_4 = arith.constant 640 : i32
    %scan3A_5 = arith.addi %scan3A_3, %scan3A_4 : i32
    %scan3A_6 = arith.constant 1 : i32
    %scan3A_7 = scf.for %scan3A_105 = %scan3A_3 to %scan3A_5 step %scan3A_6 iter_args(%scan3A_106 = %scan3A) -> (i32)  : i32 {
      %broadcast_in_dim3A = arith.constant 0.000000e+00 : f32
      %broadcast_in_dim3A_107 = vector.broadcast %broadcast_in_dim3A : f32 to vector<16xf32>
      %jit3A = arith.constant 8 : i32
      %div3A = arith.divsi %scan3A_105, %jit3A : i32
      %sign3A = arith.constant 0 : i32
      %sign3A_108 = arith.cmpi sgt, %scan3A_105, %sign3A : i32
      %sign3A_109 = arith.extui %sign3A_108 : i1 to i32
      %sign3A_110 = arith.constant 0 : i32
      %sign3A_111 = arith.cmpi slt, %scan3A_105, %sign3A_110 : i32
      %sign3A_112 = arith.extui %sign3A_111 : i1 to i32
      %sign3A_113 = arith.subi %sign3A_109, %sign3A_112 : i32
      %sign3A_114 = arith.constant 0 : i32
      %sign3A_115 = arith.cmpi sgt, %jit3A, %sign3A_114 : i32
      %sign3A_116 = arith.extui %sign3A_115 : i1 to i32
      %sign3A_117 = arith.constant 0 : i32
      %sign3A_118 = arith.cmpi slt, %jit3A, %sign3A_117 : i32
      %sign3A_119 = arith.extui %sign3A_118 : i1 to i32
      %sign3A_120 = arith.subi %sign3A_116, %sign3A_119 : i32
      %ne3A = arith.cmpi ne, %sign3A_113, %sign3A_120 : i32
      %rem3A = arith.remsi %scan3A_105, %jit3A : i32
      %ne3A_121 = arith.constant 0 : i32
      %ne3A_122 = arith.cmpi ne, %rem3A, %ne3A_121 : i32
      %and3A = arith.andi %ne3A, %ne3A_122 : i1
      %sub3A = arith.constant 1 : i32
      %sub3A_123 = arith.subi %div3A, %sub3A : i32
      %select_n3A = arith.select %and3A, %sub3A_123, %div3A : i32
      %jit3A_124 = arith.constant 8 : i32
      %eq3A = arith.constant 0 : i32
      %eq3A_125 = arith.cmpi eq, %jit3A_124, %eq3A : i32
      %jit3A_126 = arith.constant 1 : i32
      %select_n3A_127 = arith.select %eq3A_125, %jit3A_126, %jit3A_124 : i32
      %rem3A_128 = arith.remsi %scan3A_105, %select_n3A_127 : i32
      %ne3A_129 = arith.constant 0 : i32
      %ne3A_130 = arith.cmpi ne, %rem3A_128, %ne3A_129 : i32
      %lt3A = arith.constant 0 : i32
      %lt3A_131 = arith.cmpi slt, %rem3A_128, %lt3A : i32
      %lt3A_132 = arith.constant 0 : i32
      %lt3A_133 = arith.cmpi slt, %select_n3A_127, %lt3A_132 : i32
      %ne3A_134 = arith.xori %lt3A_131, %lt3A_133 : i1
      %and3A_135 = arith.andi %ne3A_134, %ne3A_130 : i1
      %add3A_136 = arith.addi %rem3A_128, %select_n3A_127 : i32
      %select_n3A_137 = arith.select %and3A_135, %add3A_136, %rem3A_128 : i32
      %mul3A_138 = arith.constant 16 : i32
      %mul3A_139 = arith.muli %select_n3A_137, %mul3A_138 : i32
      %swap3A = arith.index_cast %select_n3A : i32 to index
      %swap3A_140 = arith.index_cast %mul3A_139 : i32 to index
      %swap3A_141 = tpu.vector_load %arg14[%swap3A, %swap3A_140] {strides = array<i32>} : memref<80x128xf32, #tpu.memory_space<vmem>>, vector<1x16xf32>,
      %swap3A_142 = vector.shape_cast %swap3A_141 : vector<1x16xf32> to vector<16xf32>
      %swap3A_143 = vector.shape_cast %broadcast_in_dim3A_107 : vector<16xf32> to vector<1x16xf32>
      tpu.vector_store %arg14[%swap3A, %swap3A_140], %swap3A_143 {strides = array<i32>} : memref<80x128xf32, #tpu.memory_space<vmem>>, vector<1x16xf32>,
      %scan3A_144 = arith.constant 0 : i32
      scf.yield %scan3A_144 : i32
    }
    %scan3A_8 = arith.constant 640 : i32
    %mul3A_9 = arith.constant 640 : i32
    %mul3A_10 = arith.muli %arg1, %mul3A_9 : i32
    %add3A_11 = arith.constant 0 : i32
    %add3A_12 = arith.addi %mul3A_10, %add3A_11 : i32
    "tpu.region"() ({
      %run_scoped3A = tpu.sem_alloc : memref<!tpu.dma_semaphore, #tpu.memory_space<semaphore_mem>>
      %dma_start3A_105 = arith.constant 0 : i32
      %dma_start3A_106 = tpu.memref_slice %arg31[%add3A_12, %dma_start3A_105] : memref<10240x128xf32, #tpu.memory_space<vmem_shared>> -> memref<80x128xf32, #tpu.memory_space<vmem_shared>>
      %dma_start3A_107 = arith.constant 0 : i32
      %dma_start3A_108 = tpu.memref_slice %arg31[%add3A_12, %dma_start3A_107] : memref<10240x128xf32, #tpu.memory_space<vmem_shared>> -> memref<80x128xf32, #tpu.memory_space<vmem_shared>>
      tpu.enqueue_dma source(%arg14 : memref<80x128xf32, #tpu.memory_space<vmem>>) target(%dma_start3A_108 : memref<80x128xf32, #tpu.memory_space<vmem_shared>>) target_semaphore(%run_scoped3A : memref<!tpu.dma_semaphore, #tpu.memory_space<semaphore_mem>>)
      %dma_wait3A_109 = arith.constant 0 : i32
      %dma_wait3A_110 = tpu.memref_slice %arg31[%add3A_12, %dma_wait3A_109] : memref<10240x128xf32, #tpu.memory_space<vmem_shared>> -> memref<80x128xf32, #tpu.memory_space<vmem_shared>>
      %dma_wait3A_111 = arith.constant 0 : i32
      %dma_wait3A_112 = tpu.memref_slice %arg31[%add3A_12, %dma_wait3A_111] : memref<10240x128xf32, #tpu.memory_space<vmem_shared>> -> memref<80x128xf32, #tpu.memory_space<vmem_shared>>
      tpu.wait_dma2 semaphore(%run_scoped3A : memref<!tpu.dma_semaphore, #tpu.memory_space<semaphore_mem>>) src(%arg14 : memref<80x128xf32, #tpu.memory_space<vmem>>) dst(%dma_wait3A_112 : memref<80x128xf32, #tpu.memory_space<vmem_shared>>)
      tpu.yield
    }) : () -> ()
    %mul3A_13 = arith.constant 640 : i32
    %mul3A_14 = arith.muli %arg1, %mul3A_13 : i32
    %add3A_15 = arith.constant 80 : i32
    %add3A_16 = arith.addi %mul3A_14, %add3A_15 : i32
    "tpu.region"() ({
      %run_scoped3A = tpu.sem_alloc : memref<!tpu.dma_semaphore, #tpu.memory_space<semaphore_mem>>
      %dma_start3A_105 = arith.constant 0 : i32
      %dma_start3A_106 = tpu.memref_slice %arg31[%add3A_16, %dma_start3A_105] : memref<10240x128xf32, #tpu.memory_space<vmem_shared>> -> memref<80x128xf32, #tpu.memory_space<vmem_shared>>
      %dma_start3A_107 = arith.constant 0 : i32
      %dma_start3A_108 = tpu.memref_slice %arg31[%add3A_16, %dma_start3A_107] : memref<10240x128xf32, #tpu.memory_space<vmem_shared>> -> memref<80x128xf32, #tpu.memory_space<vmem_shared>>
      tpu.enqueue_dma source(%arg14 : memref<80x128xf32, #tpu.memory_space<vmem>>) target(%dma_start3A_108 : memref<80x128xf32, #tpu.memory_space<vmem_shared>>) target_semaphore(%run_scoped3A : memref<!tpu.dma_semaphore, #tpu.memory_space<semaphore_mem>>)
      %dma_wait3A_109 = arith.constant 0 : i32
      %dma_wait3A_110 = tpu.memref_slice %arg31[%add3A_16, %dma_wait3A_109] : memref<10240x128xf32, #tpu.memory_space<vmem_shared>> -> memref<80x128xf32, #tpu.memory_space<vmem_shared>>
      %dma_wait3A_111 = arith.constant 0 : i32
      %dma_wait3A_112 = tpu.memref_slice %arg31[%add3A_16, %dma_wait3A_111] : memref<10240x128xf32, #tpu.memory_space<vmem_shared>> -> memref<80x128xf32, #tpu.memory_space<vmem_shared>>
      tpu.wait_dma2 semaphore(%run_scoped3A : memref<!tpu.dma_semaphore, #tpu.memory_space<semaphore_mem>>) src(%arg14 : memref<80x128xf32, #tpu.memory_space<vmem>>) dst(%dma_wait3A_112 : memref<80x128xf32, #tpu.memory_space<vmem_shared>>)
      tpu.yield
    }) : () -> ()
    %mul3A_17 = arith.constant 640 : i32
    %mul3A_18 = arith.muli %arg1, %mul3A_17 : i32
    %add3A_19 = arith.constant 160 : i32
    %add3A_20 = arith.addi %mul3A_18, %add3A_19 : i32
    "tpu.region"() ({
      %run_scoped3A = tpu.sem_alloc : memref<!tpu.dma_semaphore, #tpu.memory_space<semaphore_mem>>
      %dma_start3A_105 = arith.constant 0 : i32
      %dma_start3A_106 = tpu.memref_slice %arg31[%add3A_20, %dma_start3A_105] : memref<10240x128xf32, #tpu.memory_space<vmem_shared>> -> memref<80x128xf32, #tpu.memory_space<vmem_shared>>
      %dma_start3A_107 = arith.constant 0 : i32
      %dma_start3A_108 = tpu.memref_slice %arg31[%add3A_20, %dma_start3A_107] : memref<10240x128xf32, #tpu.memory_space<vmem_shared>> -> memref<80x128xf32, #tpu.memory_space<vmem_shared>>
      tpu.enqueue_dma source(%arg14 : memref<80x128xf32, #tpu.memory_space<vmem>>) target(%dma_start3A_108 : memref<80x128xf32, #tpu.memory_space<vmem_shared>>) target_semaphore(%run_scoped3A : memref<!tpu.dma_semaphore, #tpu.memory_space<semaphore_mem>>)
      %dma_wait3A_109 = arith.constant 0 : i32
      %dma_wait3A_110 = tpu.memref_slice %arg31[%add3A_20, %dma_wait3A_109] : memref<10240x128xf32, #tpu.memory_space<vmem_shared>> -> memref<80x128xf32, #tpu.memory_space<vmem_shared>>
      %dma_wait3A_111 = arith.constant 0 : i32
      %dma_wait3A_112 = tpu.memref_slice %arg31[%add3A_20, %dma_wait3A_111] : memref<10240x128xf32, #tpu.memory_space<vmem_shared>> -> memref<80x128xf32, #tpu.memory_space<vmem_shared>>
      tpu.wait_dma2 semaphore(%run_scoped3A : memref<!tpu.dma_semaphore, #tpu.memory_space<semaphore_mem>>) src(%arg14 : memref<80x128xf32, #tpu.memory_space<vmem>>) dst(%dma_wait3A_112 : memref<80x128xf32, #tpu.memory_space<vmem_shared>>)
      tpu.yield
    }) : () -> ()
    %mul3A_21 = arith.constant 640 : i32
    %mul3A_22 = arith.muli %arg1, %mul3A_21 : i32
    %add3A_23 = arith.constant 240 : i32
    %add3A_24 = arith.addi %mul3A_22, %add3A_23 : i32
    "tpu.region"() ({
      %run_scoped3A = tpu.sem_alloc : memref<!tpu.dma_semaphore, #tpu.memory_space<semaphore_mem>>
      %dma_start3A_105 = arith.constant 0 : i32
      %dma_start3A_106 = tpu.memref_slice %arg31[%add3A_24, %dma_start3A_105] : memref<10240x128xf32, #tpu.memory_space<vmem_shared>> -> memref<80x128xf32, #tpu.memory_space<vmem_shared>>
      %dma_start3A_107 = arith.constant 0 : i32
      %dma_start3A_108 = tpu.memref_slice %arg31[%add3A_24, %dma_start3A_107] : memref<10240x128xf32, #tpu.memory_space<vmem_shared>> -> memref<80x128xf32, #tpu.memory_space<vmem_shared>>
      tpu.enqueue_dma source(%arg14 : memref<80x128xf32, #tpu.memory_space<vmem>>) target(%dma_start3A_108 : memref<80x128xf32, #tpu.memory_space<vmem_shared>>) target_semaphore(%run_scoped3A : memref<!tpu.dma_semaphore, #tpu.memory_space<semaphore_mem>>)
      %dma_wait3A_109 = arith.constant 0 : i32
      %dma_wait3A_110 = tpu.memref_slice %arg31[%add3A_24, %dma_wait3A_109] : memref<10240x128xf32, #tpu.memory_space<vmem_shared>> -> memref<80x128xf32, #tpu.memory_space<vmem_shared>>
      %dma_wait3A_111 = arith.constant 0 : i32
      %dma_wait3A_112 = tpu.memref_slice %arg31[%add3A_24, %dma_wait3A_111] : memref<10240x128xf32, #tpu.memory_space<vmem_shared>> -> memref<80x128xf32, #tpu.memory_space<vmem_shared>>
      tpu.wait_dma2 semaphore(%run_scoped3A : memref<!tpu.dma_semaphore, #tpu.memory_space<semaphore_mem>>) src(%arg14 : memref<80x128xf32, #tpu.memory_space<vmem>>) dst(%dma_wait3A_112 : memref<80x128xf32, #tpu.memory_space<vmem_shared>>)
      tpu.yield
    }) : () -> ()
    %mul3A_25 = arith.constant 640 : i32
    %mul3A_26 = arith.muli %arg1, %mul3A_25 : i32
    %add3A_27 = arith.constant 320 : i32
    %add3A_28 = arith.addi %mul3A_26, %add3A_27 : i32
    "tpu.region"() ({
      %run_scoped3A = tpu.sem_alloc : memref<!tpu.dma_semaphore, #tpu.memory_space<semaphore_mem>>
      %dma_start3A_105 = arith.constant 0 : i32
      %dma_start3A_106 = tpu.memref_slice %arg31[%add3A_28, %dma_start3A_105] : memref<10240x128xf32, #tpu.memory_space<vmem_shared>> -> memref<80x128xf32, #tpu.memory_space<vmem_shared>>
      %dma_start3A_107 = arith.constant 0 : i32
      %dma_start3A_108 = tpu.memref_slice %arg31[%add3A_28, %dma_start3A_107] : memref<10240x128xf32, #tpu.memory_space<vmem_shared>> -> memref<80x128xf32, #tpu.memory_space<vmem_shared>>
      tpu.enqueue_dma source(%arg14 : memref<80x128xf32, #tpu.memory_space<vmem>>) target(%dma_start3A_108 : memref<80x128xf32, #tpu.memory_space<vmem_shared>>) target_semaphore(%run_scoped3A : memref<!tpu.dma_semaphore, #tpu.memory_space<semaphore_mem>>)
      %dma_wait3A_109 = arith.constant 0 : i32
      %dma_wait3A_110 = tpu.memref_slice %arg31[%add3A_28, %dma_wait3A_109] : memref<10240x128xf32, #tpu.memory_space<vmem_shared>> -> memref<80x128xf32, #tpu.memory_space<vmem_shared>>
      %dma_wait3A_111 = arith.constant 0 : i32
      %dma_wait3A_112 = tpu.memref_slice %arg31[%add3A_28, %dma_wait3A_111] : memref<10240x128xf32, #tpu.memory_space<vmem_shared>> -> memref<80x128xf32, #tpu.memory_space<vmem_shared>>
      tpu.wait_dma2 semaphore(%run_scoped3A : memref<!tpu.dma_semaphore, #tpu.memory_space<semaphore_mem>>) src(%arg14 : memref<80x128xf32, #tpu.memory_space<vmem>>) dst(%dma_wait3A_112 : memref<80x128xf32, #tpu.memory_space<vmem_shared>>)
      tpu.yield
    }) : () -> ()
    %mul3A_29 = arith.constant 640 : i32
    %mul3A_30 = arith.muli %arg1, %mul3A_29 : i32
    %add3A_31 = arith.constant 400 : i32
    %add3A_32 = arith.addi %mul3A_30, %add3A_31 : i32
    "tpu.region"() ({
      %run_scoped3A = tpu.sem_alloc : memref<!tpu.dma_semaphore, #tpu.memory_space<semaphore_mem>>
      %dma_start3A_105 = arith.constant 0 : i32
      %dma_start3A_106 = tpu.memref_slice %arg31[%add3A_32, %dma_start3A_105] : memref<10240x128xf32, #tpu.memory_space<vmem_shared>> -> memref<80x128xf32, #tpu.memory_space<vmem_shared>>
      %dma_start3A_107 = arith.constant 0 : i32
      %dma_start3A_108 = tpu.memref_slice %arg31[%add3A_32, %dma_start3A_107] : memref<10240x128xf32, #tpu.memory_space<vmem_shared>> -> memref<80x128xf32, #tpu.memory_space<vmem_shared>>
      tpu.enqueue_dma source(%arg14 : memref<80x128xf32, #tpu.memory_space<vmem>>) target(%dma_start3A_108 : memref<80x128xf32, #tpu.memory_space<vmem_shared>>) target_semaphore(%run_scoped3A : memref<!tpu.dma_semaphore, #tpu.memory_space<semaphore_mem>>)
      %dma_wait3A_109 = arith.constant 0 : i32
      %dma_wait3A_110 = tpu.memref_slice %arg31[%add3A_32, %dma_wait3A_109] : memref<10240x128xf32, #tpu.memory_space<vmem_shared>> -> memref<80x128xf32, #tpu.memory_space<vmem_shared>>
      %dma_wait3A_111 = arith.constant 0 : i32
      %dma_wait3A_112 = tpu.memref_slice %arg31[%add3A_32, %dma_wait3A_111] : memref<10240x128xf32, #tpu.memory_space<vmem_shared>> -> memref<80x128xf32, #tpu.memory_space<vmem_shared>>
      tpu.wait_dma2 semaphore(%run_scoped3A : memref<!tpu.dma_semaphore, #tpu.memory_space<semaphore_mem>>) src(%arg14 : memref<80x128xf32, #tpu.memory_space<vmem>>) dst(%dma_wait3A_112 : memref<80x128xf32, #tpu.memory_space<vmem_shared>>)
      tpu.yield
    }) : () -> ()
    %mul3A_33 = arith.constant 640 : i32
    %mul3A_34 = arith.muli %arg1, %mul3A_33 : i32
    %add3A_35 = arith.constant 480 : i32
    %add3A_36 = arith.addi %mul3A_34, %add3A_35 : i32
    "tpu.region"() ({
      %run_scoped3A = tpu.sem_alloc : memref<!tpu.dma_semaphore, #tpu.memory_space<semaphore_mem>>
      %dma_start3A_105 = arith.constant 0 : i32
      %dma_start3A_106 = tpu.memref_slice %arg31[%add3A_36, %dma_start3A_105] : memref<10240x128xf32, #tpu.memory_space<vmem_shared>> -> memref<80x128xf32, #tpu.memory_space<vmem_shared>>
      %dma_start3A_107 = arith.constant 0 : i32
      %dma_start3A_108 = tpu.memref_slice %arg31[%add3A_36, %dma_start3A_107] : memref<10240x128xf32, #tpu.memory_space<vmem_shared>> -> memref<80x128xf32, #tpu.memory_space<vmem_shared>>
      tpu.enqueue_dma source(%arg14 : memref<80x128xf32, #tpu.memory_space<vmem>>) target(%dma_start3A_108 : memref<80x128xf32, #tpu.memory_space<vmem_shared>>) target_semaphore(%run_scoped3A : memref<!tpu.dma_semaphore, #tpu.memory_space<semaphore_mem>>)
      %dma_wait3A_109 = arith.constant 0 : i32
      %dma_wait3A_110 = tpu.memref_slice %arg31[%add3A_36, %dma_wait3A_109] : memref<10240x128xf32, #tpu.memory_space<vmem_shared>> -> memref<80x128xf32, #tpu.memory_space<vmem_shared>>
      %dma_wait3A_111 = arith.constant 0 : i32
      %dma_wait3A_112 = tpu.memref_slice %arg31[%add3A_36, %dma_wait3A_111] : memref<10240x128xf32, #tpu.memory_space<vmem_shared>> -> memref<80x128xf32, #tpu.memory_space<vmem_shared>>
      tpu.wait_dma2 semaphore(%run_scoped3A : memref<!tpu.dma_semaphore, #tpu.memory_space<semaphore_mem>>) src(%arg14 : memref<80x128xf32, #tpu.memory_space<vmem>>) dst(%dma_wait3A_112 : memref<80x128xf32, #tpu.memory_space<vmem_shared>>)
      tpu.yield
    }) : () -> ()
    %mul3A_37 = arith.constant 640 : i32
    %mul3A_38 = arith.muli %arg1, %mul3A_37 : i32
    %add3A_39 = arith.constant 560 : i32
    %add3A_40 = arith.addi %mul3A_38, %add3A_39 : i32
    "tpu.region"() ({
      %run_scoped3A = tpu.sem_alloc : memref<!tpu.dma_semaphore, #tpu.memory_space<semaphore_mem>>
      %dma_start3A_105 = arith.constant 0 : i32
      %dma_start3A_106 = tpu.memref_slice %arg31[%add3A_40, %dma_start3A_105] : memref<10240x128xf32, #tpu.memory_space<vmem_shared>> -> memref<80x128xf32, #tpu.memory_space<vmem_shared>>
      %dma_start3A_107 = arith.constant 0 : i32
      %dma_start3A_108 = tpu.memref_slice %arg31[%add3A_40, %dma_start3A_107] : memref<10240x128xf32, #tpu.memory_space<vmem_shared>> -> memref<80x128xf32, #tpu.memory_space<vmem_shared>>
      tpu.enqueue_dma source(%arg14 : memref<80x128xf32, #tpu.memory_space<vmem>>) target(%dma_start3A_108 : memref<80x128xf32, #tpu.memory_space<vmem_shared>>) target_semaphore(%run_scoped3A : memref<!tpu.dma_semaphore, #tpu.memory_space<semaphore_mem>>)
      %dma_wait3A_109 = arith.constant 0 : i32
      %dma_wait3A_110 = tpu.memref_slice %arg31[%add3A_40, %dma_wait3A_109] : memref<10240x128xf32, #tpu.memory_space<vmem_shared>> -> memref<80x128xf32, #tpu.memory_space<vmem_shared>>
      %dma_wait3A_111 = arith.constant 0 : i32
      %dma_wait3A_112 = tpu.memref_slice %arg31[%add3A_40, %dma_wait3A_111] : memref<10240x128xf32, #tpu.memory_space<vmem_shared>> -> memref<80x128xf32, #tpu.memory_space<vmem_shared>>
      tpu.wait_dma2 semaphore(%run_scoped3A : memref<!tpu.dma_semaphore, #tpu.memory_space<semaphore_mem>>) src(%arg14 : memref<80x128xf32, #tpu.memory_space<vmem>>) dst(%dma_wait3A_112 : memref<80x128xf32, #tpu.memory_space<vmem_shared>>)
      tpu.yield
    }) : () -> ()
    %barrier3A = arith.constant 0 : index
    tpu.barrier barrier_id(%barrier3A)
    %scan3A_41 = arith.constant 0 : i32
    %scan3A_42 = arith.constant 0 : i32
    %scan3A_43 = arith.constant 31 : i32
    %scan3A_44 = arith.addi %scan3A_42, %scan3A_43 : i32
    %scan3A_45 = arith.constant 1 : i32
    %scan3A_46 = scf.for %scan3A_105 = %scan3A_42 to %scan3A_44 step %scan3A_45 iter_args(%scan3A_106 = %scan3A_41) -> (i32)  : i32 {
      %mul3A_107 = arith.constant 4 : i32
      %mul3A_108 = arith.muli %scan3A_105, %mul3A_107 : i32
      %mul3A_109 = arith.constant 80 : i32
      %mul3A_110 = arith.muli %mul3A_108, %mul3A_109 : i32
      %add3A_111 = arith.addi %mul3A_2, %mul3A_110 : i32
      %add3A_112 = arith.constant 0 : i32
      %add3A_113 = arith.addi %add3A_111, %add3A_112 : i32
      %dma_start3A_114 = tpu.memref_slice %arg3[%add3A_113] : memref<320000xi32, #tpu.memory_space<hbm>> -> memref<80xi32, #tpu.memory_space<hbm>>
      %dma_start3A_115 = tpu.memref_slice %arg3[%add3A_113] : memref<320000xi32, #tpu.memory_space<hbm>> -> memref<80xi32, #tpu.memory_space<hbm>>
      tpu.enqueue_dma source(%dma_start3A_115 : memref<80xi32, #tpu.memory_space<hbm>>) target(%arg6 : memref<80xi32, #tpu.memory_space<vmem>>) target_semaphore(%arg22 : memref<!tpu.dma_semaphore, #tpu.memory_space<semaphore_mem>>)
      %add3A_116 = arith.constant 80 : i32
      %add3A_117 = arith.addi %add3A_111, %add3A_116 : i32
      %dma_start3A_118 = tpu.memref_slice %arg3[%add3A_117] : memref<320000xi32, #tpu.memory_space<hbm>> -> memref<80xi32, #tpu.memory_space<hbm>>
      %dma_start3A_119 = tpu.memref_slice %arg3[%add3A_117] : memref<320000xi32, #tpu.memory_space<hbm>> -> memref<80xi32, #tpu.memory_space<hbm>>
      tpu.enqueue_dma source(%dma_start3A_119 : memref<80xi32, #tpu.memory_space<hbm>>) target(%arg7 : memref<80xi32, #tpu.memory_space<vmem>>) target_semaphore(%arg23 : memref<!tpu.dma_semaphore, #tpu.memory_space<semaphore_mem>>)
      %add3A_120 = arith.constant 160 : i32
      %add3A_121 = arith.addi %add3A_111, %add3A_120 : i32
      %dma_start3A_122 = tpu.memref_slice %arg3[%add3A_121] : memref<320000xi32, #tpu.memory_space<hbm>> -> memref<80xi32, #tpu.memory_space<hbm>>
      %dma_start3A_123 = tpu.memref_slice %arg3[%add3A_121] : memref<320000xi32, #tpu.memory_space<hbm>> -> memref<80xi32, #tpu.memory_space<hbm>>
      tpu.enqueue_dma source(%dma_start3A_123 : memref<80xi32, #tpu.memory_space<hbm>>) target(%arg8 : memref<80xi32, #tpu.memory_space<vmem>>) target_semaphore(%arg24 : memref<!tpu.dma_semaphore, #tpu.memory_space<semaphore_mem>>)
      %add3A_124 = arith.constant 240 : i32
      %add3A_125 = arith.addi %add3A_111, %add3A_124 : i32
      %dma_start3A_126 = tpu.memref_slice %arg3[%add3A_125] : memref<320000xi32, #tpu.memory_space<hbm>> -> memref<80xi32, #tpu.memory_space<hbm>>
      %dma_start3A_127 = tpu.memref_slice %arg3[%add3A_125] : memref<320000xi32, #tpu.memory_space<hbm>> -> memref<80xi32, #tpu.memory_space<hbm>>
      tpu.enqueue_dma source(%dma_start3A_127 : memref<80xi32, #tpu.memory_space<hbm>>) target(%arg9 : memref<80xi32, #tpu.memory_space<vmem>>) target_semaphore(%arg25 : memref<!tpu.dma_semaphore, #tpu.memory_space<semaphore_mem>>)
      %add3A_128 = arith.constant 0 : i32
      %add3A_129 = arith.addi %add3A_111, %add3A_128 : i32
      %dma_start3A_130 = tpu.memref_slice %arg4[%add3A_129] : memref<320000xi32, #tpu.memory_space<hbm>> -> memref<80xi32, #tpu.memory_space<hbm>>
      %dma_start3A_131 = tpu.memref_slice %arg4[%add3A_129] : memref<320000xi32, #tpu.memory_space<hbm>> -> memref<80xi32, #tpu.memory_space<hbm>>
      tpu.enqueue_dma source(%dma_start3A_131 : memref<80xi32, #tpu.memory_space<hbm>>) target(%arg10 : memref<80xi32, #tpu.memory_space<vmem>>) target_semaphore(%arg26 : memref<!tpu.dma_semaphore, #tpu.memory_space<semaphore_mem>>)
      %add3A_132 = arith.constant 80 : i32
      %add3A_133 = arith.addi %add3A_111, %add3A_132 : i32
      %dma_start3A_134 = tpu.memref_slice %arg4[%add3A_133] : memref<320000xi32, #tpu.memory_space<hbm>> -> memref<80xi32, #tpu.memory_space<hbm>>
      %dma_start3A_135 = tpu.memref_slice %arg4[%add3A_133] : memref<320000xi32, #tpu.memory_space<hbm>> -> memref<80xi32, #tpu.memory_space<hbm>>
      tpu.enqueue_dma source(%dma_start3A_135 : memref<80xi32, #tpu.memory_space<hbm>>) target(%arg11 : memref<80xi32, #tpu.memory_space<vmem>>) target_semaphore(%arg27 : memref<!tpu.dma_semaphore, #tpu.memory_space<semaphore_mem>>)
      %add3A_136 = arith.constant 160 : i32
      %add3A_137 = arith.addi %add3A_111, %add3A_136 : i32
      %dma_start3A_138 = tpu.memref_slice %arg4[%add3A_137] : memref<320000xi32, #tpu.memory_space<hbm>> -> memref<80xi32, #tpu.memory_space<hbm>>
      %dma_start3A_139 = tpu.memref_slice %arg4[%add3A_137] : memref<320000xi32, #tpu.memory_space<hbm>> -> memref<80xi32, #tpu.memory_space<hbm>>
      tpu.enqueue_dma source(%dma_start3A_139 : memref<80xi32, #tpu.memory_space<hbm>>) target(%arg12 : memref<80xi32, #tpu.memory_space<vmem>>) target_semaphore(%arg28 : memref<!tpu.dma_semaphore, #tpu.memory_space<semaphore_mem>>)
      %add3A_140 = arith.constant 240 : i32
      %add3A_141 = arith.addi %add3A_111, %add3A_140 : i32
      %dma_start3A_142 = tpu.memref_slice %arg4[%add3A_141] : memref<320000xi32, #tpu.memory_space<hbm>> -> memref<80xi32, #tpu.memory_space<hbm>>
      %dma_start3A_143 = tpu.memref_slice %arg4[%add3A_141] : memref<320000xi32, #tpu.memory_space<hbm>> -> memref<80xi32, #tpu.memory_space<hbm>>
      tpu.enqueue_dma source(%dma_start3A_143 : memref<80xi32, #tpu.memory_space<hbm>>) target(%arg13 : memref<80xi32, #tpu.memory_space<vmem>>) target_semaphore(%arg29 : memref<!tpu.dma_semaphore, #tpu.memory_space<semaphore_mem>>)
      %dma_wait3A_144 = tpu.memref_slice %arg3[%add3A_113] : memref<320000xi32, #tpu.memory_space<hbm>> -> memref<80xi32, #tpu.memory_space<hbm>>
      %dma_wait3A_145 = tpu.memref_slice %arg3[%add3A_113] : memref<320000xi32, #tpu.memory_space<hbm>> -> memref<80xi32, #tpu.memory_space<hbm>>
      tpu.wait_dma2 semaphore(%arg22 : memref<!tpu.dma_semaphore, #tpu.memory_space<semaphore_mem>>) src(%dma_wait3A_145 : memref<80xi32, #tpu.memory_space<hbm>>) dst(%arg6 : memref<80xi32, #tpu.memory_space<vmem>>)
      %dma_start3A_146 = arith.constant 0 : i32
      %dma_start3A_147 = arith.constant 0 : i32
      %dma_start3A_148 = tpu.memref_slice %arg2[%dma_start3A_146, %dma_start3A_147] : memref<10000x128xf32, #tpu.memory_space<hbm>> -> memref<10000x128xf32, #tpu.memory_space<hbm>>
      tpu.enqueue_indirect_dma source(%dma_start3A_148 : memref<10000x128xf32, #tpu.memory_space<hbm>>) target(%arg14 : memref<80x128xf32, #tpu.memory_space<vmem>>) offsets(%arg6 : memref<80xi32, #tpu.memory_space<vmem>>) semaphore(%arg18 : memref<!tpu.dma_semaphore, #tpu.memory_space<semaphore_mem>>)
      %dma_wait3A_149 = tpu.memref_slice %arg3[%add3A_117] : memref<320000xi32, #tpu.memory_space<hbm>> -> memref<80xi32, #tpu.memory_space<hbm>>
      %dma_wait3A_150 = tpu.memref_slice %arg3[%add3A_117] : memref<320000xi32, #tpu.memory_space<hbm>> -> memref<80xi32, #tpu.memory_space<hbm>>
      tpu.wait_dma2 semaphore(%arg23 : memref<!tpu.dma_semaphore, #tpu.memory_space<semaphore_mem>>) src(%dma_wait3A_150 : memref<80xi32, #tpu.memory_space<hbm>>) dst(%arg7 : memref<80xi32, #tpu.memory_space<vmem>>)
      %dma_start3A_151 = arith.constant 0 : i32
      %dma_start3A_152 = arith.constant 0 : i32
      %dma_start3A_153 = tpu.memref_slice %arg2[%dma_start3A_151, %dma_start3A_152] : memref<10000x128xf32, #tpu.memory_space<hbm>> -> memref<10000x128xf32, #tpu.memory_space<hbm>>
      tpu.enqueue_indirect_dma source(%dma_start3A_153 : memref<10000x128xf32, #tpu.memory_space<hbm>>) target(%arg15 : memref<80x128xf32, #tpu.memory_space<vmem>>) offsets(%arg7 : memref<80xi32, #tpu.memory_space<vmem>>) semaphore(%arg19 : memref<!tpu.dma_semaphore, #tpu.memory_space<semaphore_mem>>)
      %dma_wait3A_154 = tpu.memref_slice %arg3[%add3A_121] : memref<320000xi32, #tpu.memory_space<hbm>> -> memref<80xi32, #tpu.memory_space<hbm>>
      %dma_wait3A_155 = tpu.memref_slice %arg3[%add3A_121] : memref<320000xi32, #tpu.memory_space<hbm>> -> memref<80xi32, #tpu.memory_space<hbm>>
      tpu.wait_dma2 semaphore(%arg24 : memref<!tpu.dma_semaphore, #tpu.memory_space<semaphore_mem>>) src(%dma_wait3A_155 : memref<80xi32, #tpu.memory_space<hbm>>) dst(%arg8 : memref<80xi32, #tpu.memory_space<vmem>>)
      %dma_start3A_156 = arith.constant 0 : i32
      %dma_start3A_157 = arith.constant 0 : i32
      %dma_start3A_158 = tpu.memref_slice %arg2[%dma_start3A_156, %dma_start3A_157] : memref<10000x128xf32, #tpu.memory_space<hbm>> -> memref<10000x128xf32, #tpu.memory_space<hbm>>
      tpu.enqueue_indirect_dma source(%dma_start3A_158 : memref<10000x128xf32, #tpu.memory_space<hbm>>) target(%arg16 : memref<80x128xf32, #tpu.memory_space<vmem>>) offsets(%arg8 : memref<80xi32, #tpu.memory_space<vmem>>) semaphore(%arg20 : memref<!tpu.dma_semaphore, #tpu.memory_space<semaphore_mem>>)
      %dma_wait3A_159 = tpu.memref_slice %arg3[%add3A_125] : memref<320000xi32, #tpu.memory_space<hbm>> -> memref<80xi32, #tpu.memory_space<hbm>>
      %dma_wait3A_160 = tpu.memref_slice %arg3[%add3A_125] : memref<320000xi32, #tpu.memory_space<hbm>> -> memref<80xi32, #tpu.memory_space<hbm>>
      tpu.wait_dma2 semaphore(%arg25 : memref<!tpu.dma_semaphore, #tpu.memory_space<semaphore_mem>>) src(%dma_wait3A_160 : memref<80xi32, #tpu.memory_space<hbm>>) dst(%arg9 : memref<80xi32, #tpu.memory_space<vmem>>)
      %dma_start3A_161 = arith.constant 0 : i32
      %dma_start3A_162 = arith.constant 0 : i32
      %dma_start3A_163 = tpu.memref_slice %arg2[%dma_start3A_161, %dma_start3A_162] : memref<10000x128xf32, #tpu.memory_space<hbm>> -> memref<10000x128xf32, #tpu.memory_space<hbm>>
      tpu.enqueue_indirect_dma source(%dma_start3A_163 : memref<10000x128xf32, #tpu.memory_space<hbm>>) target(%arg17 : memref<80x128xf32, #tpu.memory_space<vmem>>) offsets(%arg9 : memref<80xi32, #tpu.memory_space<vmem>>) semaphore(%arg21 : memref<!tpu.dma_semaphore, #tpu.memory_space<semaphore_mem>>)
      %dma_wait3A_164 = tpu.memref_slice %arg4[%add3A_129] : memref<320000xi32, #tpu.memory_space<hbm>> -> memref<80xi32, #tpu.memory_space<hbm>>
      %dma_wait3A_165 = tpu.memref_slice %arg4[%add3A_129] : memref<320000xi32, #tpu.memory_space<hbm>> -> memref<80xi32, #tpu.memory_space<hbm>>
      tpu.wait_dma2 semaphore(%arg26 : memref<!tpu.dma_semaphore, #tpu.memory_space<semaphore_mem>>) src(%dma_wait3A_165 : memref<80xi32, #tpu.memory_space<hbm>>) dst(%arg10 : memref<80xi32, #tpu.memory_space<vmem>>)
      %dma_wait3A_166 = tpu.memref_slice %arg4[%add3A_133] : memref<320000xi32, #tpu.memory_space<hbm>> -> memref<80xi32, #tpu.memory_space<hbm>>
      %dma_wait3A_167 = tpu.memref_slice %arg4[%add3A_133] : memref<320000xi32, #tpu.memory_space<hbm>> -> memref<80xi32, #tpu.memory_space<hbm>>
      tpu.wait_dma2 semaphore(%arg27 : memref<!tpu.dma_semaphore, #tpu.memory_space<semaphore_mem>>) src(%dma_wait3A_167 : memref<80xi32, #tpu.memory_space<hbm>>) dst(%arg11 : memref<80xi32, #tpu.memory_space<vmem>>)
      %dma_wait3A_168 = tpu.memref_slice %arg4[%add3A_137] : memref<320000xi32, #tpu.memory_space<hbm>> -> memref<80xi32, #tpu.memory_space<hbm>>
      %dma_wait3A_169 = tpu.memref_slice %arg4[%add3A_137] : memref<320000xi32, #tpu.memory_space<hbm>> -> memref<80xi32, #tpu.memory_space<hbm>>
      tpu.wait_dma2 semaphore(%arg28 : memref<!tpu.dma_semaphore, #tpu.memory_space<semaphore_mem>>) src(%dma_wait3A_169 : memref<80xi32, #tpu.memory_space<hbm>>) dst(%arg12 : memref<80xi32, #tpu.memory_space<vmem>>)
      %dma_wait3A_170 = tpu.memref_slice %arg4[%add3A_141] : memref<320000xi32, #tpu.memory_space<hbm>> -> memref<80xi32, #tpu.memory_space<hbm>>
      %dma_wait3A_171 = tpu.memref_slice %arg4[%add3A_141] : memref<320000xi32, #tpu.memory_space<hbm>> -> memref<80xi32, #tpu.memory_space<hbm>>
      tpu.wait_dma2 semaphore(%arg29 : memref<!tpu.dma_semaphore, #tpu.memory_space<semaphore_mem>>) src(%dma_wait3A_171 : memref<80xi32, #tpu.memory_space<hbm>>) dst(%arg13 : memref<80xi32, #tpu.memory_space<vmem>>)
      %dma_wait3A_172 = arith.constant 0 : i32
      %dma_wait3A_173 = arith.constant 0 : i32
      %dma_wait3A_174 = tpu.memref_slice %arg2[%dma_wait3A_172, %dma_wait3A_173] : memref<10000x128xf32, #tpu.memory_space<hbm>> -> memref<10000x128xf32, #tpu.memory_space<hbm>>
      tpu.wait_indirect_dma semaphore(%arg18 : memref<!tpu.dma_semaphore, #tpu.memory_space<semaphore_mem>>) src(%dma_wait3A_174 : memref<10000x128xf32, #tpu.memory_space<hbm>>) dst(%arg14 : memref<80x128xf32, #tpu.memory_space<vmem>>)
      %dma_start3A_175 = arith.constant 0 : i32
      %dma_start3A_176 = arith.constant 0 : i32
      %dma_start3A_177 = tpu.memref_slice %arg31[%dma_start3A_175, %dma_start3A_176] : memref<10240x128xf32, #tpu.memory_space<vmem_shared>> -> memref<10240x128xf32, #tpu.memory_space<vmem_shared>>
      tpu.enqueue_indirect_dma source(%arg14 : memref<80x128xf32, #tpu.memory_space<vmem>>) target(%dma_start3A_177 : memref<10240x128xf32, #tpu.memory_space<vmem_shared>>) offsets(%arg10 : memref<80xi32, #tpu.memory_space<vmem>>) semaphore(%arg30 : memref<!tpu.dma_semaphore, #tpu.memory_space<semaphore_mem>>) {add = true}
      %dma_wait3A_178 = arith.constant 0 : i32
      %dma_wait3A_179 = arith.constant 0 : i32
      %dma_wait3A_180 = tpu.memref_slice %arg2[%dma_wait3A_178, %dma_wait3A_179] : memref<10000x128xf32, #tpu.memory_space<hbm>> -> memref<10000x128xf32, #tpu.memory_space<hbm>>
      tpu.wait_indirect_dma semaphore(%arg19 : memref<!tpu.dma_semaphore, #tpu.memory_space<semaphore_mem>>) src(%dma_wait3A_180 : memref<10000x128xf32, #tpu.memory_space<hbm>>) dst(%arg15 : memref<80x128xf32, #tpu.memory_space<vmem>>)
      %dma_start3A_181 = arith.constant 0 : i32
      %dma_start3A_182 = arith.constant 0 : i32
      %dma_start3A_183 = tpu.memref_slice %arg31[%dma_start3A_181, %dma_start3A_182] : memref<10240x128xf32, #tpu.memory_space<vmem_shared>> -> memref<10240x128xf32, #tpu.memory_space<vmem_shared>>
      tpu.enqueue_indirect_dma source(%arg15 : memref<80x128xf32, #tpu.memory_space<vmem>>) target(%dma_start3A_183 : memref<10240x128xf32, #tpu.memory_space<vmem_shared>>) offsets(%arg11 : memref<80xi32, #tpu.memory_space<vmem>>) semaphore(%arg30 : memref<!tpu.dma_semaphore, #tpu.memory_space<semaphore_mem>>) {add = true}
      %dma_wait3A_184 = arith.constant 0 : i32
      %dma_wait3A_185 = arith.constant 0 : i32
      %dma_wait3A_186 = tpu.memref_slice %arg2[%dma_wait3A_184, %dma_wait3A_185] : memref<10000x128xf32, #tpu.memory_space<hbm>> -> memref<10000x128xf32, #tpu.memory_space<hbm>>
      tpu.wait_indirect_dma semaphore(%arg20 : memref<!tpu.dma_semaphore, #tpu.memory_space<semaphore_mem>>) src(%dma_wait3A_186 : memref<10000x128xf32, #tpu.memory_space<hbm>>) dst(%arg16 : memref<80x128xf32, #tpu.memory_space<vmem>>)
      %dma_start3A_187 = arith.constant 0 : i32
      %dma_start3A_188 = arith.constant 0 : i32
      %dma_start3A_189 = tpu.memref_slice %arg31[%dma_start3A_187, %dma_start3A_188] : memref<10240x128xf32, #tpu.memory_space<vmem_shared>> -> memref<10240x128xf32, #tpu.memory_space<vmem_shared>>
      tpu.enqueue_indirect_dma source(%arg16 : memref<80x128xf32, #tpu.memory_space<vmem>>) target(%dma_start3A_189 : memref<10240x128xf32, #tpu.memory_space<vmem_shared>>) offsets(%arg12 : memref<80xi32, #tpu.memory_space<vmem>>) semaphore(%arg30 : memref<!tpu.dma_semaphore, #tpu.memory_space<semaphore_mem>>) {add = true}
      %dma_wait3A_190 = arith.constant 0 : i32
      %dma_wait3A_191 = arith.constant 0 : i32
      %dma_wait3A_192 = tpu.memref_slice %arg2[%dma_wait3A_190, %dma_wait3A_191] : memref<10000x128xf32, #tpu.memory_space<hbm>> -> memref<10000x128xf32, #tpu.memory_space<hbm>>
      tpu.wait_indirect_dma semaphore(%arg21 : memref<!tpu.dma_semaphore, #tpu.memory_space<semaphore_mem>>) src(%dma_wait3A_192 : memref<10000x128xf32, #tpu.memory_space<hbm>>) dst(%arg17 : memref<80x128xf32, #tpu.memory_space<vmem>>)
      %dma_start3A_193 = arith.constant 0 : i32
      %dma_start3A_194 = arith.constant 0 : i32
      %dma_start3A_195 = tpu.memref_slice %arg31[%dma_start3A_193, %dma_start3A_194] : memref<10240x128xf32, #tpu.memory_space<vmem_shared>> -> memref<10240x128xf32, #tpu.memory_space<vmem_shared>>
      tpu.enqueue_indirect_dma source(%arg17 : memref<80x128xf32, #tpu.memory_space<vmem>>) target(%dma_start3A_195 : memref<10240x128xf32, #tpu.memory_space<vmem_shared>>) offsets(%arg13 : memref<80xi32, #tpu.memory_space<vmem>>) semaphore(%arg30 : memref<!tpu.dma_semaphore, #tpu.memory_space<semaphore_mem>>) {add = true}
      %dma_wait3A_196 = arith.constant 0 : i32
      %dma_wait3A_197 = arith.constant 0 : i32
      %dma_wait3A_198 = tpu.memref_slice %arg31[%dma_wait3A_196, %dma_wait3A_197] : memref<10240x128xf32, #tpu.memory_space<vmem_shared>> -> memref<10240x128xf32, #tpu.memory_space<vmem_shared>>
      tpu.wait_indirect_dma semaphore(%arg30 : memref<!tpu.dma_semaphore, #tpu.memory_space<semaphore_mem>>) src(%arg14 : memref<80x128xf32, #tpu.memory_space<vmem>>) dst(%dma_wait3A_198 : memref<10240x128xf32, #tpu.memory_space<vmem_shared>>)
      %dma_wait3A_199 = arith.constant 0 : i32
      %dma_wait3A_200 = arith.constant 0 : i32
      %dma_wait3A_201 = tpu.memref_slice %arg31[%dma_wait3A_199, %dma_wait3A_200] : memref<10240x128xf32, #tpu.memory_space<vmem_shared>> -> memref<10240x128xf32, #tpu.memory_space<vmem_shared>>
      tpu.wait_indirect_dma semaphore(%arg30 : memref<!tpu.dma_semaphore, #tpu.memory_space<semaphore_mem>>) src(%arg15 : memref<80x128xf32, #tpu.memory_space<vmem>>) dst(%dma_wait3A_201 : memref<10240x128xf32, #tpu.memory_space<vmem_shared>>)
      %dma_wait3A_202 = arith.constant 0 : i32
      %dma_wait3A_203 = arith.constant 0 : i32
      %dma_wait3A_204 = tpu.memref_slice %arg31[%dma_wait3A_202, %dma_wait3A_203] : memref<10240x128xf32, #tpu.memory_space<vmem_shared>> -> memref<10240x128xf32, #tpu.memory_space<vmem_shared>>
      tpu.wait_indirect_dma semaphore(%arg30 : memref<!tpu.dma_semaphore, #tpu.memory_space<semaphore_mem>>) src(%arg16 : memref<80x128xf32, #tpu.memory_space<vmem>>) dst(%dma_wait3A_204 : memref<10240x128xf32, #tpu.memory_space<vmem_shared>>)
      %dma_wait3A_205 = arith.constant 0 : i32
      %dma_wait3A_206 = arith.constant 0 : i32
      %dma_wait3A_207 = tpu.memref_slice %arg31[%dma_wait3A_205, %dma_wait3A_206] : memref<10240x128xf32, #tpu.memory_space<vmem_shared>> -> memref<10240x128xf32, #tpu.memory_space<vmem_shared>>
      tpu.wait_indirect_dma semaphore(%arg30 : memref<!tpu.dma_semaphore, #tpu.memory_space<semaphore_mem>>) src(%arg17 : memref<80x128xf32, #tpu.memory_space<vmem>>) dst(%dma_wait3A_207 : memref<10240x128xf32, #tpu.memory_space<vmem_shared>>)
      %scan3A_208 = arith.constant 0 : i32
      scf.yield %scan3A_208 : i32
    }
    %scan3A_47 = arith.constant 31 : i32
    %add3A_48 = arith.constant 9920 : i32
    %add3A_49 = arith.addi %mul3A_2, %add3A_48 : i32
    %add3A_50 = arith.constant 0 : i32
    %add3A_51 = arith.addi %add3A_49, %add3A_50 : i32
    %dma_start3A = tpu.memref_slice %arg3[%add3A_51] : memref<320000xi32, #tpu.memory_space<hbm>> -> memref<80xi32, #tpu.memory_space<hbm>>
    %dma_start3A_52 = tpu.memref_slice %arg3[%add3A_51] : memref<320000xi32, #tpu.memory_space<hbm>> -> memref<80xi32, #tpu.memory_space<hbm>>
    tpu.enqueue_dma source(%dma_start3A_52 : memref<80xi32, #tpu.memory_space<hbm>>) target(%arg6 : memref<80xi32, #tpu.memory_space<vmem>>) target_semaphore(%arg22 : memref<!tpu.dma_semaphore, #tpu.memory_space<semaphore_mem>>)
    %add3A_53 = arith.constant 0 : i32
    %add3A_54 = arith.addi %add3A_49, %add3A_53 : i32
    %dma_start3A_55 = tpu.memref_slice %arg4[%add3A_54] : memref<320000xi32, #tpu.memory_space<hbm>> -> memref<80xi32, #tpu.memory_space<hbm>>
    %dma_start3A_56 = tpu.memref_slice %arg4[%add3A_54] : memref<320000xi32, #tpu.memory_space<hbm>> -> memref<80xi32, #tpu.memory_space<hbm>>
    tpu.enqueue_dma source(%dma_start3A_56 : memref<80xi32, #tpu.memory_space<hbm>>) target(%arg10 : memref<80xi32, #tpu.memory_space<vmem>>) target_semaphore(%arg26 : memref<!tpu.dma_semaphore, #tpu.memory_space<semaphore_mem>>)
    %dma_wait3A = tpu.memref_slice %arg3[%add3A_51] : memref<320000xi32, #tpu.memory_space<hbm>> -> memref<80xi32, #tpu.memory_space<hbm>>
    %dma_wait3A_57 = tpu.memref_slice %arg3[%add3A_51] : memref<320000xi32, #tpu.memory_space<hbm>> -> memref<80xi32, #tpu.memory_space<hbm>>
    tpu.wait_dma2 semaphore(%arg22 : memref<!tpu.dma_semaphore, #tpu.memory_space<semaphore_mem>>) src(%dma_wait3A_57 : memref<80xi32, #tpu.memory_space<hbm>>) dst(%arg6 : memref<80xi32, #tpu.memory_space<vmem>>)
    %dma_start3A_58 = arith.constant 0 : i32
    %dma_start3A_59 = arith.constant 0 : i32
    %dma_start3A_60 = tpu.memref_slice %arg2[%dma_start3A_58, %dma_start3A_59] : memref<10000x128xf32, #tpu.memory_space<hbm>> -> memref<10000x128xf32, #tpu.memory_space<hbm>>
    tpu.enqueue_indirect_dma source(%dma_start3A_60 : memref<10000x128xf32, #tpu.memory_space<hbm>>) target(%arg14 : memref<80x128xf32, #tpu.memory_space<vmem>>) offsets(%arg6 : memref<80xi32, #tpu.memory_space<vmem>>) semaphore(%arg18 : memref<!tpu.dma_semaphore, #tpu.memory_space<semaphore_mem>>)
    %dma_wait3A_61 = tpu.memref_slice %arg4[%add3A_54] : memref<320000xi32, #tpu.memory_space<hbm>> -> memref<80xi32, #tpu.memory_space<hbm>>
    %dma_wait3A_62 = tpu.memref_slice %arg4[%add3A_54] : memref<320000xi32, #tpu.memory_space<hbm>> -> memref<80xi32, #tpu.memory_space<hbm>>
    tpu.wait_dma2 semaphore(%arg26 : memref<!tpu.dma_semaphore, #tpu.memory_space<semaphore_mem>>) src(%dma_wait3A_62 : memref<80xi32, #tpu.memory_space<hbm>>) dst(%arg10 : memref<80xi32, #tpu.memory_space<vmem>>)
    %dma_wait3A_63 = arith.constant 0 : i32
    %dma_wait3A_64 = arith.constant 0 : i32
    %dma_wait3A_65 = tpu.memref_slice %arg2[%dma_wait3A_63, %dma_wait3A_64] : memref<10000x128xf32, #tpu.memory_space<hbm>> -> memref<10000x128xf32, #tpu.memory_space<hbm>>
    tpu.wait_indirect_dma semaphore(%arg18 : memref<!tpu.dma_semaphore, #tpu.memory_space<semaphore_mem>>) src(%dma_wait3A_65 : memref<10000x128xf32, #tpu.memory_space<hbm>>) dst(%arg14 : memref<80x128xf32, #tpu.memory_space<vmem>>)
    %dma_start3A_66 = arith.constant 0 : i32
    %dma_start3A_67 = arith.constant 0 : i32
    %dma_start3A_68 = tpu.memref_slice %arg31[%dma_start3A_66, %dma_start3A_67] : memref<10240x128xf32, #tpu.memory_space<vmem_shared>> -> memref<10240x128xf32, #tpu.memory_space<vmem_shared>>
    tpu.enqueue_indirect_dma source(%arg14 : memref<80x128xf32, #tpu.memory_space<vmem>>) target(%dma_start3A_68 : memref<10240x128xf32, #tpu.memory_space<vmem_shared>>) offsets(%arg10 : memref<80xi32, #tpu.memory_space<vmem>>) semaphore(%arg30 : memref<!tpu.dma_semaphore, #tpu.memory_space<semaphore_mem>>) {add = true}
    %dma_wait3A_69 = arith.constant 0 : i32
    %dma_wait3A_70 = arith.constant 0 : i32
    %dma_wait3A_71 = tpu.memref_slice %arg31[%dma_wait3A_69, %dma_wait3A_70] : memref<10240x128xf32, #tpu.memory_space<vmem_shared>> -> memref<10240x128xf32, #tpu.memory_space<vmem_shared>>
    tpu.wait_indirect_dma semaphore(%arg30 : memref<!tpu.dma_semaphore, #tpu.memory_space<semaphore_mem>>) src(%arg14 : memref<80x128xf32, #tpu.memory_space<vmem>>) dst(%dma_wait3A_71 : memref<10240x128xf32, #tpu.memory_space<vmem_shared>>)
    %barrier3A_72 = arith.constant 0 : index
    tpu.barrier barrier_id(%barrier3A_72)
    %mul3A_73 = arith.constant 640 : i32
    %mul3A_74 = arith.muli %arg1, %mul3A_73 : i32
    %add3A_75 = arith.constant 0 : i32
    %add3A_76 = arith.addi %mul3A_74, %add3A_75 : i32
    "tpu.region"() ({
      %run_scoped3A = tpu.sem_alloc : memref<!tpu.dma_semaphore, #tpu.memory_space<semaphore_mem>>
      %dma_start3A_105 = arith.constant 0 : i32
      %dma_start3A_106 = tpu.memref_slice %arg5[%arg0, %add3A_76, %dma_start3A_105] : memref<2x10240x128xf32, #tpu.memory_space<hbm>> -> memref<1x80x128xf32, #tpu.memory_space<hbm>>
      %dma_start3A_107 = tpu.memref_squeeze %dma_start3A_106 : memref<1x80x128xf32, #tpu.memory_space<hbm>> -> memref<80x128xf32, #tpu.memory_space<hbm>>
      %dma_start3A_108 = arith.constant 0 : i32
      %dma_start3A_109 = tpu.memref_slice %arg31[%add3A_76, %dma_start3A_108] : memref<10240x128xf32, #tpu.memory_space<vmem_shared>> -> memref<80x128xf32, #tpu.memory_space<vmem_shared>>
      tpu.enqueue_dma source(%dma_start3A_109 : memref<80x128xf32, #tpu.memory_space<vmem_shared>>) target(%dma_start3A_107 : memref<80x128xf32, #tpu.memory_space<hbm>>) target_semaphore(%run_scoped3A : memref<!tpu.dma_semaphore, #tpu.memory_space<semaphore_mem>>)
      %dma_wait3A_110 = arith.constant 0 : i32
      %dma_wait3A_111 = tpu.memref_slice %arg5[%arg0, %add3A_76, %dma_wait3A_110] : memref<2x10240x128xf32, #tpu.memory_space<hbm>> -> memref<1x80x128xf32, #tpu.memory_space<hbm>>
      %dma_wait3A_112 = tpu.memref_squeeze %dma_wait3A_111 : memref<1x80x128xf32, #tpu.memory_space<hbm>> -> memref<80x128xf32, #tpu.memory_space<hbm>>
      %dma_wait3A_113 = arith.constant 0 : i32
      %dma_wait3A_114 = tpu.memref_slice %arg31[%add3A_76, %dma_wait3A_113] : memref<10240x128xf32, #tpu.memory_space<vmem_shared>> -> memref<80x128xf32, #tpu.memory_space<vmem_shared>>
      tpu.wait_dma2 semaphore(%run_scoped3A : memref<!tpu.dma_semaphore, #tpu.memory_space<semaphore_mem>>) src(%dma_wait3A_114 : memref<80x128xf32, #tpu.memory_space<vmem_shared>>) dst(%dma_wait3A_112 : memref<80x128xf32, #tpu.memory_space<hbm>>)
      tpu.yield
    }) : () -> ()
    %mul3A_77 = arith.constant 640 : i32
    %mul3A_78 = arith.muli %arg1, %mul3A_77 : i32
    %add3A_79 = arith.constant 80 : i32
    %add3A_80 = arith.addi %mul3A_78, %add3A_79 : i32
    "tpu.region"() ({
      %run_scoped3A = tpu.sem_alloc : memref<!tpu.dma_semaphore, #tpu.memory_space<semaphore_mem>>
      %dma_start3A_105 = arith.constant 0 : i32
      %dma_start3A_106 = tpu.memref_slice %arg5[%arg0, %add3A_80, %dma_start3A_105] : memref<2x10240x128xf32, #tpu.memory_space<hbm>> -> memref<1x80x128xf32, #tpu.memory_space<hbm>>
      %dma_start3A_107 = tpu.memref_squeeze %dma_start3A_106 : memref<1x80x128xf32, #tpu.memory_space<hbm>> -> memref<80x128xf32, #tpu.memory_space<hbm>>
      %dma_start3A_108 = arith.constant 0 : i32
      %dma_start3A_109 = tpu.memref_slice %arg31[%add3A_80, %dma_start3A_108] : memref<10240x128xf32, #tpu.memory_space<vmem_shared>> -> memref<80x128xf32, #tpu.memory_space<vmem_shared>>
      tpu.enqueue_dma source(%dma_start3A_109 : memref<80x128xf32, #tpu.memory_space<vmem_shared>>) target(%dma_start3A_107 : memref<80x128xf32, #tpu.memory_space<hbm>>) target_semaphore(%run_scoped3A : memref<!tpu.dma_semaphore, #tpu.memory_space<semaphore_mem>>)
      %dma_wait3A_110 = arith.constant 0 : i32
      %dma_wait3A_111 = tpu.memref_slice %arg5[%arg0, %add3A_80, %dma_wait3A_110] : memref<2x10240x128xf32, #tpu.memory_space<hbm>> -> memref<1x80x128xf32, #tpu.memory_space<hbm>>
      %dma_wait3A_112 = tpu.memref_squeeze %dma_wait3A_111 : memref<1x80x128xf32, #tpu.memory_space<hbm>> -> memref<80x128xf32, #tpu.memory_space<hbm>>
      %dma_wait3A_113 = arith.constant 0 : i32
      %dma_wait3A_114 = tpu.memref_slice %arg31[%add3A_80, %dma_wait3A_113] : memref<10240x128xf32, #tpu.memory_space<vmem_shared>> -> memref<80x128xf32, #tpu.memory_space<vmem_shared>>
      tpu.wait_dma2 semaphore(%run_scoped3A : memref<!tpu.dma_semaphore, #tpu.memory_space<semaphore_mem>>) src(%dma_wait3A_114 : memref<80x128xf32, #tpu.memory_space<vmem_shared>>) dst(%dma_wait3A_112 : memref<80x128xf32, #tpu.memory_space<hbm>>)
      tpu.yield
    }) : () -> ()
    %mul3A_81 = arith.constant 640 : i32
    %mul3A_82 = arith.muli %arg1, %mul3A_81 : i32
    %add3A_83 = arith.constant 160 : i32
    %add3A_84 = arith.addi %mul3A_82, %add3A_83 : i32
    "tpu.region"() ({
      %run_scoped3A = tpu.sem_alloc : memref<!tpu.dma_semaphore, #tpu.memory_space<semaphore_mem>>
      %dma_start3A_105 = arith.constant 0 : i32
      %dma_start3A_106 = tpu.memref_slice %arg5[%arg0, %add3A_84, %dma_start3A_105] : memref<2x10240x128xf32, #tpu.memory_space<hbm>> -> memref<1x80x128xf32, #tpu.memory_space<hbm>>
      %dma_start3A_107 = tpu.memref_squeeze %dma_start3A_106 : memref<1x80x128xf32, #tpu.memory_space<hbm>> -> memref<80x128xf32, #tpu.memory_space<hbm>>
      %dma_start3A_108 = arith.constant 0 : i32
      %dma_start3A_109 = tpu.memref_slice %arg31[%add3A_84, %dma_start3A_108] : memref<10240x128xf32, #tpu.memory_space<vmem_shared>> -> memref<80x128xf32, #tpu.memory_space<vmem_shared>>
      tpu.enqueue_dma source(%dma_start3A_109 : memref<80x128xf32, #tpu.memory_space<vmem_shared>>) target(%dma_start3A_107 : memref<80x128xf32, #tpu.memory_space<hbm>>) target_semaphore(%run_scoped3A : memref<!tpu.dma_semaphore, #tpu.memory_space<semaphore_mem>>)
      %dma_wait3A_110 = arith.constant 0 : i32
      %dma_wait3A_111 = tpu.memref_slice %arg5[%arg0, %add3A_84, %dma_wait3A_110] : memref<2x10240x128xf32, #tpu.memory_space<hbm>> -> memref<1x80x128xf32, #tpu.memory_space<hbm>>
      %dma_wait3A_112 = tpu.memref_squeeze %dma_wait3A_111 : memref<1x80x128xf32, #tpu.memory_space<hbm>> -> memref<80x128xf32, #tpu.memory_space<hbm>>
      %dma_wait3A_113 = arith.constant 0 : i32
      %dma_wait3A_114 = tpu.memref_slice %arg31[%add3A_84, %dma_wait3A_113] : memref<10240x128xf32, #tpu.memory_space<vmem_shared>> -> memref<80x128xf32, #tpu.memory_space<vmem_shared>>
      tpu.wait_dma2 semaphore(%run_scoped3A : memref<!tpu.dma_semaphore, #tpu.memory_space<semaphore_mem>>) src(%dma_wait3A_114 : memref<80x128xf32, #tpu.memory_space<vmem_shared>>) dst(%dma_wait3A_112 : memref<80x128xf32, #tpu.memory_space<hbm>>)
      tpu.yield
    }) : () -> ()
    %mul3A_85 = arith.constant 640 : i32
    %mul3A_86 = arith.muli %arg1, %mul3A_85 : i32
    %add3A_87 = arith.constant 240 : i32
    %add3A_88 = arith.addi %mul3A_86, %add3A_87 : i32
    "tpu.region"() ({
      %run_scoped3A = tpu.sem_alloc : memref<!tpu.dma_semaphore, #tpu.memory_space<semaphore_mem>>
      %dma_start3A_105 = arith.constant 0 : i32
      %dma_start3A_106 = tpu.memref_slice %arg5[%arg0, %add3A_88, %dma_start3A_105] : memref<2x10240x128xf32, #tpu.memory_space<hbm>> -> memref<1x80x128xf32, #tpu.memory_space<hbm>>
      %dma_start3A_107 = tpu.memref_squeeze %dma_start3A_106 : memref<1x80x128xf32, #tpu.memory_space<hbm>> -> memref<80x128xf32, #tpu.memory_space<hbm>>
      %dma_start3A_108 = arith.constant 0 : i32
      %dma_start3A_109 = tpu.memref_slice %arg31[%add3A_88, %dma_start3A_108] : memref<10240x128xf32, #tpu.memory_space<vmem_shared>> -> memref<80x128xf32, #tpu.memory_space<vmem_shared>>
      tpu.enqueue_dma source(%dma_start3A_109 : memref<80x128xf32, #tpu.memory_space<vmem_shared>>) target(%dma_start3A_107 : memref<80x128xf32, #tpu.memory_space<hbm>>) target_semaphore(%run_scoped3A : memref<!tpu.dma_semaphore, #tpu.memory_space<semaphore_mem>>)
      %dma_wait3A_110 = arith.constant 0 : i32
      %dma_wait3A_111 = tpu.memref_slice %arg5[%arg0, %add3A_88, %dma_wait3A_110] : memref<2x10240x128xf32, #tpu.memory_space<hbm>> -> memref<1x80x128xf32, #tpu.memory_space<hbm>>
      %dma_wait3A_112 = tpu.memref_squeeze %dma_wait3A_111 : memref<1x80x128xf32, #tpu.memory_space<hbm>> -> memref<80x128xf32, #tpu.memory_space<hbm>>
      %dma_wait3A_113 = arith.constant 0 : i32
      %dma_wait3A_114 = tpu.memref_slice %arg31[%add3A_88, %dma_wait3A_113] : memref<10240x128xf32, #tpu.memory_space<vmem_shared>> -> memref<80x128xf32, #tpu.memory_space<vmem_shared>>
      tpu.wait_dma2 semaphore(%run_scoped3A : memref<!tpu.dma_semaphore, #tpu.memory_space<semaphore_mem>>) src(%dma_wait3A_114 : memref<80x128xf32, #tpu.memory_space<vmem_shared>>) dst(%dma_wait3A_112 : memref<80x128xf32, #tpu.memory_space<hbm>>)
      tpu.yield
    }) : () -> ()
    %mul3A_89 = arith.constant 640 : i32
    %mul3A_90 = arith.muli %arg1, %mul3A_89 : i32
    %add3A_91 = arith.constant 320 : i32
    %add3A_92 = arith.addi %mul3A_90, %add3A_91 : i32
    "tpu.region"() ({
      %run_scoped3A = tpu.sem_alloc : memref<!tpu.dma_semaphore, #tpu.memory_space<semaphore_mem>>
      %dma_start3A_105 = arith.constant 0 : i32
      %dma_start3A_106 = tpu.memref_slice %arg5[%arg0, %add3A_92, %dma_start3A_105] : memref<2x10240x128xf32, #tpu.memory_space<hbm>> -> memref<1x80x128xf32, #tpu.memory_space<hbm>>
      %dma_start3A_107 = tpu.memref_squeeze %dma_start3A_106 : memref<1x80x128xf32, #tpu.memory_space<hbm>> -> memref<80x128xf32, #tpu.memory_space<hbm>>
      %dma_start3A_108 = arith.constant 0 : i32
      %dma_start3A_109 = tpu.memref_slice %arg31[%add3A_92, %dma_start3A_108] : memref<10240x128xf32, #tpu.memory_space<vmem_shared>> -> memref<80x128xf32, #tpu.memory_space<vmem_shared>>
      tpu.enqueue_dma source(%dma_start3A_109 : memref<80x128xf32, #tpu.memory_space<vmem_shared>>) target(%dma_start3A_107 : memref<80x128xf32, #tpu.memory_space<hbm>>) target_semaphore(%run_scoped3A : memref<!tpu.dma_semaphore, #tpu.memory_space<semaphore_mem>>)
      %dma_wait3A_110 = arith.constant 0 : i32
      %dma_wait3A_111 = tpu.memref_slice %arg5[%arg0, %add3A_92, %dma_wait3A_110] : memref<2x10240x128xf32, #tpu.memory_space<hbm>> -> memref<1x80x128xf32, #tpu.memory_space<hbm>>
      %dma_wait3A_112 = tpu.memref_squeeze %dma_wait3A_111 : memref<1x80x128xf32, #tpu.memory_space<hbm>> -> memref<80x128xf32, #tpu.memory_space<hbm>>
      %dma_wait3A_113 = arith.constant 0 : i32
      %dma_wait3A_114 = tpu.memref_slice %arg31[%add3A_92, %dma_wait3A_113] : memref<10240x128xf32, #tpu.memory_space<vmem_shared>> -> memref<80x128xf32, #tpu.memory_space<vmem_shared>>
      tpu.wait_dma2 semaphore(%run_scoped3A : memref<!tpu.dma_semaphore, #tpu.memory_space<semaphore_mem>>) src(%dma_wait3A_114 : memref<80x128xf32, #tpu.memory_space<vmem_shared>>) dst(%dma_wait3A_112 : memref<80x128xf32, #tpu.memory_space<hbm>>)
      tpu.yield
    }) : () -> ()
    %mul3A_93 = arith.constant 640 : i32
    %mul3A_94 = arith.muli %arg1, %mul3A_93 : i32
    %add3A_95 = arith.constant 400 : i32
    %add3A_96 = arith.addi %mul3A_94, %add3A_95 : i32
    "tpu.region"() ({
      %run_scoped3A = tpu.sem_alloc : memref<!tpu.dma_semaphore, #tpu.memory_space<semaphore_mem>>
      %dma_start3A_105 = arith.constant 0 : i32
      %dma_start3A_106 = tpu.memref_slice %arg5[%arg0, %add3A_96, %dma_start3A_105] : memref<2x10240x128xf32, #tpu.memory_space<hbm>> -> memref<1x80x128xf32, #tpu.memory_space<hbm>>
      %dma_start3A_107 = tpu.memref_squeeze %dma_start3A_106 : memref<1x80x128xf32, #tpu.memory_space<hbm>> -> memref<80x128xf32, #tpu.memory_space<hbm>>
      %dma_start3A_108 = arith.constant 0 : i32
      %dma_start3A_109 = tpu.memref_slice %arg31[%add3A_96, %dma_start3A_108] : memref<10240x128xf32, #tpu.memory_space<vmem_shared>> -> memref<80x128xf32, #tpu.memory_space<vmem_shared>>
      tpu.enqueue_dma source(%dma_start3A_109 : memref<80x128xf32, #tpu.memory_space<vmem_shared>>) target(%dma_start3A_107 : memref<80x128xf32, #tpu.memory_space<hbm>>) target_semaphore(%run_scoped3A : memref<!tpu.dma_semaphore, #tpu.memory_space<semaphore_mem>>)
      %dma_wait3A_110 = arith.constant 0 : i32
      %dma_wait3A_111 = tpu.memref_slice %arg5[%arg0, %add3A_96, %dma_wait3A_110] : memref<2x10240x128xf32, #tpu.memory_space<hbm>> -> memref<1x80x128xf32, #tpu.memory_space<hbm>>
      %dma_wait3A_112 = tpu.memref_squeeze %dma_wait3A_111 : memref<1x80x128xf32, #tpu.memory_space<hbm>> -> memref<80x128xf32, #tpu.memory_space<hbm>>
      %dma_wait3A_113 = arith.constant 0 : i32
      %dma_wait3A_114 = tpu.memref_slice %arg31[%add3A_96, %dma_wait3A_113] : memref<10240x128xf32, #tpu.memory_space<vmem_shared>> -> memref<80x128xf32, #tpu.memory_space<vmem_shared>>
      tpu.wait_dma2 semaphore(%run_scoped3A : memref<!tpu.dma_semaphore, #tpu.memory_space<semaphore_mem>>) src(%dma_wait3A_114 : memref<80x128xf32, #tpu.memory_space<vmem_shared>>) dst(%dma_wait3A_112 : memref<80x128xf32, #tpu.memory_space<hbm>>)
      tpu.yield
    }) : () -> ()
    %mul3A_97 = arith.constant 640 : i32
    %mul3A_98 = arith.muli %arg1, %mul3A_97 : i32
    %add3A_99 = arith.constant 480 : i32
    %add3A_100 = arith.addi %mul3A_98, %add3A_99 : i32
    "tpu.region"() ({
      %run_scoped3A = tpu.sem_alloc : memref<!tpu.dma_semaphore, #tpu.memory_space<semaphore_mem>>
      %dma_start3A_105 = arith.constant 0 : i32
      %dma_start3A_106 = tpu.memref_slice %arg5[%arg0, %add3A_100, %dma_start3A_105] : memref<2x10240x128xf32, #tpu.memory_space<hbm>> -> memref<1x80x128xf32, #tpu.memory_space<hbm>>
      %dma_start3A_107 = tpu.memref_squeeze %dma_start3A_106 : memref<1x80x128xf32, #tpu.memory_space<hbm>> -> memref<80x128xf32, #tpu.memory_space<hbm>>
      %dma_start3A_108 = arith.constant 0 : i32
      %dma_start3A_109 = tpu.memref_slice %arg31[%add3A_100, %dma_start3A_108] : memref<10240x128xf32, #tpu.memory_space<vmem_shared>> -> memref<80x128xf32, #tpu.memory_space<vmem_shared>>
      tpu.enqueue_dma source(%dma_start3A_109 : memref<80x128xf32, #tpu.memory_space<vmem_shared>>) target(%dma_start3A_107 : memref<80x128xf32, #tpu.memory_space<hbm>>) target_semaphore(%run_scoped3A : memref<!tpu.dma_semaphore, #tpu.memory_space<semaphore_mem>>)
      %dma_wait3A_110 = arith.constant 0 : i32
      %dma_wait3A_111 = tpu.memref_slice %arg5[%arg0, %add3A_100, %dma_wait3A_110] : memref<2x10240x128xf32, #tpu.memory_space<hbm>> -> memref<1x80x128xf32, #tpu.memory_space<hbm>>
      %dma_wait3A_112 = tpu.memref_squeeze %dma_wait3A_111 : memref<1x80x128xf32, #tpu.memory_space<hbm>> -> memref<80x128xf32, #tpu.memory_space<hbm>>
      %dma_wait3A_113 = arith.constant 0 : i32
      %dma_wait3A_114 = tpu.memref_slice %arg31[%add3A_100, %dma_wait3A_113] : memref<10240x128xf32, #tpu.memory_space<vmem_shared>> -> memref<80x128xf32, #tpu.memory_space<vmem_shared>>
      tpu.wait_dma2 semaphore(%run_scoped3A : memref<!tpu.dma_semaphore, #tpu.memory_space<semaphore_mem>>) src(%dma_wait3A_114 : memref<80x128xf32, #tpu.memory_space<vmem_shared>>) dst(%dma_wait3A_112 : memref<80x128xf32, #tpu.memory_space<hbm>>)
      tpu.yield
    }) : () -> ()
    %mul3A_101 = arith.constant 640 : i32
    %mul3A_102 = arith.muli %arg1, %mul3A_101 : i32
    %add3A_103 = arith.constant 560 : i32
    %add3A_104 = arith.addi %mul3A_102, %add3A_103 : i32
    "tpu.region"() ({
      %run_scoped3A = tpu.sem_alloc : memref<!tpu.dma_semaphore, #tpu.memory_space<semaphore_mem>>
      %dma_start3A_105 = arith.constant 0 : i32
      %dma_start3A_106 = tpu.memref_slice %arg5[%arg0, %add3A_104, %dma_start3A_105] : memref<2x10240x128xf32, #tpu.memory_space<hbm>> -> memref<1x80x128xf32, #tpu.memory_space<hbm>>
      %dma_start3A_107 = tpu.memref_squeeze %dma_start3A_106 : memref<1x80x128xf32, #tpu.memory_space<hbm>> -> memref<80x128xf32, #tpu.memory_space<hbm>>
      %dma_start3A_108 = arith.constant 0 : i32
      %dma_start3A_109 = tpu.memref_slice %arg31[%add3A_104, %dma_start3A_108] : memref<10240x128xf32, #tpu.memory_space<vmem_shared>> -> memref<80x128xf32, #tpu.memory_space<vmem_shared>>
      tpu.enqueue_dma source(%dma_start3A_109 : memref<80x128xf32, #tpu.memory_space<vmem_shared>>) target(%dma_start3A_107 : memref<80x128xf32, #tpu.memory_space<hbm>>) target_semaphore(%run_scoped3A : memref<!tpu.dma_semaphore, #tpu.memory_space<semaphore_mem>>)
      %dma_wait3A_110 = arith.constant 0 : i32
      %dma_wait3A_111 = tpu.memref_slice %arg5[%arg0, %add3A_104, %dma_wait3A_110] : memref<2x10240x128xf32, #tpu.memory_space<hbm>> -> memref<1x80x128xf32, #tpu.memory_space<hbm>>
      %dma_wait3A_112 = tpu.memref_squeeze %dma_wait3A_111 : memref<1x80x128xf32, #tpu.memory_space<hbm>> -> memref<80x128xf32, #tpu.memory_space<hbm>>
      %dma_wait3A_113 = arith.constant 0 : i32
      %dma_wait3A_114 = tpu.memref_slice %arg31[%add3A_104, %dma_wait3A_113] : memref<10240x128xf32, #tpu.memory_space<vmem_shared>> -> memref<80x128xf32, #tpu.memory_space<vmem_shared>>
      tpu.wait_dma2 semaphore(%run_scoped3A : memref<!tpu.dma_semaphore, #tpu.memory_space<semaphore_mem>>) src(%dma_wait3A_114 : memref<80x128xf32, #tpu.memory_space<vmem_shared>>) dst(%dma_wait3A_112 : memref<80x128xf32, #tpu.memory_space<hbm>>)
      tpu.yield
    }) : () -> ()
    return
  }
}

#map = affine_map<(d0, d1) -> (0, 0)>
#map1 = affine_map<(d0, d1) -> (0)>
#map2 = affine_map<(d0, d1) -> (0, 0, 0)>
module attributes {stable_mosaic.version = 14 : i64} {
  func.func @k(%arg0: i32, %arg1: i32, %arg2: memref<10000x64xf32, #tpu.memory_space<hbm>>, %arg3: memref<320000xi32, #tpu.memory_space<hbm>>, %arg4: memref<320000xi32, #tpu.memory_space<hbm>>, %arg5: memref<2x10240x64xf32, #tpu.memory_space<hbm>>, %arg6: memref<80xi32, #tpu.memory_space<vmem>>, %arg7: memref<80xi32, #tpu.memory_space<vmem>>, %arg8: memref<80xi32, #tpu.memory_space<vmem>>, %arg9: memref<80xi32, #tpu.memory_space<vmem>>, %arg10: memref<80xi32, #tpu.memory_space<vmem>>, %arg11: memref<80xi32, #tpu.memory_space<vmem>>, %arg12: memref<80xi32, #tpu.memory_space<vmem>>, %arg13: memref<80xi32, #tpu.memory_space<vmem>>, %arg14: memref<80x64xf32, #tpu.memory_space<vmem>>, %arg15: memref<80x64xf32, #tpu.memory_space<vmem>>, %arg16: memref<80x64xf32, #tpu.memory_space<vmem>>, %arg17: memref<80x64xf32, #tpu.memory_space<vmem>>, %arg18: memref<!tpu.dma_semaphore, #tpu.memory_space<semaphore_mem>>, %arg19: memref<!tpu.dma_semaphore, #tpu.memory_space<semaphore_mem>>, %arg20: memref<!tpu.dma_semaphore, #tpu.memory_space<semaphore_mem>>, %arg21: memref<!tpu.dma_semaphore, #tpu.memory_space<semaphore_mem>>, %arg22: memref<!tpu.dma_semaphore, #tpu.memory_space<semaphore_mem>>, %arg23: memref<!tpu.dma_semaphore, #tpu.memory_space<semaphore_mem>>, %arg24: memref<!tpu.dma_semaphore, #tpu.memory_space<semaphore_mem>>, %arg25: memref<!tpu.dma_semaphore, #tpu.memory_space<semaphore_mem>>, %arg26: memref<!tpu.dma_semaphore, #tpu.memory_space<semaphore_mem>>, %arg27: memref<!tpu.dma_semaphore, #tpu.memory_space<semaphore_mem>>, %arg28: memref<!tpu.dma_semaphore, #tpu.memory_space<semaphore_mem>>, %arg29: memref<!tpu.dma_semaphore, #tpu.memory_space<semaphore_mem>>, %arg30: memref<!tpu.dma_semaphore, #tpu.memory_space<semaphore_mem>>, %arg31: memref<10240x64xf32, #tpu.memory_space<vmem_shared>>) attributes {dimension_semantics = [#tpu.dimension_semantics<core_parallel>, #tpu.dimension_semantics<subcore_parallel>], iteration_bounds = array<i64: 2, 16>, scalar_prefetch = 0 : i64, scratch_operands = 26 : i64, tpu.core_type = #tpu.core_type<sc_vector_subcore>, window_params = [{transform_indices = #map}, {transform_indices = #map1}, {transform_indices = #map1}, {transform_indices = #map2}]} {
    %mul3A = arith.constant 2 : i32
    %mul3A_0 = arith.muli %arg1, %mul3A : i32
    %add3A = arith.addi %mul3A_0, %arg0 : i32
    %mul3A_1 = arith.constant 10000 : i32
    %mul3A_2 = arith.muli %add3A, %mul3A_1 : i32
    %scan3A = arith.constant 0 : i32
    %scan3A_3 = arith.constant 0 : i32
    %scan3A_4 = arith.constant 320 : i32
    %scan3A_5 = arith.addi %scan3A_3, %scan3A_4 : i32
    %scan3A_6 = arith.constant 1 : i32
    %scan3A_7 = scf.for %scan3A_105 = %scan3A_3 to %scan3A_5 step %scan3A_6 iter_args(%scan3A_106 = %scan3A) -> (i32)  : i32 {
      %broadcast_in_dim3A = arith.constant 0.000000e+00 : f32
      %broadcast_in_dim3A_107 = vector.broadcast %broadcast_in_dim3A : f32 to vector<16xf32>
      %jit3A = arith.constant 4 : i32
      %div3A = arith.divsi %scan3A_105, %jit3A : i32
      %sign3A = arith.constant 0 : i32
      %sign3A_108 = arith.cmpi sgt, %scan3A_105, %sign3A : i32
      %sign3A_109 = arith.extui %sign3A_108 : i1 to i32
      %sign3A_110 = arith.constant 0 : i32
      %sign3A_111 = arith.cmpi slt, %scan3A_105, %sign3A_110 : i32
      %sign3A_112 = arith.extui %sign3A_111 : i1 to i32
      %sign3A_113 = arith.subi %sign3A_109, %sign3A_112 : i32
      %sign3A_114 = arith.constant 0 : i32
      %sign3A_115 = arith.cmpi sgt, %jit3A, %sign3A_114 : i32
      %sign3A_116 = arith.extui %sign3A_115 : i1 to i32
      %sign3A_117 = arith.constant 0 : i32
      %sign3A_118 = arith.cmpi slt, %jit3A, %sign3A_117 : i32
      %sign3A_119 = arith.extui %sign3A_118 : i1 to i32
      %sign3A_120 = arith.subi %sign3A_116, %sign3A_119 : i32
      %ne3A = arith.cmpi ne, %sign3A_113, %sign3A_120 : i32
      %rem3A = arith.remsi %scan3A_105, %jit3A : i32
      %ne3A_121 = arith.constant 0 : i32
      %ne3A_122 = arith.cmpi ne, %rem3A, %ne3A_121 : i32
      %and3A = arith.andi %ne3A, %ne3A_122 : i1
      %sub3A = arith.constant 1 : i32
      %sub3A_123 = arith.subi %div3A, %sub3A : i32
      %select_n3A = arith.select %and3A, %sub3A_123, %div3A : i32
      %jit3A_124 = arith.constant 4 : i32
      %eq3A = arith.constant 0 : i32
      %eq3A_125 = arith.cmpi eq, %jit3A_124, %eq3A : i32
      %jit3A_126 = arith.constant 1 : i32
      %select_n3A_127 = arith.select %eq3A_125, %jit3A_126, %jit3A_124 : i32
      %rem3A_128 = arith.remsi %scan3A_105, %select_n3A_127 : i32
      %ne3A_129 = arith.constant 0 : i32
      %ne3A_130 = arith.cmpi ne, %rem3A_128, %ne3A_129 : i32
      %lt3A = arith.constant 0 : i32
      %lt3A_131 = arith.cmpi slt, %rem3A_128, %lt3A : i32
      %lt3A_132 = arith.constant 0 : i32
      %lt3A_133 = arith.cmpi slt, %select_n3A_127, %lt3A_132 : i32
      %ne3A_134 = arith.xori %lt3A_131, %lt3A_133 : i1
      %and3A_135 = arith.andi %ne3A_134, %ne3A_130 : i1
      %add3A_136 = arith.addi %rem3A_128, %select_n3A_127 : i32
      %select_n3A_137 = arith.select %and3A_135, %add3A_136, %rem3A_128 : i32
      %mul3A_138 = arith.constant 16 : i32
      %mul3A_139 = arith.muli %select_n3A_137, %mul3A_138 : i32
      %swap3A = arith.index_cast %select_n3A : i32 to index
      %swap3A_140 = arith.index_cast %mul3A_139 : i32 to index
      %swap3A_141 = tpu.vector_load %arg14[%swap3A, %swap3A_140] {strides = array<i32>} : memref<80x64xf32, #tpu.memory_space<vmem>>, vector<1x16xf32>,
      %swap3A_142 = vector.shape_cast %swap3A_141 : vector<1x16xf32> to vector<16xf32>
      %swap3A_143 = vector.shape_cast %broadcast_in_dim3A_107 : vector<16xf32> to vector<1x16xf32>
      tpu.vector_store %arg14[%swap3A, %swap3A_140], %swap3A_143 {strides = array<i32>} : memref<80x64xf32, #tpu.memory_space<vmem>>, vector<1x16xf32>,
      %scan3A_144 = arith.constant 0 : i32
      scf.yield %scan3A_144 : i32
    }
    %scan3A_8 = arith.constant 320 : i32
    %mul3A_9 = arith.constant 640 : i32
    %mul3A_10 = arith.muli %arg1, %mul3A_9 : i32
    %add3A_11 = arith.constant 0 : i32
    %add3A_12 = arith.addi %mul3A_10, %add3A_11 : i32
    "tpu.region"() ({
      %run_scoped3A = tpu.sem_alloc : memref<!tpu.dma_semaphore, #tpu.memory_space<semaphore_mem>>
      %dma_start3A_105 = arith.constant 0 : i32
      %dma_start3A_106 = tpu.memref_slice %arg31[%add3A_12, %dma_start3A_105] : memref<10240x64xf32, #tpu.memory_space<vmem_shared>> -> memref<80x64xf32, #tpu.memory_space<vmem_shared>>
      %dma_start3A_107 = arith.constant 0 : i32
      %dma_start3A_108 = tpu.memref_slice %arg31[%add3A_12, %dma_start3A_107] : memref<10240x64xf32, #tpu.memory_space<vmem_shared>> -> memref<80x64xf32, #tpu.memory_space<vmem_shared>>
      tpu.enqueue_dma source(%arg14 : memref<80x64xf32, #tpu.memory_space<vmem>>) target(%dma_start3A_108 : memref<80x64xf32, #tpu.memory_space<vmem_shared>>) target_semaphore(%run_scoped3A : memref<!tpu.dma_semaphore, #tpu.memory_space<semaphore_mem>>)
      %dma_wait3A_109 = arith.constant 0 : i32
      %dma_wait3A_110 = tpu.memref_slice %arg31[%add3A_12, %dma_wait3A_109] : memref<10240x64xf32, #tpu.memory_space<vmem_shared>> -> memref<80x64xf32, #tpu.memory_space<vmem_shared>>
      %dma_wait3A_111 = arith.constant 0 : i32
      %dma_wait3A_112 = tpu.memref_slice %arg31[%add3A_12, %dma_wait3A_111] : memref<10240x64xf32, #tpu.memory_space<vmem_shared>> -> memref<80x64xf32, #tpu.memory_space<vmem_shared>>
      tpu.wait_dma2 semaphore(%run_scoped3A : memref<!tpu.dma_semaphore, #tpu.memory_space<semaphore_mem>>) src(%arg14 : memref<80x64xf32, #tpu.memory_space<vmem>>) dst(%dma_wait3A_112 : memref<80x64xf32, #tpu.memory_space<vmem_shared>>)
      tpu.yield
    }) : () -> ()
    %mul3A_13 = arith.constant 640 : i32
    %mul3A_14 = arith.muli %arg1, %mul3A_13 : i32
    %add3A_15 = arith.constant 80 : i32
    %add3A_16 = arith.addi %mul3A_14, %add3A_15 : i32
    "tpu.region"() ({
      %run_scoped3A = tpu.sem_alloc : memref<!tpu.dma_semaphore, #tpu.memory_space<semaphore_mem>>
      %dma_start3A_105 = arith.constant 0 : i32
      %dma_start3A_106 = tpu.memref_slice %arg31[%add3A_16, %dma_start3A_105] : memref<10240x64xf32, #tpu.memory_space<vmem_shared>> -> memref<80x64xf32, #tpu.memory_space<vmem_shared>>
      %dma_start3A_107 = arith.constant 0 : i32
      %dma_start3A_108 = tpu.memref_slice %arg31[%add3A_16, %dma_start3A_107] : memref<10240x64xf32, #tpu.memory_space<vmem_shared>> -> memref<80x64xf32, #tpu.memory_space<vmem_shared>>
      tpu.enqueue_dma source(%arg14 : memref<80x64xf32, #tpu.memory_space<vmem>>) target(%dma_start3A_108 : memref<80x64xf32, #tpu.memory_space<vmem_shared>>) target_semaphore(%run_scoped3A : memref<!tpu.dma_semaphore, #tpu.memory_space<semaphore_mem>>)
      %dma_wait3A_109 = arith.constant 0 : i32
      %dma_wait3A_110 = tpu.memref_slice %arg31[%add3A_16, %dma_wait3A_109] : memref<10240x64xf32, #tpu.memory_space<vmem_shared>> -> memref<80x64xf32, #tpu.memory_space<vmem_shared>>
      %dma_wait3A_111 = arith.constant 0 : i32
      %dma_wait3A_112 = tpu.memref_slice %arg31[%add3A_16, %dma_wait3A_111] : memref<10240x64xf32, #tpu.memory_space<vmem_shared>> -> memref<80x64xf32, #tpu.memory_space<vmem_shared>>
      tpu.wait_dma2 semaphore(%run_scoped3A : memref<!tpu.dma_semaphore, #tpu.memory_space<semaphore_mem>>) src(%arg14 : memref<80x64xf32, #tpu.memory_space<vmem>>) dst(%dma_wait3A_112 : memref<80x64xf32, #tpu.memory_space<vmem_shared>>)
      tpu.yield
    }) : () -> ()
    %mul3A_17 = arith.constant 640 : i32
    %mul3A_18 = arith.muli %arg1, %mul3A_17 : i32
    %add3A_19 = arith.constant 160 : i32
    %add3A_20 = arith.addi %mul3A_18, %add3A_19 : i32
    "tpu.region"() ({
      %run_scoped3A = tpu.sem_alloc : memref<!tpu.dma_semaphore, #tpu.memory_space<semaphore_mem>>
      %dma_start3A_105 = arith.constant 0 : i32
      %dma_start3A_106 = tpu.memref_slice %arg31[%add3A_20, %dma_start3A_105] : memref<10240x64xf32, #tpu.memory_space<vmem_shared>> -> memref<80x64xf32, #tpu.memory_space<vmem_shared>>
      %dma_start3A_107 = arith.constant 0 : i32
      %dma_start3A_108 = tpu.memref_slice %arg31[%add3A_20, %dma_start3A_107] : memref<10240x64xf32, #tpu.memory_space<vmem_shared>> -> memref<80x64xf32, #tpu.memory_space<vmem_shared>>
      tpu.enqueue_dma source(%arg14 : memref<80x64xf32, #tpu.memory_space<vmem>>) target(%dma_start3A_108 : memref<80x64xf32, #tpu.memory_space<vmem_shared>>) target_semaphore(%run_scoped3A : memref<!tpu.dma_semaphore, #tpu.memory_space<semaphore_mem>>)
      %dma_wait3A_109 = arith.constant 0 : i32
      %dma_wait3A_110 = tpu.memref_slice %arg31[%add3A_20, %dma_wait3A_109] : memref<10240x64xf32, #tpu.memory_space<vmem_shared>> -> memref<80x64xf32, #tpu.memory_space<vmem_shared>>
      %dma_wait3A_111 = arith.constant 0 : i32
      %dma_wait3A_112 = tpu.memref_slice %arg31[%add3A_20, %dma_wait3A_111] : memref<10240x64xf32, #tpu.memory_space<vmem_shared>> -> memref<80x64xf32, #tpu.memory_space<vmem_shared>>
      tpu.wait_dma2 semaphore(%run_scoped3A : memref<!tpu.dma_semaphore, #tpu.memory_space<semaphore_mem>>) src(%arg14 : memref<80x64xf32, #tpu.memory_space<vmem>>) dst(%dma_wait3A_112 : memref<80x64xf32, #tpu.memory_space<vmem_shared>>)
      tpu.yield
    }) : () -> ()
    %mul3A_21 = arith.constant 640 : i32
    %mul3A_22 = arith.muli %arg1, %mul3A_21 : i32
    %add3A_23 = arith.constant 240 : i32
    %add3A_24 = arith.addi %mul3A_22, %add3A_23 : i32
    "tpu.region"() ({
      %run_scoped3A = tpu.sem_alloc : memref<!tpu.dma_semaphore, #tpu.memory_space<semaphore_mem>>
      %dma_start3A_105 = arith.constant 0 : i32
      %dma_start3A_106 = tpu.memref_slice %arg31[%add3A_24, %dma_start3A_105] : memref<10240x64xf32, #tpu.memory_space<vmem_shared>> -> memref<80x64xf32, #tpu.memory_space<vmem_shared>>
      %dma_start3A_107 = arith.constant 0 : i32
      %dma_start3A_108 = tpu.memref_slice %arg31[%add3A_24, %dma_start3A_107] : memref<10240x64xf32, #tpu.memory_space<vmem_shared>> -> memref<80x64xf32, #tpu.memory_space<vmem_shared>>
      tpu.enqueue_dma source(%arg14 : memref<80x64xf32, #tpu.memory_space<vmem>>) target(%dma_start3A_108 : memref<80x64xf32, #tpu.memory_space<vmem_shared>>) target_semaphore(%run_scoped3A : memref<!tpu.dma_semaphore, #tpu.memory_space<semaphore_mem>>)
      %dma_wait3A_109 = arith.constant 0 : i32
      %dma_wait3A_110 = tpu.memref_slice %arg31[%add3A_24, %dma_wait3A_109] : memref<10240x64xf32, #tpu.memory_space<vmem_shared>> -> memref<80x64xf32, #tpu.memory_space<vmem_shared>>
      %dma_wait3A_111 = arith.constant 0 : i32
      %dma_wait3A_112 = tpu.memref_slice %arg31[%add3A_24, %dma_wait3A_111] : memref<10240x64xf32, #tpu.memory_space<vmem_shared>> -> memref<80x64xf32, #tpu.memory_space<vmem_shared>>
      tpu.wait_dma2 semaphore(%run_scoped3A : memref<!tpu.dma_semaphore, #tpu.memory_space<semaphore_mem>>) src(%arg14 : memref<80x64xf32, #tpu.memory_space<vmem>>) dst(%dma_wait3A_112 : memref<80x64xf32, #tpu.memory_space<vmem_shared>>)
      tpu.yield
    }) : () -> ()
    %mul3A_25 = arith.constant 640 : i32
    %mul3A_26 = arith.muli %arg1, %mul3A_25 : i32
    %add3A_27 = arith.constant 320 : i32
    %add3A_28 = arith.addi %mul3A_26, %add3A_27 : i32
    "tpu.region"() ({
      %run_scoped3A = tpu.sem_alloc : memref<!tpu.dma_semaphore, #tpu.memory_space<semaphore_mem>>
      %dma_start3A_105 = arith.constant 0 : i32
      %dma_start3A_106 = tpu.memref_slice %arg31[%add3A_28, %dma_start3A_105] : memref<10240x64xf32, #tpu.memory_space<vmem_shared>> -> memref<80x64xf32, #tpu.memory_space<vmem_shared>>
      %dma_start3A_107 = arith.constant 0 : i32
      %dma_start3A_108 = tpu.memref_slice %arg31[%add3A_28, %dma_start3A_107] : memref<10240x64xf32, #tpu.memory_space<vmem_shared>> -> memref<80x64xf32, #tpu.memory_space<vmem_shared>>
      tpu.enqueue_dma source(%arg14 : memref<80x64xf32, #tpu.memory_space<vmem>>) target(%dma_start3A_108 : memref<80x64xf32, #tpu.memory_space<vmem_shared>>) target_semaphore(%run_scoped3A : memref<!tpu.dma_semaphore, #tpu.memory_space<semaphore_mem>>)
      %dma_wait3A_109 = arith.constant 0 : i32
      %dma_wait3A_110 = tpu.memref_slice %arg31[%add3A_28, %dma_wait3A_109] : memref<10240x64xf32, #tpu.memory_space<vmem_shared>> -> memref<80x64xf32, #tpu.memory_space<vmem_shared>>
      %dma_wait3A_111 = arith.constant 0 : i32
      %dma_wait3A_112 = tpu.memref_slice %arg31[%add3A_28, %dma_wait3A_111] : memref<10240x64xf32, #tpu.memory_space<vmem_shared>> -> memref<80x64xf32, #tpu.memory_space<vmem_shared>>
      tpu.wait_dma2 semaphore(%run_scoped3A : memref<!tpu.dma_semaphore, #tpu.memory_space<semaphore_mem>>) src(%arg14 : memref<80x64xf32, #tpu.memory_space<vmem>>) dst(%dma_wait3A_112 : memref<80x64xf32, #tpu.memory_space<vmem_shared>>)
      tpu.yield
    }) : () -> ()
    %mul3A_29 = arith.constant 640 : i32
    %mul3A_30 = arith.muli %arg1, %mul3A_29 : i32
    %add3A_31 = arith.constant 400 : i32
    %add3A_32 = arith.addi %mul3A_30, %add3A_31 : i32
    "tpu.region"() ({
      %run_scoped3A = tpu.sem_alloc : memref<!tpu.dma_semaphore, #tpu.memory_space<semaphore_mem>>
      %dma_start3A_105 = arith.constant 0 : i32
      %dma_start3A_106 = tpu.memref_slice %arg31[%add3A_32, %dma_start3A_105] : memref<10240x64xf32, #tpu.memory_space<vmem_shared>> -> memref<80x64xf32, #tpu.memory_space<vmem_shared>>
      %dma_start3A_107 = arith.constant 0 : i32
      %dma_start3A_108 = tpu.memref_slice %arg31[%add3A_32, %dma_start3A_107] : memref<10240x64xf32, #tpu.memory_space<vmem_shared>> -> memref<80x64xf32, #tpu.memory_space<vmem_shared>>
      tpu.enqueue_dma source(%arg14 : memref<80x64xf32, #tpu.memory_space<vmem>>) target(%dma_start3A_108 : memref<80x64xf32, #tpu.memory_space<vmem_shared>>) target_semaphore(%run_scoped3A : memref<!tpu.dma_semaphore, #tpu.memory_space<semaphore_mem>>)
      %dma_wait3A_109 = arith.constant 0 : i32
      %dma_wait3A_110 = tpu.memref_slice %arg31[%add3A_32, %dma_wait3A_109] : memref<10240x64xf32, #tpu.memory_space<vmem_shared>> -> memref<80x64xf32, #tpu.memory_space<vmem_shared>>
      %dma_wait3A_111 = arith.constant 0 : i32
      %dma_wait3A_112 = tpu.memref_slice %arg31[%add3A_32, %dma_wait3A_111] : memref<10240x64xf32, #tpu.memory_space<vmem_shared>> -> memref<80x64xf32, #tpu.memory_space<vmem_shared>>
      tpu.wait_dma2 semaphore(%run_scoped3A : memref<!tpu.dma_semaphore, #tpu.memory_space<semaphore_mem>>) src(%arg14 : memref<80x64xf32, #tpu.memory_space<vmem>>) dst(%dma_wait3A_112 : memref<80x64xf32, #tpu.memory_space<vmem_shared>>)
      tpu.yield
    }) : () -> ()
    %mul3A_33 = arith.constant 640 : i32
    %mul3A_34 = arith.muli %arg1, %mul3A_33 : i32
    %add3A_35 = arith.constant 480 : i32
    %add3A_36 = arith.addi %mul3A_34, %add3A_35 : i32
    "tpu.region"() ({
      %run_scoped3A = tpu.sem_alloc : memref<!tpu.dma_semaphore, #tpu.memory_space<semaphore_mem>>
      %dma_start3A_105 = arith.constant 0 : i32
      %dma_start3A_106 = tpu.memref_slice %arg31[%add3A_36, %dma_start3A_105] : memref<10240x64xf32, #tpu.memory_space<vmem_shared>> -> memref<80x64xf32, #tpu.memory_space<vmem_shared>>
      %dma_start3A_107 = arith.constant 0 : i32
      %dma_start3A_108 = tpu.memref_slice %arg31[%add3A_36, %dma_start3A_107] : memref<10240x64xf32, #tpu.memory_space<vmem_shared>> -> memref<80x64xf32, #tpu.memory_space<vmem_shared>>
      tpu.enqueue_dma source(%arg14 : memref<80x64xf32, #tpu.memory_space<vmem>>) target(%dma_start3A_108 : memref<80x64xf32, #tpu.memory_space<vmem_shared>>) target_semaphore(%run_scoped3A : memref<!tpu.dma_semaphore, #tpu.memory_space<semaphore_mem>>)
      %dma_wait3A_109 = arith.constant 0 : i32
      %dma_wait3A_110 = tpu.memref_slice %arg31[%add3A_36, %dma_wait3A_109] : memref<10240x64xf32, #tpu.memory_space<vmem_shared>> -> memref<80x64xf32, #tpu.memory_space<vmem_shared>>
      %dma_wait3A_111 = arith.constant 0 : i32
      %dma_wait3A_112 = tpu.memref_slice %arg31[%add3A_36, %dma_wait3A_111] : memref<10240x64xf32, #tpu.memory_space<vmem_shared>> -> memref<80x64xf32, #tpu.memory_space<vmem_shared>>
      tpu.wait_dma2 semaphore(%run_scoped3A : memref<!tpu.dma_semaphore, #tpu.memory_space<semaphore_mem>>) src(%arg14 : memref<80x64xf32, #tpu.memory_space<vmem>>) dst(%dma_wait3A_112 : memref<80x64xf32, #tpu.memory_space<vmem_shared>>)
      tpu.yield
    }) : () -> ()
    %mul3A_37 = arith.constant 640 : i32
    %mul3A_38 = arith.muli %arg1, %mul3A_37 : i32
    %add3A_39 = arith.constant 560 : i32
    %add3A_40 = arith.addi %mul3A_38, %add3A_39 : i32
    "tpu.region"() ({
      %run_scoped3A = tpu.sem_alloc : memref<!tpu.dma_semaphore, #tpu.memory_space<semaphore_mem>>
      %dma_start3A_105 = arith.constant 0 : i32
      %dma_start3A_106 = tpu.memref_slice %arg31[%add3A_40, %dma_start3A_105] : memref<10240x64xf32, #tpu.memory_space<vmem_shared>> -> memref<80x64xf32, #tpu.memory_space<vmem_shared>>
      %dma_start3A_107 = arith.constant 0 : i32
      %dma_start3A_108 = tpu.memref_slice %arg31[%add3A_40, %dma_start3A_107] : memref<10240x64xf32, #tpu.memory_space<vmem_shared>> -> memref<80x64xf32, #tpu.memory_space<vmem_shared>>
      tpu.enqueue_dma source(%arg14 : memref<80x64xf32, #tpu.memory_space<vmem>>) target(%dma_start3A_108 : memref<80x64xf32, #tpu.memory_space<vmem_shared>>) target_semaphore(%run_scoped3A : memref<!tpu.dma_semaphore, #tpu.memory_space<semaphore_mem>>)
      %dma_wait3A_109 = arith.constant 0 : i32
      %dma_wait3A_110 = tpu.memref_slice %arg31[%add3A_40, %dma_wait3A_109] : memref<10240x64xf32, #tpu.memory_space<vmem_shared>> -> memref<80x64xf32, #tpu.memory_space<vmem_shared>>
      %dma_wait3A_111 = arith.constant 0 : i32
      %dma_wait3A_112 = tpu.memref_slice %arg31[%add3A_40, %dma_wait3A_111] : memref<10240x64xf32, #tpu.memory_space<vmem_shared>> -> memref<80x64xf32, #tpu.memory_space<vmem_shared>>
      tpu.wait_dma2 semaphore(%run_scoped3A : memref<!tpu.dma_semaphore, #tpu.memory_space<semaphore_mem>>) src(%arg14 : memref<80x64xf32, #tpu.memory_space<vmem>>) dst(%dma_wait3A_112 : memref<80x64xf32, #tpu.memory_space<vmem_shared>>)
      tpu.yield
    }) : () -> ()
    %barrier3A = arith.constant 0 : index
    tpu.barrier barrier_id(%barrier3A)
    %scan3A_41 = arith.constant 0 : i32
    %scan3A_42 = arith.constant 0 : i32
    %scan3A_43 = arith.constant 31 : i32
    %scan3A_44 = arith.addi %scan3A_42, %scan3A_43 : i32
    %scan3A_45 = arith.constant 1 : i32
    %scan3A_46 = scf.for %scan3A_105 = %scan3A_42 to %scan3A_44 step %scan3A_45 iter_args(%scan3A_106 = %scan3A_41) -> (i32)  : i32 {
      %mul3A_107 = arith.constant 4 : i32
      %mul3A_108 = arith.muli %scan3A_105, %mul3A_107 : i32
      %mul3A_109 = arith.constant 80 : i32
      %mul3A_110 = arith.muli %mul3A_108, %mul3A_109 : i32
      %add3A_111 = arith.addi %mul3A_2, %mul3A_110 : i32
      %add3A_112 = arith.constant 0 : i32
      %add3A_113 = arith.addi %add3A_111, %add3A_112 : i32
      %dma_start3A_114 = tpu.memref_slice %arg3[%add3A_113] : memref<320000xi32, #tpu.memory_space<hbm>> -> memref<80xi32, #tpu.memory_space<hbm>>
      %dma_start3A_115 = tpu.memref_slice %arg3[%add3A_113] : memref<320000xi32, #tpu.memory_space<hbm>> -> memref<80xi32, #tpu.memory_space<hbm>>
      tpu.enqueue_dma source(%dma_start3A_115 : memref<80xi32, #tpu.memory_space<hbm>>) target(%arg6 : memref<80xi32, #tpu.memory_space<vmem>>) target_semaphore(%arg22 : memref<!tpu.dma_semaphore, #tpu.memory_space<semaphore_mem>>)
      %add3A_116 = arith.constant 80 : i32
      %add3A_117 = arith.addi %add3A_111, %add3A_116 : i32
      %dma_start3A_118 = tpu.memref_slice %arg3[%add3A_117] : memref<320000xi32, #tpu.memory_space<hbm>> -> memref<80xi32, #tpu.memory_space<hbm>>
      %dma_start3A_119 = tpu.memref_slice %arg3[%add3A_117] : memref<320000xi32, #tpu.memory_space<hbm>> -> memref<80xi32, #tpu.memory_space<hbm>>
      tpu.enqueue_dma source(%dma_start3A_119 : memref<80xi32, #tpu.memory_space<hbm>>) target(%arg7 : memref<80xi32, #tpu.memory_space<vmem>>) target_semaphore(%arg23 : memref<!tpu.dma_semaphore, #tpu.memory_space<semaphore_mem>>)
      %add3A_120 = arith.constant 160 : i32
      %add3A_121 = arith.addi %add3A_111, %add3A_120 : i32
      %dma_start3A_122 = tpu.memref_slice %arg3[%add3A_121] : memref<320000xi32, #tpu.memory_space<hbm>> -> memref<80xi32, #tpu.memory_space<hbm>>
      %dma_start3A_123 = tpu.memref_slice %arg3[%add3A_121] : memref<320000xi32, #tpu.memory_space<hbm>> -> memref<80xi32, #tpu.memory_space<hbm>>
      tpu.enqueue_dma source(%dma_start3A_123 : memref<80xi32, #tpu.memory_space<hbm>>) target(%arg8 : memref<80xi32, #tpu.memory_space<vmem>>) target_semaphore(%arg24 : memref<!tpu.dma_semaphore, #tpu.memory_space<semaphore_mem>>)
      %add3A_124 = arith.constant 240 : i32
      %add3A_125 = arith.addi %add3A_111, %add3A_124 : i32
      %dma_start3A_126 = tpu.memref_slice %arg3[%add3A_125] : memref<320000xi32, #tpu.memory_space<hbm>> -> memref<80xi32, #tpu.memory_space<hbm>>
      %dma_start3A_127 = tpu.memref_slice %arg3[%add3A_125] : memref<320000xi32, #tpu.memory_space<hbm>> -> memref<80xi32, #tpu.memory_space<hbm>>
      tpu.enqueue_dma source(%dma_start3A_127 : memref<80xi32, #tpu.memory_space<hbm>>) target(%arg9 : memref<80xi32, #tpu.memory_space<vmem>>) target_semaphore(%arg25 : memref<!tpu.dma_semaphore, #tpu.memory_space<semaphore_mem>>)
      %add3A_128 = arith.constant 0 : i32
      %add3A_129 = arith.addi %add3A_111, %add3A_128 : i32
      %dma_start3A_130 = tpu.memref_slice %arg4[%add3A_129] : memref<320000xi32, #tpu.memory_space<hbm>> -> memref<80xi32, #tpu.memory_space<hbm>>
      %dma_start3A_131 = tpu.memref_slice %arg4[%add3A_129] : memref<320000xi32, #tpu.memory_space<hbm>> -> memref<80xi32, #tpu.memory_space<hbm>>
      tpu.enqueue_dma source(%dma_start3A_131 : memref<80xi32, #tpu.memory_space<hbm>>) target(%arg10 : memref<80xi32, #tpu.memory_space<vmem>>) target_semaphore(%arg26 : memref<!tpu.dma_semaphore, #tpu.memory_space<semaphore_mem>>)
      %add3A_132 = arith.constant 80 : i32
      %add3A_133 = arith.addi %add3A_111, %add3A_132 : i32
      %dma_start3A_134 = tpu.memref_slice %arg4[%add3A_133] : memref<320000xi32, #tpu.memory_space<hbm>> -> memref<80xi32, #tpu.memory_space<hbm>>
      %dma_start3A_135 = tpu.memref_slice %arg4[%add3A_133] : memref<320000xi32, #tpu.memory_space<hbm>> -> memref<80xi32, #tpu.memory_space<hbm>>
      tpu.enqueue_dma source(%dma_start3A_135 : memref<80xi32, #tpu.memory_space<hbm>>) target(%arg11 : memref<80xi32, #tpu.memory_space<vmem>>) target_semaphore(%arg27 : memref<!tpu.dma_semaphore, #tpu.memory_space<semaphore_mem>>)
      %add3A_136 = arith.constant 160 : i32
      %add3A_137 = arith.addi %add3A_111, %add3A_136 : i32
      %dma_start3A_138 = tpu.memref_slice %arg4[%add3A_137] : memref<320000xi32, #tpu.memory_space<hbm>> -> memref<80xi32, #tpu.memory_space<hbm>>
      %dma_start3A_139 = tpu.memref_slice %arg4[%add3A_137] : memref<320000xi32, #tpu.memory_space<hbm>> -> memref<80xi32, #tpu.memory_space<hbm>>
      tpu.enqueue_dma source(%dma_start3A_139 : memref<80xi32, #tpu.memory_space<hbm>>) target(%arg12 : memref<80xi32, #tpu.memory_space<vmem>>) target_semaphore(%arg28 : memref<!tpu.dma_semaphore, #tpu.memory_space<semaphore_mem>>)
      %add3A_140 = arith.constant 240 : i32
      %add3A_141 = arith.addi %add3A_111, %add3A_140 : i32
      %dma_start3A_142 = tpu.memref_slice %arg4[%add3A_141] : memref<320000xi32, #tpu.memory_space<hbm>> -> memref<80xi32, #tpu.memory_space<hbm>>
      %dma_start3A_143 = tpu.memref_slice %arg4[%add3A_141] : memref<320000xi32, #tpu.memory_space<hbm>> -> memref<80xi32, #tpu.memory_space<hbm>>
      tpu.enqueue_dma source(%dma_start3A_143 : memref<80xi32, #tpu.memory_space<hbm>>) target(%arg13 : memref<80xi32, #tpu.memory_space<vmem>>) target_semaphore(%arg29 : memref<!tpu.dma_semaphore, #tpu.memory_space<semaphore_mem>>)
      %dma_wait3A_144 = tpu.memref_slice %arg3[%add3A_113] : memref<320000xi32, #tpu.memory_space<hbm>> -> memref<80xi32, #tpu.memory_space<hbm>>
      %dma_wait3A_145 = tpu.memref_slice %arg3[%add3A_113] : memref<320000xi32, #tpu.memory_space<hbm>> -> memref<80xi32, #tpu.memory_space<hbm>>
      tpu.wait_dma2 semaphore(%arg22 : memref<!tpu.dma_semaphore, #tpu.memory_space<semaphore_mem>>) src(%dma_wait3A_145 : memref<80xi32, #tpu.memory_space<hbm>>) dst(%arg6 : memref<80xi32, #tpu.memory_space<vmem>>)
      %dma_start3A_146 = arith.constant 0 : i32
      %dma_start3A_147 = arith.constant 0 : i32
      %dma_start3A_148 = tpu.memref_slice %arg2[%dma_start3A_146, %dma_start3A_147] : memref<10000x64xf32, #tpu.memory_space<hbm>> -> memref<10000x64xf32, #tpu.memory_space<hbm>>
      tpu.enqueue_indirect_dma source(%dma_start3A_148 : memref<10000x64xf32, #tpu.memory_space<hbm>>) target(%arg14 : memref<80x64xf32, #tpu.memory_space<vmem>>) offsets(%arg6 : memref<80xi32, #tpu.memory_space<vmem>>) semaphore(%arg18 : memref<!tpu.dma_semaphore, #tpu.memory_space<semaphore_mem>>)
      %dma_wait3A_149 = tpu.memref_slice %arg3[%add3A_117] : memref<320000xi32, #tpu.memory_space<hbm>> -> memref<80xi32, #tpu.memory_space<hbm>>
      %dma_wait3A_150 = tpu.memref_slice %arg3[%add3A_117] : memref<320000xi32, #tpu.memory_space<hbm>> -> memref<80xi32, #tpu.memory_space<hbm>>
      tpu.wait_dma2 semaphore(%arg23 : memref<!tpu.dma_semaphore, #tpu.memory_space<semaphore_mem>>) src(%dma_wait3A_150 : memref<80xi32, #tpu.memory_space<hbm>>) dst(%arg7 : memref<80xi32, #tpu.memory_space<vmem>>)
      %dma_start3A_151 = arith.constant 0 : i32
      %dma_start3A_152 = arith.constant 0 : i32
      %dma_start3A_153 = tpu.memref_slice %arg2[%dma_start3A_151, %dma_start3A_152] : memref<10000x64xf32, #tpu.memory_space<hbm>> -> memref<10000x64xf32, #tpu.memory_space<hbm>>
      tpu.enqueue_indirect_dma source(%dma_start3A_153 : memref<10000x64xf32, #tpu.memory_space<hbm>>) target(%arg15 : memref<80x64xf32, #tpu.memory_space<vmem>>) offsets(%arg7 : memref<80xi32, #tpu.memory_space<vmem>>) semaphore(%arg19 : memref<!tpu.dma_semaphore, #tpu.memory_space<semaphore_mem>>)
      %dma_wait3A_154 = tpu.memref_slice %arg3[%add3A_121] : memref<320000xi32, #tpu.memory_space<hbm>> -> memref<80xi32, #tpu.memory_space<hbm>>
      %dma_wait3A_155 = tpu.memref_slice %arg3[%add3A_121] : memref<320000xi32, #tpu.memory_space<hbm>> -> memref<80xi32, #tpu.memory_space<hbm>>
      tpu.wait_dma2 semaphore(%arg24 : memref<!tpu.dma_semaphore, #tpu.memory_space<semaphore_mem>>) src(%dma_wait3A_155 : memref<80xi32, #tpu.memory_space<hbm>>) dst(%arg8 : memref<80xi32, #tpu.memory_space<vmem>>)
      %dma_start3A_156 = arith.constant 0 : i32
      %dma_start3A_157 = arith.constant 0 : i32
      %dma_start3A_158 = tpu.memref_slice %arg2[%dma_start3A_156, %dma_start3A_157] : memref<10000x64xf32, #tpu.memory_space<hbm>> -> memref<10000x64xf32, #tpu.memory_space<hbm>>
      tpu.enqueue_indirect_dma source(%dma_start3A_158 : memref<10000x64xf32, #tpu.memory_space<hbm>>) target(%arg16 : memref<80x64xf32, #tpu.memory_space<vmem>>) offsets(%arg8 : memref<80xi32, #tpu.memory_space<vmem>>) semaphore(%arg20 : memref<!tpu.dma_semaphore, #tpu.memory_space<semaphore_mem>>)
      %dma_wait3A_159 = tpu.memref_slice %arg3[%add3A_125] : memref<320000xi32, #tpu.memory_space<hbm>> -> memref<80xi32, #tpu.memory_space<hbm>>
      %dma_wait3A_160 = tpu.memref_slice %arg3[%add3A_125] : memref<320000xi32, #tpu.memory_space<hbm>> -> memref<80xi32, #tpu.memory_space<hbm>>
      tpu.wait_dma2 semaphore(%arg25 : memref<!tpu.dma_semaphore, #tpu.memory_space<semaphore_mem>>) src(%dma_wait3A_160 : memref<80xi32, #tpu.memory_space<hbm>>) dst(%arg9 : memref<80xi32, #tpu.memory_space<vmem>>)
      %dma_start3A_161 = arith.constant 0 : i32
      %dma_start3A_162 = arith.constant 0 : i32
      %dma_start3A_163 = tpu.memref_slice %arg2[%dma_start3A_161, %dma_start3A_162] : memref<10000x64xf32, #tpu.memory_space<hbm>> -> memref<10000x64xf32, #tpu.memory_space<hbm>>
      tpu.enqueue_indirect_dma source(%dma_start3A_163 : memref<10000x64xf32, #tpu.memory_space<hbm>>) target(%arg17 : memref<80x64xf32, #tpu.memory_space<vmem>>) offsets(%arg9 : memref<80xi32, #tpu.memory_space<vmem>>) semaphore(%arg21 : memref<!tpu.dma_semaphore, #tpu.memory_space<semaphore_mem>>)
      %dma_wait3A_164 = tpu.memref_slice %arg4[%add3A_129] : memref<320000xi32, #tpu.memory_space<hbm>> -> memref<80xi32, #tpu.memory_space<hbm>>
      %dma_wait3A_165 = tpu.memref_slice %arg4[%add3A_129] : memref<320000xi32, #tpu.memory_space<hbm>> -> memref<80xi32, #tpu.memory_space<hbm>>
      tpu.wait_dma2 semaphore(%arg26 : memref<!tpu.dma_semaphore, #tpu.memory_space<semaphore_mem>>) src(%dma_wait3A_165 : memref<80xi32, #tpu.memory_space<hbm>>) dst(%arg10 : memref<80xi32, #tpu.memory_space<vmem>>)
      %dma_wait3A_166 = tpu.memref_slice %arg4[%add3A_133] : memref<320000xi32, #tpu.memory_space<hbm>> -> memref<80xi32, #tpu.memory_space<hbm>>
      %dma_wait3A_167 = tpu.memref_slice %arg4[%add3A_133] : memref<320000xi32, #tpu.memory_space<hbm>> -> memref<80xi32, #tpu.memory_space<hbm>>
      tpu.wait_dma2 semaphore(%arg27 : memref<!tpu.dma_semaphore, #tpu.memory_space<semaphore_mem>>) src(%dma_wait3A_167 : memref<80xi32, #tpu.memory_space<hbm>>) dst(%arg11 : memref<80xi32, #tpu.memory_space<vmem>>)
      %dma_wait3A_168 = tpu.memref_slice %arg4[%add3A_137] : memref<320000xi32, #tpu.memory_space<hbm>> -> memref<80xi32, #tpu.memory_space<hbm>>
      %dma_wait3A_169 = tpu.memref_slice %arg4[%add3A_137] : memref<320000xi32, #tpu.memory_space<hbm>> -> memref<80xi32, #tpu.memory_space<hbm>>
      tpu.wait_dma2 semaphore(%arg28 : memref<!tpu.dma_semaphore, #tpu.memory_space<semaphore_mem>>) src(%dma_wait3A_169 : memref<80xi32, #tpu.memory_space<hbm>>) dst(%arg12 : memref<80xi32, #tpu.memory_space<vmem>>)
      %dma_wait3A_170 = tpu.memref_slice %arg4[%add3A_141] : memref<320000xi32, #tpu.memory_space<hbm>> -> memref<80xi32, #tpu.memory_space<hbm>>
      %dma_wait3A_171 = tpu.memref_slice %arg4[%add3A_141] : memref<320000xi32, #tpu.memory_space<hbm>> -> memref<80xi32, #tpu.memory_space<hbm>>
      tpu.wait_dma2 semaphore(%arg29 : memref<!tpu.dma_semaphore, #tpu.memory_space<semaphore_mem>>) src(%dma_wait3A_171 : memref<80xi32, #tpu.memory_space<hbm>>) dst(%arg13 : memref<80xi32, #tpu.memory_space<vmem>>)
      %dma_wait3A_172 = arith.constant 0 : i32
      %dma_wait3A_173 = arith.constant 0 : i32
      %dma_wait3A_174 = tpu.memref_slice %arg2[%dma_wait3A_172, %dma_wait3A_173] : memref<10000x64xf32, #tpu.memory_space<hbm>> -> memref<10000x64xf32, #tpu.memory_space<hbm>>
      tpu.wait_indirect_dma semaphore(%arg18 : memref<!tpu.dma_semaphore, #tpu.memory_space<semaphore_mem>>) src(%dma_wait3A_174 : memref<10000x64xf32, #tpu.memory_space<hbm>>) dst(%arg14 : memref<80x64xf32, #tpu.memory_space<vmem>>)
      %dma_start3A_175 = arith.constant 0 : i32
      %dma_start3A_176 = arith.constant 0 : i32
      %dma_start3A_177 = tpu.memref_slice %arg31[%dma_start3A_175, %dma_start3A_176] : memref<10240x64xf32, #tpu.memory_space<vmem_shared>> -> memref<10240x64xf32, #tpu.memory_space<vmem_shared>>
      tpu.enqueue_indirect_dma source(%arg14 : memref<80x64xf32, #tpu.memory_space<vmem>>) target(%dma_start3A_177 : memref<10240x64xf32, #tpu.memory_space<vmem_shared>>) offsets(%arg10 : memref<80xi32, #tpu.memory_space<vmem>>) semaphore(%arg30 : memref<!tpu.dma_semaphore, #tpu.memory_space<semaphore_mem>>) {add = true}
      %dma_wait3A_178 = arith.constant 0 : i32
      %dma_wait3A_179 = arith.constant 0 : i32
      %dma_wait3A_180 = tpu.memref_slice %arg2[%dma_wait3A_178, %dma_wait3A_179] : memref<10000x64xf32, #tpu.memory_space<hbm>> -> memref<10000x64xf32, #tpu.memory_space<hbm>>
      tpu.wait_indirect_dma semaphore(%arg19 : memref<!tpu.dma_semaphore, #tpu.memory_space<semaphore_mem>>) src(%dma_wait3A_180 : memref<10000x64xf32, #tpu.memory_space<hbm>>) dst(%arg15 : memref<80x64xf32, #tpu.memory_space<vmem>>)
      %dma_start3A_181 = arith.constant 0 : i32
      %dma_start3A_182 = arith.constant 0 : i32
      %dma_start3A_183 = tpu.memref_slice %arg31[%dma_start3A_181, %dma_start3A_182] : memref<10240x64xf32, #tpu.memory_space<vmem_shared>> -> memref<10240x64xf32, #tpu.memory_space<vmem_shared>>
      tpu.enqueue_indirect_dma source(%arg15 : memref<80x64xf32, #tpu.memory_space<vmem>>) target(%dma_start3A_183 : memref<10240x64xf32, #tpu.memory_space<vmem_shared>>) offsets(%arg11 : memref<80xi32, #tpu.memory_space<vmem>>) semaphore(%arg30 : memref<!tpu.dma_semaphore, #tpu.memory_space<semaphore_mem>>) {add = true}
      %dma_wait3A_184 = arith.constant 0 : i32
      %dma_wait3A_185 = arith.constant 0 : i32
      %dma_wait3A_186 = tpu.memref_slice %arg2[%dma_wait3A_184, %dma_wait3A_185] : memref<10000x64xf32, #tpu.memory_space<hbm>> -> memref<10000x64xf32, #tpu.memory_space<hbm>>
      tpu.wait_indirect_dma semaphore(%arg20 : memref<!tpu.dma_semaphore, #tpu.memory_space<semaphore_mem>>) src(%dma_wait3A_186 : memref<10000x64xf32, #tpu.memory_space<hbm>>) dst(%arg16 : memref<80x64xf32, #tpu.memory_space<vmem>>)
      %dma_start3A_187 = arith.constant 0 : i32
      %dma_start3A_188 = arith.constant 0 : i32
      %dma_start3A_189 = tpu.memref_slice %arg31[%dma_start3A_187, %dma_start3A_188] : memref<10240x64xf32, #tpu.memory_space<vmem_shared>> -> memref<10240x64xf32, #tpu.memory_space<vmem_shared>>
      tpu.enqueue_indirect_dma source(%arg16 : memref<80x64xf32, #tpu.memory_space<vmem>>) target(%dma_start3A_189 : memref<10240x64xf32, #tpu.memory_space<vmem_shared>>) offsets(%arg12 : memref<80xi32, #tpu.memory_space<vmem>>) semaphore(%arg30 : memref<!tpu.dma_semaphore, #tpu.memory_space<semaphore_mem>>) {add = true}
      %dma_wait3A_190 = arith.constant 0 : i32
      %dma_wait3A_191 = arith.constant 0 : i32
      %dma_wait3A_192 = tpu.memref_slice %arg2[%dma_wait3A_190, %dma_wait3A_191] : memref<10000x64xf32, #tpu.memory_space<hbm>> -> memref<10000x64xf32, #tpu.memory_space<hbm>>
      tpu.wait_indirect_dma semaphore(%arg21 : memref<!tpu.dma_semaphore, #tpu.memory_space<semaphore_mem>>) src(%dma_wait3A_192 : memref<10000x64xf32, #tpu.memory_space<hbm>>) dst(%arg17 : memref<80x64xf32, #tpu.memory_space<vmem>>)
      %dma_start3A_193 = arith.constant 0 : i32
      %dma_start3A_194 = arith.constant 0 : i32
      %dma_start3A_195 = tpu.memref_slice %arg31[%dma_start3A_193, %dma_start3A_194] : memref<10240x64xf32, #tpu.memory_space<vmem_shared>> -> memref<10240x64xf32, #tpu.memory_space<vmem_shared>>
      tpu.enqueue_indirect_dma source(%arg17 : memref<80x64xf32, #tpu.memory_space<vmem>>) target(%dma_start3A_195 : memref<10240x64xf32, #tpu.memory_space<vmem_shared>>) offsets(%arg13 : memref<80xi32, #tpu.memory_space<vmem>>) semaphore(%arg30 : memref<!tpu.dma_semaphore, #tpu.memory_space<semaphore_mem>>) {add = true}
      %dma_wait3A_196 = arith.constant 0 : i32
      %dma_wait3A_197 = arith.constant 0 : i32
      %dma_wait3A_198 = tpu.memref_slice %arg31[%dma_wait3A_196, %dma_wait3A_197] : memref<10240x64xf32, #tpu.memory_space<vmem_shared>> -> memref<10240x64xf32, #tpu.memory_space<vmem_shared>>
      tpu.wait_indirect_dma semaphore(%arg30 : memref<!tpu.dma_semaphore, #tpu.memory_space<semaphore_mem>>) src(%arg14 : memref<80x64xf32, #tpu.memory_space<vmem>>) dst(%dma_wait3A_198 : memref<10240x64xf32, #tpu.memory_space<vmem_shared>>)
      %dma_wait3A_199 = arith.constant 0 : i32
      %dma_wait3A_200 = arith.constant 0 : i32
      %dma_wait3A_201 = tpu.memref_slice %arg31[%dma_wait3A_199, %dma_wait3A_200] : memref<10240x64xf32, #tpu.memory_space<vmem_shared>> -> memref<10240x64xf32, #tpu.memory_space<vmem_shared>>
      tpu.wait_indirect_dma semaphore(%arg30 : memref<!tpu.dma_semaphore, #tpu.memory_space<semaphore_mem>>) src(%arg15 : memref<80x64xf32, #tpu.memory_space<vmem>>) dst(%dma_wait3A_201 : memref<10240x64xf32, #tpu.memory_space<vmem_shared>>)
      %dma_wait3A_202 = arith.constant 0 : i32
      %dma_wait3A_203 = arith.constant 0 : i32
      %dma_wait3A_204 = tpu.memref_slice %arg31[%dma_wait3A_202, %dma_wait3A_203] : memref<10240x64xf32, #tpu.memory_space<vmem_shared>> -> memref<10240x64xf32, #tpu.memory_space<vmem_shared>>
      tpu.wait_indirect_dma semaphore(%arg30 : memref<!tpu.dma_semaphore, #tpu.memory_space<semaphore_mem>>) src(%arg16 : memref<80x64xf32, #tpu.memory_space<vmem>>) dst(%dma_wait3A_204 : memref<10240x64xf32, #tpu.memory_space<vmem_shared>>)
      %dma_wait3A_205 = arith.constant 0 : i32
      %dma_wait3A_206 = arith.constant 0 : i32
      %dma_wait3A_207 = tpu.memref_slice %arg31[%dma_wait3A_205, %dma_wait3A_206] : memref<10240x64xf32, #tpu.memory_space<vmem_shared>> -> memref<10240x64xf32, #tpu.memory_space<vmem_shared>>
      tpu.wait_indirect_dma semaphore(%arg30 : memref<!tpu.dma_semaphore, #tpu.memory_space<semaphore_mem>>) src(%arg17 : memref<80x64xf32, #tpu.memory_space<vmem>>) dst(%dma_wait3A_207 : memref<10240x64xf32, #tpu.memory_space<vmem_shared>>)
      %scan3A_208 = arith.constant 0 : i32
      scf.yield %scan3A_208 : i32
    }
    %scan3A_47 = arith.constant 31 : i32
    %add3A_48 = arith.constant 9920 : i32
    %add3A_49 = arith.addi %mul3A_2, %add3A_48 : i32
    %add3A_50 = arith.constant 0 : i32
    %add3A_51 = arith.addi %add3A_49, %add3A_50 : i32
    %dma_start3A = tpu.memref_slice %arg3[%add3A_51] : memref<320000xi32, #tpu.memory_space<hbm>> -> memref<80xi32, #tpu.memory_space<hbm>>
    %dma_start3A_52 = tpu.memref_slice %arg3[%add3A_51] : memref<320000xi32, #tpu.memory_space<hbm>> -> memref<80xi32, #tpu.memory_space<hbm>>
    tpu.enqueue_dma source(%dma_start3A_52 : memref<80xi32, #tpu.memory_space<hbm>>) target(%arg6 : memref<80xi32, #tpu.memory_space<vmem>>) target_semaphore(%arg22 : memref<!tpu.dma_semaphore, #tpu.memory_space<semaphore_mem>>)
    %add3A_53 = arith.constant 0 : i32
    %add3A_54 = arith.addi %add3A_49, %add3A_53 : i32
    %dma_start3A_55 = tpu.memref_slice %arg4[%add3A_54] : memref<320000xi32, #tpu.memory_space<hbm>> -> memref<80xi32, #tpu.memory_space<hbm>>
    %dma_start3A_56 = tpu.memref_slice %arg4[%add3A_54] : memref<320000xi32, #tpu.memory_space<hbm>> -> memref<80xi32, #tpu.memory_space<hbm>>
    tpu.enqueue_dma source(%dma_start3A_56 : memref<80xi32, #tpu.memory_space<hbm>>) target(%arg10 : memref<80xi32, #tpu.memory_space<vmem>>) target_semaphore(%arg26 : memref<!tpu.dma_semaphore, #tpu.memory_space<semaphore_mem>>)
    %dma_wait3A = tpu.memref_slice %arg3[%add3A_51] : memref<320000xi32, #tpu.memory_space<hbm>> -> memref<80xi32, #tpu.memory_space<hbm>>
    %dma_wait3A_57 = tpu.memref_slice %arg3[%add3A_51] : memref<320000xi32, #tpu.memory_space<hbm>> -> memref<80xi32, #tpu.memory_space<hbm>>
    tpu.wait_dma2 semaphore(%arg22 : memref<!tpu.dma_semaphore, #tpu.memory_space<semaphore_mem>>) src(%dma_wait3A_57 : memref<80xi32, #tpu.memory_space<hbm>>) dst(%arg6 : memref<80xi32, #tpu.memory_space<vmem>>)
    %dma_start3A_58 = arith.constant 0 : i32
    %dma_start3A_59 = arith.constant 0 : i32
    %dma_start3A_60 = tpu.memref_slice %arg2[%dma_start3A_58, %dma_start3A_59] : memref<10000x64xf32, #tpu.memory_space<hbm>> -> memref<10000x64xf32, #tpu.memory_space<hbm>>
    tpu.enqueue_indirect_dma source(%dma_start3A_60 : memref<10000x64xf32, #tpu.memory_space<hbm>>) target(%arg14 : memref<80x64xf32, #tpu.memory_space<vmem>>) offsets(%arg6 : memref<80xi32, #tpu.memory_space<vmem>>) semaphore(%arg18 : memref<!tpu.dma_semaphore, #tpu.memory_space<semaphore_mem>>)
    %dma_wait3A_61 = tpu.memref_slice %arg4[%add3A_54] : memref<320000xi32, #tpu.memory_space<hbm>> -> memref<80xi32, #tpu.memory_space<hbm>>
    %dma_wait3A_62 = tpu.memref_slice %arg4[%add3A_54] : memref<320000xi32, #tpu.memory_space<hbm>> -> memref<80xi32, #tpu.memory_space<hbm>>
    tpu.wait_dma2 semaphore(%arg26 : memref<!tpu.dma_semaphore, #tpu.memory_space<semaphore_mem>>) src(%dma_wait3A_62 : memref<80xi32, #tpu.memory_space<hbm>>) dst(%arg10 : memref<80xi32, #tpu.memory_space<vmem>>)
    %dma_wait3A_63 = arith.constant 0 : i32
    %dma_wait3A_64 = arith.constant 0 : i32
    %dma_wait3A_65 = tpu.memref_slice %arg2[%dma_wait3A_63, %dma_wait3A_64] : memref<10000x64xf32, #tpu.memory_space<hbm>> -> memref<10000x64xf32, #tpu.memory_space<hbm>>
    tpu.wait_indirect_dma semaphore(%arg18 : memref<!tpu.dma_semaphore, #tpu.memory_space<semaphore_mem>>) src(%dma_wait3A_65 : memref<10000x64xf32, #tpu.memory_space<hbm>>) dst(%arg14 : memref<80x64xf32, #tpu.memory_space<vmem>>)
    %dma_start3A_66 = arith.constant 0 : i32
    %dma_start3A_67 = arith.constant 0 : i32
    %dma_start3A_68 = tpu.memref_slice %arg31[%dma_start3A_66, %dma_start3A_67] : memref<10240x64xf32, #tpu.memory_space<vmem_shared>> -> memref<10240x64xf32, #tpu.memory_space<vmem_shared>>
    tpu.enqueue_indirect_dma source(%arg14 : memref<80x64xf32, #tpu.memory_space<vmem>>) target(%dma_start3A_68 : memref<10240x64xf32, #tpu.memory_space<vmem_shared>>) offsets(%arg10 : memref<80xi32, #tpu.memory_space<vmem>>) semaphore(%arg30 : memref<!tpu.dma_semaphore, #tpu.memory_space<semaphore_mem>>) {add = true}
    %dma_wait3A_69 = arith.constant 0 : i32
    %dma_wait3A_70 = arith.constant 0 : i32
    %dma_wait3A_71 = tpu.memref_slice %arg31[%dma_wait3A_69, %dma_wait3A_70] : memref<10240x64xf32, #tpu.memory_space<vmem_shared>> -> memref<10240x64xf32, #tpu.memory_space<vmem_shared>>
    tpu.wait_indirect_dma semaphore(%arg30 : memref<!tpu.dma_semaphore, #tpu.memory_space<semaphore_mem>>) src(%arg14 : memref<80x64xf32, #tpu.memory_space<vmem>>) dst(%dma_wait3A_71 : memref<10240x64xf32, #tpu.memory_space<vmem_shared>>)
    %barrier3A_72 = arith.constant 0 : index
    tpu.barrier barrier_id(%barrier3A_72)
    %mul3A_73 = arith.constant 640 : i32
    %mul3A_74 = arith.muli %arg1, %mul3A_73 : i32
    %add3A_75 = arith.constant 0 : i32
    %add3A_76 = arith.addi %mul3A_74, %add3A_75 : i32
    "tpu.region"() ({
      %run_scoped3A = tpu.sem_alloc : memref<!tpu.dma_semaphore, #tpu.memory_space<semaphore_mem>>
      %dma_start3A_105 = arith.constant 0 : i32
      %dma_start3A_106 = tpu.memref_slice %arg5[%arg0, %add3A_76, %dma_start3A_105] : memref<2x10240x64xf32, #tpu.memory_space<hbm>> -> memref<1x80x64xf32, #tpu.memory_space<hbm>>
      %dma_start3A_107 = tpu.memref_squeeze %dma_start3A_106 : memref<1x80x64xf32, #tpu.memory_space<hbm>> -> memref<80x64xf32, #tpu.memory_space<hbm>>
      %dma_start3A_108 = arith.constant 0 : i32
      %dma_start3A_109 = tpu.memref_slice %arg31[%add3A_76, %dma_start3A_108] : memref<10240x64xf32, #tpu.memory_space<vmem_shared>> -> memref<80x64xf32, #tpu.memory_space<vmem_shared>>
      tpu.enqueue_dma source(%dma_start3A_109 : memref<80x64xf32, #tpu.memory_space<vmem_shared>>) target(%dma_start3A_107 : memref<80x64xf32, #tpu.memory_space<hbm>>) target_semaphore(%run_scoped3A : memref<!tpu.dma_semaphore, #tpu.memory_space<semaphore_mem>>)
      %dma_wait3A_110 = arith.constant 0 : i32
      %dma_wait3A_111 = tpu.memref_slice %arg5[%arg0, %add3A_76, %dma_wait3A_110] : memref<2x10240x64xf32, #tpu.memory_space<hbm>> -> memref<1x80x64xf32, #tpu.memory_space<hbm>>
      %dma_wait3A_112 = tpu.memref_squeeze %dma_wait3A_111 : memref<1x80x64xf32, #tpu.memory_space<hbm>> -> memref<80x64xf32, #tpu.memory_space<hbm>>
      %dma_wait3A_113 = arith.constant 0 : i32
      %dma_wait3A_114 = tpu.memref_slice %arg31[%add3A_76, %dma_wait3A_113] : memref<10240x64xf32, #tpu.memory_space<vmem_shared>> -> memref<80x64xf32, #tpu.memory_space<vmem_shared>>
      tpu.wait_dma2 semaphore(%run_scoped3A : memref<!tpu.dma_semaphore, #tpu.memory_space<semaphore_mem>>) src(%dma_wait3A_114 : memref<80x64xf32, #tpu.memory_space<vmem_shared>>) dst(%dma_wait3A_112 : memref<80x64xf32, #tpu.memory_space<hbm>>)
      tpu.yield
    }) : () -> ()
    %mul3A_77 = arith.constant 640 : i32
    %mul3A_78 = arith.muli %arg1, %mul3A_77 : i32
    %add3A_79 = arith.constant 80 : i32
    %add3A_80 = arith.addi %mul3A_78, %add3A_79 : i32
    "tpu.region"() ({
      %run_scoped3A = tpu.sem_alloc : memref<!tpu.dma_semaphore, #tpu.memory_space<semaphore_mem>>
      %dma_start3A_105 = arith.constant 0 : i32
      %dma_start3A_106 = tpu.memref_slice %arg5[%arg0, %add3A_80, %dma_start3A_105] : memref<2x10240x64xf32, #tpu.memory_space<hbm>> -> memref<1x80x64xf32, #tpu.memory_space<hbm>>
      %dma_start3A_107 = tpu.memref_squeeze %dma_start3A_106 : memref<1x80x64xf32, #tpu.memory_space<hbm>> -> memref<80x64xf32, #tpu.memory_space<hbm>>
      %dma_start3A_108 = arith.constant 0 : i32
      %dma_start3A_109 = tpu.memref_slice %arg31[%add3A_80, %dma_start3A_108] : memref<10240x64xf32, #tpu.memory_space<vmem_shared>> -> memref<80x64xf32, #tpu.memory_space<vmem_shared>>
      tpu.enqueue_dma source(%dma_start3A_109 : memref<80x64xf32, #tpu.memory_space<vmem_shared>>) target(%dma_start3A_107 : memref<80x64xf32, #tpu.memory_space<hbm>>) target_semaphore(%run_scoped3A : memref<!tpu.dma_semaphore, #tpu.memory_space<semaphore_mem>>)
      %dma_wait3A_110 = arith.constant 0 : i32
      %dma_wait3A_111 = tpu.memref_slice %arg5[%arg0, %add3A_80, %dma_wait3A_110] : memref<2x10240x64xf32, #tpu.memory_space<hbm>> -> memref<1x80x64xf32, #tpu.memory_space<hbm>>
      %dma_wait3A_112 = tpu.memref_squeeze %dma_wait3A_111 : memref<1x80x64xf32, #tpu.memory_space<hbm>> -> memref<80x64xf32, #tpu.memory_space<hbm>>
      %dma_wait3A_113 = arith.constant 0 : i32
      %dma_wait3A_114 = tpu.memref_slice %arg31[%add3A_80, %dma_wait3A_113] : memref<10240x64xf32, #tpu.memory_space<vmem_shared>> -> memref<80x64xf32, #tpu.memory_space<vmem_shared>>
      tpu.wait_dma2 semaphore(%run_scoped3A : memref<!tpu.dma_semaphore, #tpu.memory_space<semaphore_mem>>) src(%dma_wait3A_114 : memref<80x64xf32, #tpu.memory_space<vmem_shared>>) dst(%dma_wait3A_112 : memref<80x64xf32, #tpu.memory_space<hbm>>)
      tpu.yield
    }) : () -> ()
    %mul3A_81 = arith.constant 640 : i32
    %mul3A_82 = arith.muli %arg1, %mul3A_81 : i32
    %add3A_83 = arith.constant 160 : i32
    %add3A_84 = arith.addi %mul3A_82, %add3A_83 : i32
    "tpu.region"() ({
      %run_scoped3A = tpu.sem_alloc : memref<!tpu.dma_semaphore, #tpu.memory_space<semaphore_mem>>
      %dma_start3A_105 = arith.constant 0 : i32
      %dma_start3A_106 = tpu.memref_slice %arg5[%arg0, %add3A_84, %dma_start3A_105] : memref<2x10240x64xf32, #tpu.memory_space<hbm>> -> memref<1x80x64xf32, #tpu.memory_space<hbm>>
      %dma_start3A_107 = tpu.memref_squeeze %dma_start3A_106 : memref<1x80x64xf32, #tpu.memory_space<hbm>> -> memref<80x64xf32, #tpu.memory_space<hbm>>
      %dma_start3A_108 = arith.constant 0 : i32
      %dma_start3A_109 = tpu.memref_slice %arg31[%add3A_84, %dma_start3A_108] : memref<10240x64xf32, #tpu.memory_space<vmem_shared>> -> memref<80x64xf32, #tpu.memory_space<vmem_shared>>
      tpu.enqueue_dma source(%dma_start3A_109 : memref<80x64xf32, #tpu.memory_space<vmem_shared>>) target(%dma_start3A_107 : memref<80x64xf32, #tpu.memory_space<hbm>>) target_semaphore(%run_scoped3A : memref<!tpu.dma_semaphore, #tpu.memory_space<semaphore_mem>>)
      %dma_wait3A_110 = arith.constant 0 : i32
      %dma_wait3A_111 = tpu.memref_slice %arg5[%arg0, %add3A_84, %dma_wait3A_110] : memref<2x10240x64xf32, #tpu.memory_space<hbm>> -> memref<1x80x64xf32, #tpu.memory_space<hbm>>
      %dma_wait3A_112 = tpu.memref_squeeze %dma_wait3A_111 : memref<1x80x64xf32, #tpu.memory_space<hbm>> -> memref<80x64xf32, #tpu.memory_space<hbm>>
      %dma_wait3A_113 = arith.constant 0 : i32
      %dma_wait3A_114 = tpu.memref_slice %arg31[%add3A_84, %dma_wait3A_113] : memref<10240x64xf32, #tpu.memory_space<vmem_shared>> -> memref<80x64xf32, #tpu.memory_space<vmem_shared>>
      tpu.wait_dma2 semaphore(%run_scoped3A : memref<!tpu.dma_semaphore, #tpu.memory_space<semaphore_mem>>) src(%dma_wait3A_114 : memref<80x64xf32, #tpu.memory_space<vmem_shared>>) dst(%dma_wait3A_112 : memref<80x64xf32, #tpu.memory_space<hbm>>)
      tpu.yield
    }) : () -> ()
    %mul3A_85 = arith.constant 640 : i32
    %mul3A_86 = arith.muli %arg1, %mul3A_85 : i32
    %add3A_87 = arith.constant 240 : i32
    %add3A_88 = arith.addi %mul3A_86, %add3A_87 : i32
    "tpu.region"() ({
      %run_scoped3A = tpu.sem_alloc : memref<!tpu.dma_semaphore, #tpu.memory_space<semaphore_mem>>
      %dma_start3A_105 = arith.constant 0 : i32
      %dma_start3A_106 = tpu.memref_slice %arg5[%arg0, %add3A_88, %dma_start3A_105] : memref<2x10240x64xf32, #tpu.memory_space<hbm>> -> memref<1x80x64xf32, #tpu.memory_space<hbm>>
      %dma_start3A_107 = tpu.memref_squeeze %dma_start3A_106 : memref<1x80x64xf32, #tpu.memory_space<hbm>> -> memref<80x64xf32, #tpu.memory_space<hbm>>
      %dma_start3A_108 = arith.constant 0 : i32
      %dma_start3A_109 = tpu.memref_slice %arg31[%add3A_88, %dma_start3A_108] : memref<10240x64xf32, #tpu.memory_space<vmem_shared>> -> memref<80x64xf32, #tpu.memory_space<vmem_shared>>
      tpu.enqueue_dma source(%dma_start3A_109 : memref<80x64xf32, #tpu.memory_space<vmem_shared>>) target(%dma_start3A_107 : memref<80x64xf32, #tpu.memory_space<hbm>>) target_semaphore(%run_scoped3A : memref<!tpu.dma_semaphore, #tpu.memory_space<semaphore_mem>>)
      %dma_wait3A_110 = arith.constant 0 : i32
      %dma_wait3A_111 = tpu.memref_slice %arg5[%arg0, %add3A_88, %dma_wait3A_110] : memref<2x10240x64xf32, #tpu.memory_space<hbm>> -> memref<1x80x64xf32, #tpu.memory_space<hbm>>
      %dma_wait3A_112 = tpu.memref_squeeze %dma_wait3A_111 : memref<1x80x64xf32, #tpu.memory_space<hbm>> -> memref<80x64xf32, #tpu.memory_space<hbm>>
      %dma_wait3A_113 = arith.constant 0 : i32
      %dma_wait3A_114 = tpu.memref_slice %arg31[%add3A_88, %dma_wait3A_113] : memref<10240x64xf32, #tpu.memory_space<vmem_shared>> -> memref<80x64xf32, #tpu.memory_space<vmem_shared>>
      tpu.wait_dma2 semaphore(%run_scoped3A : memref<!tpu.dma_semaphore, #tpu.memory_space<semaphore_mem>>) src(%dma_wait3A_114 : memref<80x64xf32, #tpu.memory_space<vmem_shared>>) dst(%dma_wait3A_112 : memref<80x64xf32, #tpu.memory_space<hbm>>)
      tpu.yield
    }) : () -> ()
    %mul3A_89 = arith.constant 640 : i32
    %mul3A_90 = arith.muli %arg1, %mul3A_89 : i32
    %add3A_91 = arith.constant 320 : i32
    %add3A_92 = arith.addi %mul3A_90, %add3A_91 : i32
    "tpu.region"() ({
      %run_scoped3A = tpu.sem_alloc : memref<!tpu.dma_semaphore, #tpu.memory_space<semaphore_mem>>
      %dma_start3A_105 = arith.constant 0 : i32
      %dma_start3A_106 = tpu.memref_slice %arg5[%arg0, %add3A_92, %dma_start3A_105] : memref<2x10240x64xf32, #tpu.memory_space<hbm>> -> memref<1x80x64xf32, #tpu.memory_space<hbm>>
      %dma_start3A_107 = tpu.memref_squeeze %dma_start3A_106 : memref<1x80x64xf32, #tpu.memory_space<hbm>> -> memref<80x64xf32, #tpu.memory_space<hbm>>
      %dma_start3A_108 = arith.constant 0 : i32
      %dma_start3A_109 = tpu.memref_slice %arg31[%add3A_92, %dma_start3A_108] : memref<10240x64xf32, #tpu.memory_space<vmem_shared>> -> memref<80x64xf32, #tpu.memory_space<vmem_shared>>
      tpu.enqueue_dma source(%dma_start3A_109 : memref<80x64xf32, #tpu.memory_space<vmem_shared>>) target(%dma_start3A_107 : memref<80x64xf32, #tpu.memory_space<hbm>>) target_semaphore(%run_scoped3A : memref<!tpu.dma_semaphore, #tpu.memory_space<semaphore_mem>>)
      %dma_wait3A_110 = arith.constant 0 : i32
      %dma_wait3A_111 = tpu.memref_slice %arg5[%arg0, %add3A_92, %dma_wait3A_110] : memref<2x10240x64xf32, #tpu.memory_space<hbm>> -> memref<1x80x64xf32, #tpu.memory_space<hbm>>
      %dma_wait3A_112 = tpu.memref_squeeze %dma_wait3A_111 : memref<1x80x64xf32, #tpu.memory_space<hbm>> -> memref<80x64xf32, #tpu.memory_space<hbm>>
      %dma_wait3A_113 = arith.constant 0 : i32
      %dma_wait3A_114 = tpu.memref_slice %arg31[%add3A_92, %dma_wait3A_113] : memref<10240x64xf32, #tpu.memory_space<vmem_shared>> -> memref<80x64xf32, #tpu.memory_space<vmem_shared>>
      tpu.wait_dma2 semaphore(%run_scoped3A : memref<!tpu.dma_semaphore, #tpu.memory_space<semaphore_mem>>) src(%dma_wait3A_114 : memref<80x64xf32, #tpu.memory_space<vmem_shared>>) dst(%dma_wait3A_112 : memref<80x64xf32, #tpu.memory_space<hbm>>)
      tpu.yield
    }) : () -> ()
    %mul3A_93 = arith.constant 640 : i32
    %mul3A_94 = arith.muli %arg1, %mul3A_93 : i32
    %add3A_95 = arith.constant 400 : i32
    %add3A_96 = arith.addi %mul3A_94, %add3A_95 : i32
    "tpu.region"() ({
      %run_scoped3A = tpu.sem_alloc : memref<!tpu.dma_semaphore, #tpu.memory_space<semaphore_mem>>
      %dma_start3A_105 = arith.constant 0 : i32
      %dma_start3A_106 = tpu.memref_slice %arg5[%arg0, %add3A_96, %dma_start3A_105] : memref<2x10240x64xf32, #tpu.memory_space<hbm>> -> memref<1x80x64xf32, #tpu.memory_space<hbm>>
      %dma_start3A_107 = tpu.memref_squeeze %dma_start3A_106 : memref<1x80x64xf32, #tpu.memory_space<hbm>> -> memref<80x64xf32, #tpu.memory_space<hbm>>
      %dma_start3A_108 = arith.constant 0 : i32
      %dma_start3A_109 = tpu.memref_slice %arg31[%add3A_96, %dma_start3A_108] : memref<10240x64xf32, #tpu.memory_space<vmem_shared>> -> memref<80x64xf32, #tpu.memory_space<vmem_shared>>
      tpu.enqueue_dma source(%dma_start3A_109 : memref<80x64xf32, #tpu.memory_space<vmem_shared>>) target(%dma_start3A_107 : memref<80x64xf32, #tpu.memory_space<hbm>>) target_semaphore(%run_scoped3A : memref<!tpu.dma_semaphore, #tpu.memory_space<semaphore_mem>>)
      %dma_wait3A_110 = arith.constant 0 : i32
      %dma_wait3A_111 = tpu.memref_slice %arg5[%arg0, %add3A_96, %dma_wait3A_110] : memref<2x10240x64xf32, #tpu.memory_space<hbm>> -> memref<1x80x64xf32, #tpu.memory_space<hbm>>
      %dma_wait3A_112 = tpu.memref_squeeze %dma_wait3A_111 : memref<1x80x64xf32, #tpu.memory_space<hbm>> -> memref<80x64xf32, #tpu.memory_space<hbm>>
      %dma_wait3A_113 = arith.constant 0 : i32
      %dma_wait3A_114 = tpu.memref_slice %arg31[%add3A_96, %dma_wait3A_113] : memref<10240x64xf32, #tpu.memory_space<vmem_shared>> -> memref<80x64xf32, #tpu.memory_space<vmem_shared>>
      tpu.wait_dma2 semaphore(%run_scoped3A : memref<!tpu.dma_semaphore, #tpu.memory_space<semaphore_mem>>) src(%dma_wait3A_114 : memref<80x64xf32, #tpu.memory_space<vmem_shared>>) dst(%dma_wait3A_112 : memref<80x64xf32, #tpu.memory_space<hbm>>)
      tpu.yield
    }) : () -> ()
    %mul3A_97 = arith.constant 640 : i32
    %mul3A_98 = arith.muli %arg1, %mul3A_97 : i32
    %add3A_99 = arith.constant 480 : i32
    %add3A_100 = arith.addi %mul3A_98, %add3A_99 : i32
    "tpu.region"() ({
      %run_scoped3A = tpu.sem_alloc : memref<!tpu.dma_semaphore, #tpu.memory_space<semaphore_mem>>
      %dma_start3A_105 = arith.constant 0 : i32
      %dma_start3A_106 = tpu.memref_slice %arg5[%arg0, %add3A_100, %dma_start3A_105] : memref<2x10240x64xf32, #tpu.memory_space<hbm>> -> memref<1x80x64xf32, #tpu.memory_space<hbm>>
      %dma_start3A_107 = tpu.memref_squeeze %dma_start3A_106 : memref<1x80x64xf32, #tpu.memory_space<hbm>> -> memref<80x64xf32, #tpu.memory_space<hbm>>
      %dma_start3A_108 = arith.constant 0 : i32
      %dma_start3A_109 = tpu.memref_slice %arg31[%add3A_100, %dma_start3A_108] : memref<10240x64xf32, #tpu.memory_space<vmem_shared>> -> memref<80x64xf32, #tpu.memory_space<vmem_shared>>
      tpu.enqueue_dma source(%dma_start3A_109 : memref<80x64xf32, #tpu.memory_space<vmem_shared>>) target(%dma_start3A_107 : memref<80x64xf32, #tpu.memory_space<hbm>>) target_semaphore(%run_scoped3A : memref<!tpu.dma_semaphore, #tpu.memory_space<semaphore_mem>>)
      %dma_wait3A_110 = arith.constant 0 : i32
      %dma_wait3A_111 = tpu.memref_slice %arg5[%arg0, %add3A_100, %dma_wait3A_110] : memref<2x10240x64xf32, #tpu.memory_space<hbm>> -> memref<1x80x64xf32, #tpu.memory_space<hbm>>
      %dma_wait3A_112 = tpu.memref_squeeze %dma_wait3A_111 : memref<1x80x64xf32, #tpu.memory_space<hbm>> -> memref<80x64xf32, #tpu.memory_space<hbm>>
      %dma_wait3A_113 = arith.constant 0 : i32
      %dma_wait3A_114 = tpu.memref_slice %arg31[%add3A_100, %dma_wait3A_113] : memref<10240x64xf32, #tpu.memory_space<vmem_shared>> -> memref<80x64xf32, #tpu.memory_space<vmem_shared>>
      tpu.wait_dma2 semaphore(%run_scoped3A : memref<!tpu.dma_semaphore, #tpu.memory_space<semaphore_mem>>) src(%dma_wait3A_114 : memref<80x64xf32, #tpu.memory_space<vmem_shared>>) dst(%dma_wait3A_112 : memref<80x64xf32, #tpu.memory_space<hbm>>)
      tpu.yield
    }) : () -> ()
    %mul3A_101 = arith.constant 640 : i32
    %mul3A_102 = arith.muli %arg1, %mul3A_101 : i32
    %add3A_103 = arith.constant 560 : i32
    %add3A_104 = arith.addi %mul3A_102, %add3A_103 : i32
    "tpu.region"() ({
      %run_scoped3A = tpu.sem_alloc : memref<!tpu.dma_semaphore, #tpu.memory_space<semaphore_mem>>
      %dma_start3A_105 = arith.constant 0 : i32
      %dma_start3A_106 = tpu.memref_slice %arg5[%arg0, %add3A_104, %dma_start3A_105] : memref<2x10240x64xf32, #tpu.memory_space<hbm>> -> memref<1x80x64xf32, #tpu.memory_space<hbm>>
      %dma_start3A_107 = tpu.memref_squeeze %dma_start3A_106 : memref<1x80x64xf32, #tpu.memory_space<hbm>> -> memref<80x64xf32, #tpu.memory_space<hbm>>
      %dma_start3A_108 = arith.constant 0 : i32
      %dma_start3A_109 = tpu.memref_slice %arg31[%add3A_104, %dma_start3A_108] : memref<10240x64xf32, #tpu.memory_space<vmem_shared>> -> memref<80x64xf32, #tpu.memory_space<vmem_shared>>
      tpu.enqueue_dma source(%dma_start3A_109 : memref<80x64xf32, #tpu.memory_space<vmem_shared>>) target(%dma_start3A_107 : memref<80x64xf32, #tpu.memory_space<hbm>>) target_semaphore(%run_scoped3A : memref<!tpu.dma_semaphore, #tpu.memory_space<semaphore_mem>>)
      %dma_wait3A_110 = arith.constant 0 : i32
      %dma_wait3A_111 = tpu.memref_slice %arg5[%arg0, %add3A_104, %dma_wait3A_110] : memref<2x10240x64xf32, #tpu.memory_space<hbm>> -> memref<1x80x64xf32, #tpu.memory_space<hbm>>
      %dma_wait3A_112 = tpu.memref_squeeze %dma_wait3A_111 : memref<1x80x64xf32, #tpu.memory_space<hbm>> -> memref<80x64xf32, #tpu.memory_space<hbm>>
      %dma_wait3A_113 = arith.constant 0 : i32
      %dma_wait3A_114 = tpu.memref_slice %arg31[%add3A_104, %dma_wait3A_113] : memref<10240x64xf32, #tpu.memory_space<vmem_shared>> -> memref<80x64xf32, #tpu.memory_space<vmem_shared>>
      tpu.wait_dma2 semaphore(%run_scoped3A : memref<!tpu.dma_semaphore, #tpu.memory_space<semaphore_mem>>) src(%dma_wait3A_114 : memref<80x64xf32, #tpu.memory_space<vmem_shared>>) dst(%dma_wait3A_112 : memref<80x64xf32, #tpu.memory_space<hbm>>)
      tpu.yield
    }) : () -> ()
    return
  }
}

module attributes {stable_mosaic.version = 14 : i64} {
  func.func @body(%arg0: i32, %arg1: memref<2x2000x128xf32, #tpu.memory_space<vmem>>, %arg2: memref<2000x128xf32, #tpu.memory_space<vmem>>, %arg3: memref<2000x2xf32, #tpu.memory_space<vmem>>, %arg4: memref<1x128xf32, #tpu.memory_space<vmem>>, %arg5: memref<128x64xf32, #tpu.memory_space<vmem>>, %arg6: memref<2000x64xf32, #tpu.memory_space<vmem>>) attributes {dimension_semantics = [#tpu.dimension_semantics<arbitrary>], iteration_bounds = array<i64: 5>, scalar_prefetch = 0 : i64, scratch_operands = 0 : i64, tpu.core_type = #tpu.core_type<tc>, window_params = [{transform_indices = @transform_0, window_bounds = array<i64: 2, 2000, 128>}, {transform_indices = @transform_1, window_bounds = array<i64: 2000, 128>}, {transform_indices = @transform_2, window_bounds = array<i64: 2000, 2>}, {pipeline_mode = #tpu.pipeline_mode<synchronous>, transform_indices = @transform_3, window_bounds = array<i64: 1, 128>}, {pipeline_mode = #tpu.pipeline_mode<synchronous>, transform_indices = @transform_4, window_bounds = array<i64: 128, 64>}, {transform_indices = @transform_5, window_bounds = array<i64: 2000, 64>}]} {
    %get3A = arith.constant 0 : index
    %get3A_0 = arith.constant 0 : index
    %get3A_1 = vector.load %arg3[%get3A, %get3A_0] : memref<2000x2xf32, #tpu.memory_space<vmem>>, vector<2000x1xf32>
    %get3A_2 = arith.constant 0 : index
    %get3A_3 = arith.constant 1 : index
    %get3A_4 = vector.load %arg3[%get3A_2, %get3A_3] : memref<2000x2xf32, #tpu.memory_space<vmem>>, vector<2000x1xf32>
    %add3A = arith.addf %get3A_1, %get3A_4 : vector<2000x1xf32>
    %add3A_5 = arith.constant 1.000000e+00 : f32
    %add3A_6 = vector.broadcast %add3A_5 : f32 to vector<2000x1xf32>
    %add3A_7 = arith.addf %add3A, %add3A_6 : vector<2000x1xf32>
    %rsqrt3A = math.rsqrt %add3A_7 : vector<2000x1xf32>
    %get3A_8 = arith.constant 0 : index
    %get3A_9 = arith.constant 0 : index
    %get3A_10 = arith.constant 0 : index
    %get3A_11 = vector.load %arg1[%get3A_8, %get3A_9, %get3A_10] : memref<2x2000x128xf32, #tpu.memory_space<vmem>>, vector<1x2000x128xf32>
    %get3A_12 = vector.shape_cast %get3A_11 : vector<1x2000x128xf32> to vector<2000x128xf32>
    %get3A_13 = arith.constant 1 : index
    %get3A_14 = arith.constant 0 : index
    %get3A_15 = arith.constant 0 : index
    %get3A_16 = vector.load %arg1[%get3A_13, %get3A_14, %get3A_15] : memref<2x2000x128xf32, #tpu.memory_space<vmem>>, vector<1x2000x128xf32>
    %get3A_17 = vector.shape_cast %get3A_16 : vector<1x2000x128xf32> to vector<2000x128xf32>
    %add3A_18 = arith.addf %get3A_12, %get3A_17 : vector<2000x128xf32>
    %get3A_19 = arith.constant 0 : index
    %get3A_20 = arith.constant 0 : index
    %get3A_21 = vector.load %arg2[%get3A_19, %get3A_20] : memref<2000x128xf32, #tpu.memory_space<vmem>>, vector<2000x128xf32>
    %add3A_22 = arith.addf %add3A_18, %get3A_21 : vector<2000x128xf32>
    %mul3A = vector.broadcast %rsqrt3A : vector<2000x1xf32> to vector<2000x128xf32>
    %mul3A_23 = arith.mulf %mul3A, %add3A_22 : vector<2000x128xf32>
    %get3A_24 = arith.constant 0 : index
    %get3A_25 = arith.constant 0 : index
    %get3A_26 = vector.load %arg4[%get3A_24, %get3A_25] : memref<1x128xf32, #tpu.memory_space<vmem>>, vector<1x128xf32>
    %add3A_27 = vector.broadcast %get3A_26 : vector<1x128xf32> to vector<2000x128xf32>
    %add3A_28 = arith.addf %mul3A_23, %add3A_27 : vector<2000x128xf32>
    %get3A_29 = arith.constant 0 : index
    %get3A_30 = arith.constant 0 : index
    %get3A_31 = vector.load %arg5[%get3A_29, %get3A_30] : memref<128x64xf32, #tpu.memory_space<vmem>>, vector<128x64xf32>
    %dot_general3A = arith.constant dense<0.000000e+00> : vector<2000x64xf32>
    %dot_general3A_32 = tpu.matmul %add3A_28, %get3A_31, %dot_general3A {dimension_numbers = #tpu.dot_dimension_numbers<[1], [0], [0], [1], [0, 0, 1, 1], [], []>, transpose_lhs_hint = false} : vector<2000x128xf32>, vector<128x64xf32>, vector<2000x64xf32> -> vector<2000x64xf32>
    %mul3A_33 = vector.broadcast %rsqrt3A : vector<2000x1xf32> to vector<2000x64xf32>
    %mul3A_34 = arith.mulf %mul3A_33, %dot_general3A_32 : vector<2000x64xf32>
    %swap3A = arith.constant 0 : index
    %swap3A_35 = arith.constant 0 : index
    %swap3A_36 = vector.load %arg6[%swap3A, %swap3A_35] : memref<2000x64xf32, #tpu.memory_space<vmem>>, vector<2000x64xf32>
    tpu.vector_store %arg6[%swap3A, %swap3A_35], %mul3A_34 {strides = array<i32>} : memref<2000x64xf32, #tpu.memory_space<vmem>>, vector<2000x64xf32>,
    return
  }
  func.func @transform_0(%arg0: i32) -> (i32, i32, i32) {
    %c0_i32 = arith.constant 0 : i32
    %c0_i32_0 = arith.constant 0 : i32
    %c0_i32_1 = arith.constant 0 : i32
    return %c0_i32, %arg0, %c0_i32_0 : i32, i32, i32
  }
  func.func @transform_1(%arg0: i32) -> (i32, i32) {
    %c0_i32 = arith.constant 0 : i32
    %c0_i32_0 = arith.constant 0 : i32
    return %arg0, %c0_i32 : i32, i32
  }
  func.func @transform_2(%arg0: i32) -> (i32, i32) {
    %c0_i32 = arith.constant 0 : i32
    %c0_i32_0 = arith.constant 0 : i32
    return %arg0, %c0_i32 : i32, i32
  }
  func.func @transform_3(%arg0: i32) -> (i32, i32) {
    %c0_i32 = arith.constant 0 : i32
    %c0_i32_0 = arith.constant 0 : i32
    %c0_i32_1 = arith.constant 0 : i32
    return %c0_i32, %c0_i32_0 : i32, i32
  }
  func.func @transform_4(%arg0: i32) -> (i32, i32) {
    %c0_i32 = arith.constant 0 : i32
    %c0_i32_0 = arith.constant 0 : i32
    %c0_i32_1 = arith.constant 0 : i32
    return %c0_i32, %c0_i32_0 : i32, i32
  }
  func.func @transform_5(%arg0: i32) -> (i32, i32) {
    %c0_i32 = arith.constant 0 : i32
    %c0_i32_0 = arith.constant 0 : i32
    return %arg0, %c0_i32 : i32, i32
  }
}

module attributes {stable_mosaic.version = 14 : i64} {
  func.func @body(%arg0: i32, %arg1: memref<2000x128xf32, #tpu.memory_space<vmem>>, %arg2: memref<128x128xf32, #tpu.memory_space<vmem>>, %arg3: memref<1x128xf32, #tpu.memory_space<vmem>>, %arg4: memref<2000x2xf32, #tpu.memory_space<vmem>>, %arg5: memref<2000x2xf32, #tpu.memory_space<vmem>>, %arg6: memref<2000x128xf32, #tpu.memory_space<vmem>>) attributes {dimension_semantics = [#tpu.dimension_semantics<arbitrary>], iteration_bounds = array<i64: 5>, scalar_prefetch = 0 : i64, scratch_operands = 0 : i64, tpu.core_type = #tpu.core_type<tc>, window_params = [{transform_indices = @transform_0, window_bounds = array<i64: 2000, 128>}, {pipeline_mode = #tpu.pipeline_mode<synchronous>, transform_indices = @transform_1, window_bounds = array<i64: 128, 128>}, {pipeline_mode = #tpu.pipeline_mode<synchronous>, transform_indices = @transform_2, window_bounds = array<i64: 1, 128>}, {transform_indices = @transform_3, window_bounds = array<i64: 2000, 2>}, {transform_indices = @transform_4, window_bounds = array<i64: 2000, 2>}, {transform_indices = @transform_5, window_bounds = array<i64: 2000, 128>}]} {
    %get3A = arith.constant 0 : index
    %get3A_0 = arith.constant 0 : index
    %get3A_1 = vector.load %arg4[%get3A, %get3A_0] : memref<2000x2xf32, #tpu.memory_space<vmem>>, vector<2000x1xf32>
    %get3A_2 = arith.constant 0 : index
    %get3A_3 = arith.constant 1 : index
    %get3A_4 = vector.load %arg4[%get3A_2, %get3A_3] : memref<2000x2xf32, #tpu.memory_space<vmem>>, vector<2000x1xf32>
    %add3A = arith.addf %get3A_1, %get3A_4 : vector<2000x1xf32>
    %add3A_5 = arith.constant 1.000000e+00 : f32
    %add3A_6 = vector.broadcast %add3A_5 : f32 to vector<2000x1xf32>
    %add3A_7 = arith.addf %add3A, %add3A_6 : vector<2000x1xf32>
    %rsqrt3A = math.rsqrt %add3A_7 : vector<2000x1xf32>
    %get3A_8 = arith.constant 0 : index
    %get3A_9 = arith.constant 0 : index
    %get3A_10 = vector.load %arg5[%get3A_8, %get3A_9] : memref<2000x2xf32, #tpu.memory_space<vmem>>, vector<2000x1xf32>
    %get3A_11 = arith.constant 0 : index
    %get3A_12 = arith.constant 1 : index
    %get3A_13 = vector.load %arg5[%get3A_11, %get3A_12] : memref<2000x2xf32, #tpu.memory_space<vmem>>, vector<2000x1xf32>
    %add3A_14 = arith.addf %get3A_10, %get3A_13 : vector<2000x1xf32>
    %get3A_15 = arith.constant 0 : index
    %get3A_16 = arith.constant 0 : index
    %get3A_17 = vector.load %arg1[%get3A_15, %get3A_16] : memref<2000x128xf32, #tpu.memory_space<vmem>>, vector<2000x128xf32>
    %get3A_18 = arith.constant 0 : index
    %get3A_19 = arith.constant 0 : index
    %get3A_20 = vector.load %arg2[%get3A_18, %get3A_19] : memref<128x128xf32, #tpu.memory_space<vmem>>, vector<128x128xf32>
    %dot_general3A = arith.constant dense<0.000000e+00> : vector<2000x128xf32>
    %dot_general3A_21 = tpu.matmul %get3A_17, %get3A_20, %dot_general3A {dimension_numbers = #tpu.dot_dimension_numbers<[1], [0], [0], [1], [0, 0, 1, 1], [], []>, transpose_lhs_hint = false} : vector<2000x128xf32>, vector<128x128xf32>, vector<2000x128xf32> -> vector<2000x128xf32>
    %get3A_22 = arith.constant 0 : index
    %get3A_23 = arith.constant 0 : index
    %get3A_24 = vector.load %arg3[%get3A_22, %get3A_23] : memref<1x128xf32, #tpu.memory_space<vmem>>, vector<1x128xf32>
    %get3A_25 = arith.constant 0 : index
    %get3A_26 = arith.constant 0 : index
    %get3A_27 = vector.load %arg2[%get3A_25, %get3A_26] : memref<128x128xf32, #tpu.memory_space<vmem>>, vector<128x128xf32>
    %dot_general3A_28 = arith.constant dense<0.000000e+00> : vector<1x128xf32>
    %dot_general3A_29 = tpu.matmul %get3A_24, %get3A_27, %dot_general3A_28 {dimension_numbers = #tpu.dot_dimension_numbers<[1], [0], [0], [1], [0, 0, 1, 1], [], []>, transpose_lhs_hint = false} : vector<1x128xf32>, vector<128x128xf32>, vector<1x128xf32> -> vector<1x128xf32>
    %gt3A = arith.constant 0.000000e+00 : f32
    %gt3A_30 = vector.broadcast %gt3A : f32 to vector<2000x1xf32>
    %gt3A_31 = arith.cmpf ogt, %add3A_14, %gt3A_30 : vector<2000x1xf32>
    %broadcast_in_dim3A = vector.shape_cast %gt3A_31 : vector<2000x1xi1> to vector<2000x1xi1>
    %broadcast_in_dim3A_32 = vector.broadcast %broadcast_in_dim3A : vector<2000x1xi1> to vector<2000x128xi1>
    %broadcast_in_dim3A_33 = vector.shape_cast %dot_general3A_29 : vector<1x128xf32> to vector<1x128xf32>
    %broadcast_in_dim3A_34 = vector.broadcast %broadcast_in_dim3A_33 : vector<1x128xf32> to vector<2000x128xf32>
    %select_n3A = arith.select %broadcast_in_dim3A_32, %broadcast_in_dim3A_34, %dot_general3A_21 : vector<2000x128xi1>, vector<2000x128xf32>
    %mul3A = vector.broadcast %rsqrt3A : vector<2000x1xf32> to vector<2000x128xf32>
    %mul3A_35 = arith.mulf %mul3A, %select_n3A : vector<2000x128xf32>
    %swap3A = arith.constant 0 : index
    %swap3A_36 = arith.constant 0 : index
    %swap3A_37 = vector.load %arg6[%swap3A, %swap3A_36] : memref<2000x128xf32, #tpu.memory_space<vmem>>, vector<2000x128xf32>
    tpu.vector_store %arg6[%swap3A, %swap3A_36], %mul3A_35 {strides = array<i32>} : memref<2000x128xf32, #tpu.memory_space<vmem>>, vector<2000x128xf32>,
    return
  }
  func.func @transform_0(%arg0: i32) -> (i32, i32) {
    %c0_i32 = arith.constant 0 : i32
    %c0_i32_0 = arith.constant 0 : i32
    return %arg0, %c0_i32 : i32, i32
  }
  func.func @transform_1(%arg0: i32) -> (i32, i32) {
    %c0_i32 = arith.constant 0 : i32
    %c0_i32_0 = arith.constant 0 : i32
    %c0_i32_1 = arith.constant 0 : i32
    return %c0_i32, %c0_i32_0 : i32, i32
  }
  func.func @transform_2(%arg0: i32) -> (i32, i32) {
    %c0_i32 = arith.constant 0 : i32
    %c0_i32_0 = arith.constant 0 : i32
    %c0_i32_1 = arith.constant 0 : i32
    return %c0_i32, %c0_i32_0 : i32, i32
  }
  func.func @transform_3(%arg0: i32) -> (i32, i32) {
    %c0_i32 = arith.constant 0 : i32
    %c0_i32_0 = arith.constant 0 : i32
    return %arg0, %c0_i32 : i32, i32
  }
  func.func @transform_4(%arg0: i32) -> (i32, i32) {
    %c0_i32 = arith.constant 0 : i32
    %c0_i32_0 = arith.constant 0 : i32
    return %arg0, %c0_i32 : i32, i32
  }
  func.func @transform_5(%arg0: i32) -> (i32, i32) {
    %c0_i32 = arith.constant 0 : i32
    %c0_i32_0 = arith.constant 0 : i32
    return %arg0, %c0_i32 : i32, i32
  }
}

module attributes {stable_mosaic.version = 14 : i64} {
  func.func @body(%arg0: i32, %arg1: memref<2x2000x64xf32, #tpu.memory_space<vmem>>, %arg2: memref<2000x64xf32, #tpu.memory_space<vmem>>, %arg3: memref<2000x2xf32, #tpu.memory_space<vmem>>, %arg4: memref<1x64xf32, #tpu.memory_space<vmem>>, %arg5: memref<64x128xf32, #tpu.memory_space<vmem>>, %arg6: memref<1x128xf32, #tpu.memory_space<vmem>>, %arg7: memref<2000x128xf32, #tpu.memory_space<vmem>>) attributes {dimension_semantics = [#tpu.dimension_semantics<arbitrary>], iteration_bounds = array<i64: 5>, scalar_prefetch = 0 : i64, scratch_operands = 0 : i64, tpu.core_type = #tpu.core_type<tc>, window_params = [{transform_indices = @transform_0, window_bounds = array<i64: 2, 2000, 64>}, {transform_indices = @transform_1, window_bounds = array<i64: 2000, 64>}, {transform_indices = @transform_2, window_bounds = array<i64: 2000, 2>}, {pipeline_mode = #tpu.pipeline_mode<synchronous>, transform_indices = @transform_3, window_bounds = array<i64: 1, 64>}, {pipeline_mode = #tpu.pipeline_mode<synchronous>, transform_indices = @transform_4, window_bounds = array<i64: 64, 128>}, {pipeline_mode = #tpu.pipeline_mode<synchronous>, transform_indices = @transform_5, window_bounds = array<i64: 1, 128>}, {transform_indices = @transform_6, window_bounds = array<i64: 2000, 128>}]} {
    %get3A = arith.constant 0 : index
    %get3A_0 = arith.constant 0 : index
    %get3A_1 = vector.load %arg3[%get3A, %get3A_0] : memref<2000x2xf32, #tpu.memory_space<vmem>>, vector<2000x1xf32>
    %get3A_2 = arith.constant 0 : index
    %get3A_3 = arith.constant 1 : index
    %get3A_4 = vector.load %arg3[%get3A_2, %get3A_3] : memref<2000x2xf32, #tpu.memory_space<vmem>>, vector<2000x1xf32>
    %add3A = arith.addf %get3A_1, %get3A_4 : vector<2000x1xf32>
    %add3A_5 = arith.constant 1.000000e+00 : f32
    %add3A_6 = vector.broadcast %add3A_5 : f32 to vector<2000x1xf32>
    %add3A_7 = arith.addf %add3A, %add3A_6 : vector<2000x1xf32>
    %rsqrt3A = math.rsqrt %add3A_7 : vector<2000x1xf32>
    %get3A_8 = arith.constant 0 : index
    %get3A_9 = arith.constant 0 : index
    %get3A_10 = arith.constant 0 : index
    %get3A_11 = vector.load %arg1[%get3A_8, %get3A_9, %get3A_10] : memref<2x2000x64xf32, #tpu.memory_space<vmem>>, vector<1x2000x64xf32>
    %get3A_12 = vector.shape_cast %get3A_11 : vector<1x2000x64xf32> to vector<2000x64xf32>
    %get3A_13 = arith.constant 1 : index
    %get3A_14 = arith.constant 0 : index
    %get3A_15 = arith.constant 0 : index
    %get3A_16 = vector.load %arg1[%get3A_13, %get3A_14, %get3A_15] : memref<2x2000x64xf32, #tpu.memory_space<vmem>>, vector<1x2000x64xf32>
    %get3A_17 = vector.shape_cast %get3A_16 : vector<1x2000x64xf32> to vector<2000x64xf32>
    %add3A_18 = arith.addf %get3A_12, %get3A_17 : vector<2000x64xf32>
    %get3A_19 = arith.constant 0 : index
    %get3A_20 = arith.constant 0 : index
    %get3A_21 = vector.load %arg2[%get3A_19, %get3A_20] : memref<2000x64xf32, #tpu.memory_space<vmem>>, vector<2000x64xf32>
    %add3A_22 = arith.addf %add3A_18, %get3A_21 : vector<2000x64xf32>
    %mul3A = vector.broadcast %rsqrt3A : vector<2000x1xf32> to vector<2000x64xf32>
    %mul3A_23 = arith.mulf %mul3A, %add3A_22 : vector<2000x64xf32>
    %get3A_24 = arith.constant 0 : index
    %get3A_25 = arith.constant 0 : index
    %get3A_26 = vector.load %arg4[%get3A_24, %get3A_25] : memref<1x64xf32, #tpu.memory_space<vmem>>, vector<1x64xf32>
    %add3A_27 = vector.broadcast %get3A_26 : vector<1x64xf32> to vector<2000x64xf32>
    %add3A_28 = arith.addf %mul3A_23, %add3A_27 : vector<2000x64xf32>
    %max3A = arith.constant 0.000000e+00 : f32
    %max3A_29 = vector.broadcast %max3A : f32 to vector<2000x64xf32>
    %max3A_30 = arith.maximumf %add3A_28, %max3A_29 : vector<2000x64xf32>
    %get3A_31 = arith.constant 0 : index
    %get3A_32 = arith.constant 0 : index
    %get3A_33 = vector.load %arg5[%get3A_31, %get3A_32] : memref<64x128xf32, #tpu.memory_space<vmem>>, vector<64x128xf32>
    %dot_general3A = arith.constant dense<0.000000e+00> : vector<2000x128xf32>
    %dot_general3A_34 = tpu.matmul %max3A_30, %get3A_33, %dot_general3A {dimension_numbers = #tpu.dot_dimension_numbers<[1], [0], [0], [1], [0, 0, 1, 1], [], []>, transpose_lhs_hint = false} : vector<2000x64xf32>, vector<64x128xf32>, vector<2000x128xf32> -> vector<2000x128xf32>
    %get3A_35 = arith.constant 0 : index
    %get3A_36 = arith.constant 0 : index
    %get3A_37 = vector.load %arg6[%get3A_35, %get3A_36] : memref<1x128xf32, #tpu.memory_space<vmem>>, vector<1x128xf32>
    %add3A_38 = vector.broadcast %get3A_37 : vector<1x128xf32> to vector<2000x128xf32>
    %add3A_39 = arith.addf %dot_general3A_34, %add3A_38 : vector<2000x128xf32>
    %swap3A = arith.constant 0 : index
    %swap3A_40 = arith.constant 0 : index
    %swap3A_41 = vector.load %arg7[%swap3A, %swap3A_40] : memref<2000x128xf32, #tpu.memory_space<vmem>>, vector<2000x128xf32>
    tpu.vector_store %arg7[%swap3A, %swap3A_40], %add3A_39 {strides = array<i32>} : memref<2000x128xf32, #tpu.memory_space<vmem>>, vector<2000x128xf32>,
    return
  }
  func.func @transform_0(%arg0: i32) -> (i32, i32, i32) {
    %c0_i32 = arith.constant 0 : i32
    %c0_i32_0 = arith.constant 0 : i32
    %c0_i32_1 = arith.constant 0 : i32
    return %c0_i32, %arg0, %c0_i32_0 : i32, i32, i32
  }
  func.func @transform_1(%arg0: i32) -> (i32, i32) {
    %c0_i32 = arith.constant 0 : i32
    %c0_i32_0 = arith.constant 0 : i32
    return %arg0, %c0_i32 : i32, i32
  }
  func.func @transform_2(%arg0: i32) -> (i32, i32) {
    %c0_i32 = arith.constant 0 : i32
    %c0_i32_0 = arith.constant 0 : i32
    return %arg0, %c0_i32 : i32, i32
  }
  func.func @transform_3(%arg0: i32) -> (i32, i32) {
    %c0_i32 = arith.constant 0 : i32
    %c0_i32_0 = arith.constant 0 : i32
    %c0_i32_1 = arith.constant 0 : i32
    return %c0_i32, %c0_i32_0 : i32, i32
  }
  func.func @transform_4(%arg0: i32) -> (i32, i32) {
    %c0_i32 = arith.constant 0 : i32
    %c0_i32_0 = arith.constant 0 : i32
    %c0_i32_1 = arith.constant 0 : i32
    return %c0_i32, %c0_i32_0 : i32, i32
  }
  func.func @transform_5(%arg0: i32) -> (i32, i32) {
    %c0_i32 = arith.constant 0 : i32
    %c0_i32_0 = arith.constant 0 : i32
    %c0_i32_1 = arith.constant 0 : i32
    return %c0_i32, %c0_i32_0 : i32, i32
  }
  func.func @transform_6(%arg0: i32) -> (i32, i32) {
    %c0_i32 = arith.constant 0 : i32
    %c0_i32_0 = arith.constant 0 : i32
    return %arg0, %c0_i32 : i32, i32
  }
}

</mosaic_0001>

<sc_bundles>
// kernel: kernel.11.cloned.1.call-start
scs
__scs_entry_jumppad:
0x0: {  	(pc) =	sbr.rel $0x88, $3  }
0x1: {  	(tag) =	ssettag $0x0;
	lr =	simm.s32 $0x1  }
0x2: {  	[smem:$0x3F97] =	sst lr;
	_ =	strace $0xD0000000  }
0x3: {  	_ = 	snop  }
0x4: {  	_ = 	snop  }
0x5: {  	_ = 	snop  }
0x6: {  	_ = 	snop  }
0x7: {  	_ = 	snop  }
__scs_overlays_trampoline_lowered:
0x8: {  	[smem:$0x3FA6] =	sst s0  }
0x9: {  	[smem:$0x3FA7] =	sst s1  }
0xa: {  	[smem:$0x3FA8] =	sst s2  }
0xb: {  	[smem:$0x3FA9] =	sst s3  }
0xc: {  	[smem:$0x3FAA] =	sst s4  }
0xd: {  	[smem:$0x3FAB] =	sst s5  }
0xe: {  	[smem:$0x3FAC] =	sst s6  }
0xf: {  	[smem:$0x3FAD] =	sst s7  }
0x10: {  	[smem:$0x3FAE] =	sst s8  }
0x11: {  	[smem:$0x3FAF] =	sst s9;
	s0 =	simm.s32 @!p0 $0x0  }
0x12: {  	s1 =	sld [smem:$0x3F95];
	s0 =	simm.s32 @p0 $0x1  }
0x13: {  	[smem:$0x3FB0] =	sst s0;
	s0 =	simm.s32 @!p1 $0x0  }
0x14: {  	s2 =	sld [smem:$0x3F94];
	s0 =	simm.s32 @p1 $0x1  }
0x15: {  	[smem:$0x3FB1] =	sst s0;
	s0 =	simm.s32 @!p2 $0x0  }
0x16: {  	s3 =	sld [smem:$0x3FDB];
	s0 =	simm.s32 @p2 $0x1  }
0x17: {  	s4 =	simm.s32 $0x1BF5;
	[smem:$0x3FB3] =	sst s0  }
0x18: {  	s0 =	sld [smem:$0x3F96];
	_ =	swait.ge [sflag:s4], $0x0  }
0x19: {  	s7 =	sld [smem:$0x3F97]  }
0x1a: {  	s8 =	sadd.s32 $0xFFFFE003, lr  }
0x1b: {  	s9 =	sadd.s32 $0xFFFFFEF7, lr;
	s5 =	simm.s32 $0xFFFFFFFF;
	p2 =	slt.u32 s8, $0xFFFFF086  }
0x1c: {  	p1 =	slt.u32 s9, $0xF7A;
	s5 =	simm.s32 @!p2 $0x0  }
0x1d: {  	s5 =	simm.s32 @p1 $0x1;
	p0 =	seq.s32 s7, s2  }
0x1e: {  	s7 =	smul.u32 @!p0 $0xF7A, s2;
	p2 =	seq.s32 @!p0 s5, $0x0  }
0x1f: {  	s9 =	smul.u32 $0xF7A, s1;
	s8 =	simm.s32 @!p0 $0x1BF5;
	p2 =	por !p2, p0  }
0x20: {  	[sflag:s8] =	ssyncset.s32 @!p0 $0xFFFFF086;
	s6 =	sadd.s32 @!p0 s3, s7;
	s7 =	simm.s32 @!p0 $0x108  }
0x21: {  	s3 =	sadd.s32 s3, s9;
	s6 =	sadd.s32 @!p0 $0x88, s6;
	s7 =	simm.s32 @p2 $0x1082  }
0x22: {  	[simem:s7], [sflag:s8] =	dma.local @!p0 [hbm:s6], $0xF7A  }
0x23: {  	s9 =	sor.u32 $0xD0000000, s2;
	s6 =	simm.s32 $0x108;
	_ =	swait.ge @!p0 [sflag:s8], $0x0  }
0x24: {  	s3 =	sadd.s32 $0x88, s3;
	s6 =	simm.s32 @!p1 $0x1082;
	[sflag:s4] =	ssyncset.s32 $0xFFFFF086  }
0x25: {  	[simem:s6], [sflag:s4] =	dma.local [hbm:s3], $0xF7A  }
0x26: {  	[smem:$0x3F97] =	sst s1;
	(tag) =	ssettag s2;
	_ =	strace s9  }
0x27: {  	s1 =	sld [smem:$0x3FA7]  }
0x28: {  	s2 =	sld [smem:$0x3FA8]  }
0x29: {  	s4 =	sld [smem:$0x3FAA]  }
0x2a: {  	p0 =	seq.s32 s5, $0x0;
	s5 =	sld [smem:$0x3FAB]  }
0x2b: {  	s6 =	sld [smem:$0x3FAC]  }
0x2c: {  	s7 =	sld [smem:$0x3FAD]  }
0x2d: {  	s3 =	simm.s32 $0x108;
	s8 =	sld [smem:$0x3FAE]  }
0x2e: {  	s3 =	simm.s32 @!p0 $0x1082;
	s9 =	sld [smem:$0x3FAF]  }
0x2f: {  	lr =	sadd.s32 s0, s3;
	s0 =	sld [smem:$0x3FA6]  }
0x30: {  	s3 =	sld [smem:$0x3FA9]  }
0x31: {  	[smem:$0x3FB2] =	sst s10  }
0x32: {  	s10 =	sld [smem:$0x3FB0];
	_ =	sdelay $0x3  }
0x33: {  	p0 =	seq.s32 s10, $0x1;
	s10 =	sld [smem:$0x3FB2];
	_ =	sdelay $0x3  }
0x34: {  	[smem:$0x3FB2] =	sst s10  }
0x35: {  	s10 =	sld [smem:$0x3FB1];
	_ =	sdelay $0x3  }
0x36: {  	p1 =	seq.s32 s10, $0x1;
	s10 =	sld [smem:$0x3FB2];
	_ =	sdelay $0x3  }
0x37: {  	[smem:$0x3FB2] =	sst s10  }
0x38: {  	s10 =	sld [smem:$0x3FB3]  }
0x39: {  	_ = 	snop;
	(pc) =	sbr.ind lr, $3  }
0x3a: {  	_ = 	snop  }
0x3b: {  	_ = 	snop  }
0x3c: {  	p2 =	seq.s32 s10, $0x1;
	s10 =	sld [smem:$0x3FB2]  }
0x3d: {  	_ =	shalt  }
0x3e: {  	_ =	shalt  }
0x3f: {  	_ =	shalt  }
0x40: {  	_ =	shalt  }
0x41: {  	_ =	shalt  }
0x42: {  	_ =	shalt  }
0x43: {  	_ =	shalt  }
0x44: {  	_ =	shalt  }
0x45: {  	_ =	shalt  }
0x46: {  	_ =	shalt  }
0x47: {  	_ =	shalt  }
0x48: {  	_ =	shalt  }
0x49: {  	_ =	shalt  }
0x4a: {  	_ =	shalt  }
0x4b: {  	_ =	shalt  }
0x4c: {  	_ =	shalt  }
0x4d: {  	_ =	shalt  }
0x4e: {  	_ =	shalt  }
0x4f: {  	_ =	shalt  }
0x50: {  	_ =	shalt  }
0x51: {  	_ =	shalt  }
0x52: {  	_ =	shalt  }
0x53: {  	_ =	shalt  }
0x54: {  	_ =	shalt  }
0x55: {  	_ =	shalt  }
0x56: {  	_ =	shalt  }
0x57: {  	_ =	shalt  }
0x58: {  	_ =	shalt  }
0x59: {  	_ =	shalt  }
0x5a: {  	_ =	shalt  }
0x5b: {  	_ =	shalt  }
0x5c: {  	_ =	shalt  }
0x5d: {  	_ =	shalt  }
0x5e: {  	_ =	shalt  }
0x5f: {  	_ =	shalt  }
0x60: {  	_ =	shalt  }
0x61: {  	_ =	shalt  }
0x62: {  	_ =	shalt  }
0x63: {  	_ =	shalt  }
0x64: {  	_ =	shalt  }
0x65: {  	_ =	shalt  }
0x66: {  	_ =	shalt  }
0x67: {  	_ =	shalt  }
0x68: {  	_ =	shalt  }
0x69: {  	_ =	shalt  }
0x6a: {  	_ =	shalt  }
0x6b: {  	_ =	shalt  }
0x6c: {  	_ =	shalt  }
0x6d: {  	_ =	shalt  }
0x6e: {  	_ =	shalt  }
0x6f: {  	_ =	shalt  }
0x70: {  	_ =	shalt  }
0x71: {  	_ =	shalt  }
0x72: {  	_ =	shalt  }
0x73: {  	_ =	shalt  }
0x74: {  	_ =	shalt  }
0x75: {  	_ =	shalt  }
0x76: {  	_ =	shalt  }
0x77: {  	_ =	shalt  }
0x78: {  	_ =	shalt  }
0x79: {  	_ =	shalt  }
0x7a: {  	_ =	shalt  }
0x7b: {  	_ =	shalt  }
0x7c: {  	_ =	shalt  }
0x7d: {  	_ =	shalt  }
0x7e: {  	_ =	shalt  }
0x7f: {  	_ =	shalt  }
0x80: {  	_ =	shalt  }
0x81: {  	_ =	shalt  }
0x82: {  	_ =	shalt  }
0x83: {  	_ =	shalt  }
0x84: {  	_ =	shalt  }
0x85: {  	_ =	shalt  }
0x86: {  	_ =	shalt  }
0x87: {  	_ =	shalt  }
.Lfunc_end0:
.L_simem_size_0:
called_computation.1_lowered:
.L_overlay_start_0:
0x88: {  	s2 =	sld [smem:$0x3FD9]  }
0x89: {  	s3 =	sld [smem:$0x3FFE];
	_ =	sdelay $0x1  }
0x8a: {  	s1 =	srdreg.scid  }
0x8b: {  	s0 =	sand.u32 $0x1, s1  }
0x8c: {  	s14 =	sshll.u32 s0, $0xA;
	s2 =	sadd.s32 s3, s2  }
0x8d: {  	s2 =	sadd.s32 s2, s14  }
0x8e: {  	[smem:$0x3FBE] =	sst s2  }
0x8f: {  	_ = 	snop  }
0x90: {  	s2 =	sld [smem:$0x3FD0];
	_ =	sdelay $0x2  }
0x91: {  	s15 =	simm.s32 $0xA;
	s4 =	simm.s32 $0x10  }
0x92: {  	[smem:s4], [sflag:s15] =	dma.local [hbm:s2], $0x1  }
0x93: {  	_ =	swait.eq [sflag:s15], $0x1  }
0x94: {  	[sflag:s15] =	ssyncset.done $0x0  }
0x95: {  	s16 =	sld [smem:$0x10];
	[sflag:s15] =	ssyncadd.s32 $0xFFFFFFFF  }
0x96: {  	s17 =	sld [smem:$0x11];
	(tm) =	ssettm $0x1  }
0x97: {  	s18 =	sld [smem:$0x3FFB];
	_ =	sdelay $0x3  }
0x98: {  	_ =	strace s18  }
0x99: {  	s4 =	sld [smem:$0x3FFC];
	_ =	sdelay $0x3  }
0x9a: {  	_ =	strace s4  }
0x9b: {  	s4 =	sld [smem:$0x3FFD];
	_ =	sdelay $0x3  }
0x9c: {  	_ =	strace s4  }
0x9d: {  	_ =	strace $0x8FFFFFFF  }
0x9e: {  	s19 =	sld [smem:$0x3FDB];
	_ =	sdelay $0x1  }
0x9f: {  	s5 =	simm.s32 $_scs_section_size  }
0xa0: {  	s6 =	simm.s32 $_size__tile_overlayer_lowered;
	s7 =	simm.s32 $_tile_overlayer_lowered  }
0xa1: {  	s22 =	simm.s32 $0x1BFF;
	s21 =	sshll.u32 s7, $0x1;
	s4 =	sadd.s32 s5, s19  }
0xa2: {  	s8 =	simm.s32 $0x0;
	s20 =	sshll.u32 s6, $0x1;
	s6 =	sadd.s32 s21, s4  }
0xa3: {  	[timem:s8], [sflag:s22] =	dma.local [hbm:s6], s20  }
0xa4: {  	_ =	swait.ge [sflag:s22], s20  }
0xa5: {  	s5 =	ssub.s32 $0x0, s20;
	[sflag:s22] =	ssyncset.done $0x0  }
0xa6: {  	[sflag:s22] =	ssyncadd.s32 s5;
	_ =	sdelay $0x1  }
0xa7: {  	s23 =	simm.s32 $0x1B8B  }
0xa8: {  	_ =	swait.ge [sflag:s23], $0x1  }
0xa9: {  	[sflag:s23] =	ssyncset.done $0x0  }
0xaa: {  	s25 =	simm.s32 $0x1B8E;
	s24 =	sld [smem:$0x3FFE];
	[sflag:s23] =	ssyncadd.s32 $0xFFFFFFFF  }
0xab: {  	s26 =	simm.s32 $execute0_lowered;
	[smem:$0x3FD2] =	sst s25  }
0xac: {  	s6 =	sshll.u32 s26, $0x1;
	_ =	strace $0x80000049;
	[dreg:$0x1] =	wrdreg $0xFFFFFFFF  }
0xad: {  	s28 =	simm.s32 $_size_execute0_lowered;
	s4 =	sadd.s32 s4, s6;
	[dreg:$0x0] =	wrdreg $0x0  }
0xae: {  	s6 =	sshll.u32 s28, $0x1;
	[dreg:$0x2] =	wrdreg s4  }
0xaf: {  	[dreg:$0x3] =	wrdreg s6  }
0xb0: {  	[dreg:$0x4] =	wrdreg $0xC0  }
0xb1: {  	_ =	task [dreg:s8], $0x5FFFF  }
0xb2: {  	[dreg:$0x1] =	wrdreg $0xFFFFFFFF  }
0xb3: {  	[dreg:$0x0] =	wrdreg $0x60  }
0xb4: {  	[dreg:$0x2] =	wrdreg s17  }
0xb5: {  	[dreg:$0x3] =	wrdreg s16  }
0xb6: {  	[dreg:$0x4] =	wrdreg s24  }
0xb7: {  	[dreg:$0x5] =	wrdreg $0xA4000  }
0xb8: {  	[dreg:$0x6] =	wrdreg $0x9  }
0xb9: {  	_ =	task.clear_ibuf [dreg:s8], $0x7FFFF;
	_ =	strace $0x90000049  }
0xba: {  	s29 =	simm.s32 $0x9;
	_ =	strace $0x8000004B  }
0xbb: {  	_ =	swait.ge [sflag:s29], $0x1  }
0xbc: {  	[sflag:s29] =	ssyncadd.s32 $0xFFFFFFFF  }
0xbd: {  	_ =	strace $0x9000004B  }
0xbe: {  	_ =	sfence  }
0xbf: {  	s30 =	sld [smem:$0x0];
	_ =	sdelay $0x2  }
0xc0: {  	s31 =	sshll.u32 s1, $0xD;
	s1 =	sshrl.u32 s1, $0x2  }
0xc1: {  	s3 =	sand.u32 $0x4000, s31;
	s1 =	sadd.s32 s1, s30  }
0xc2: {  	s0 =	sor.u32 s3, s0;
	s1 =	sshll.u32 s1, $0x11  }
0xc3: {  	s0 =	sor.u32 s1, s0  }
0xc4: {  	s0 =	sadd.s32 $0x8F2B, s0  }
0xc5: {  	[sflag:s0] =	ssyncadd.remote.s32 $0x1  }
0xc6: {  	_ =	sfence.sel $0xFFFF  }
0xc7: {  	[dreg:$0x0] =	wrdreg $0xFFFFFFFF;
	(pc) =	sbr.abs _section_cstart, $3  }
0xc8: {  	[dreg:$0x1] =	wrdreg $0xFFFFFFFF  }
0xc9: {  	_ =	task.clear_ibuf [dreg:s8], $0x2FFFF;
	_ =	strace $0x9FFFFFFF  }
0xca: {  	(tm) =	ssettm $0x7FFFFFFF  }
0xcb: {  	_ =	shalt  }
tec
execute0_lowered:
.L_overlay_start_1:
0x0: {  	(tag) =	ssettag $0x1  }
0x1: {  	s1 =	rddreg [dreg:$0x0]  }
0x2: {  	s5 =	rddreg [dreg:$0x1]  }
0x3: {  	s0 =	rddreg [dreg:$0x2]  }
0x4: {  	s2 =	rddreg [dreg:$0x3];
	s3 =	simm.s32 $0x0;
	s4 =	srdreg.scid  }
0x5: {  	s12 =	stileid.u32;
	s29 =	simm.s32 $0x100;
	s30 =	simm.s32 $0x180  }
0x6: {  	s31 =	simm.s32 $0x7C00;
	[smem:$0x7FF] =	sst s3;
	s8 =	smul.u32 $0x50000, s12  }
0x7: {  	s6 =	sadd.s32 $0x2E00, s0;
	s7 =	sand.u32 $0x1, s4;
	s11 =	smul.u32 $0x14000, s12  }
0x8: {  	s0 =	sadd.s32 $0xCC00, s0;
	s10 =	sshll.u32 s12, $0x1;
	s19 =	smul.u32 $0x4E20, s12  }
0x9: {  	_ =	strace $0x8000004A;
	s4 =	ssub.s32 $0x2, s7;
	s13 =	smul.u32 $0x2710, s7  }
0xa: {  	s18 =	sor.u32 s7, s10;
	s7 =	smul.u32 $0x140000, s7;
	s9 =	sshrl.u32 s4, $0x1  }
0xb: {  	s8 =	sshrl.u32 s8, $0x2;
	s12 =	sor.u32 $0x2800, s11;
	s14 =	sadd.s32 $0x7800, s11  }
0xc: {  	s15 =	sadd.s32 $0xA000, s11;
	s4 =	ssub.s32 s4, s9;
	s9 =	smul.u32 $0x2710, s18  }
0xd: {  	s24 =	sadd.s32 s8, s2;
	s28 =	sadd.s32 s12, s2;
	s8 =	sadd.s32 $0x5000, s11  }
0xe: {  	s10 =	sadd.s32 s13, s19;
	s21 =	sadd.s32 s14, s2;
	s19 =	sadd.s32 $0xC800, s11  }
0xf: {  	s18 =	sadd.s32 s15, s2;
	s20 =	sadd.s32 s8, s2;
	[dreg:$0x10] =	wrdreg s21  }
0x10: {  	s22 =	sshrl.u32 s10, $0x3;
	s17 =	sadd.s32 $0xF0, s10;
	[dreg:$0x11] =	wrdreg s18  }
0x11: {  	s26 =	sadd.s32 $0xA0, s10;
	s21 =	sadd.s32 s19, s2;
	[dreg:$0xd] =	wrdreg s24  }
0x12: {  	s10 =	sadd.s32 $0x50, s10;
	s8 =	sadd.s32 s7, s8;
	[dreg:$0xe] =	wrdreg s28  }
0x13: {  	[dreg:$0xf] =	wrdreg s20;
	s16 =	sadd.s32 s22, s6;
	s13 =	sadd.s32 s22, s5  }
0x14: {  	s23 =	sshrl.u32 s17, $0x3;
	s17 =	sshrl.u32 s26, $0x3;
	[dreg:$0x12] =	wrdreg s21  }
0x15: {  	s22 =	sadd.s32 $0xF000, s11;
	s9 =	sshrl.u32 s9, $0x3;
	[dreg:$0x5] =	wrdreg s16  }
0x16: {  	s10 =	sshrl.u32 s10, $0x3;
	[dreg:$0x6] =	wrdreg s13;
	s25 =	sadd.s32 s23, s6  }
0x17: {  	s16 =	sadd.s32 s23, s5;
	s20 =	sadd.s32 s17, s6;
	[dreg:$0x7] =	wrdreg s25  }
0x18: {  	s9 =	sadd.s32 $0x4D8, s9;
	s23 =	sadd.s32 s10, s6;
	[dreg:$0x8] =	wrdreg s16  }
0x19: {  	s13 =	sadd.s32 s7, s22;
	[dreg:$0x9] =	wrdreg s20;
	s16 =	sadd.s32 s17, s5  }
0x1a: {  	[dreg:$0xb] =	wrdreg s23;
	s25 =	sadd.s32 s22, s2;
	s6 =	sadd.s32 s6, s9  }
0x1b: {  	s26 =	sadd.s32 s5, s9;
	s5 =	sadd.s32 s10, s5;
	s9 =	sadd.s32 s11, s7  }
0x1c: {  	s10 =	sadd.s32 $0x11800, s11;
	s11 =	sadd.s32 s7, s12;
	s12 =	sadd.s32 s7, s14  }
0x1d: {  	s14 =	sadd.s32 s7, s15;
	s15 =	sadd.s32 s7, s19;
	[dreg:$0xa] =	wrdreg s16  }
0x1e: {  	s17 =	sshrl.u32 s8, $0x3;
	s22 =	sshrl.u32 s13, $0x3;
	[dreg:$0x13] =	wrdreg s25  }
0x1f: {  	s13 =	simm.s32 $0x50;
	s8 =	simm.s32 $0x2;
	[dreg:$0x14] =	wrdreg s6  }
0x20: {  	[dreg:$0x15] =	wrdreg s26;
	s6 =	sshrl.u32 s9, $0x3;
	s7 =	sadd.s32 s7, s10  }
0x21: {  	s9 =	sadd.s32 s10, s2;
	s16 =	sshrl.u32 s11, $0x3;
	s18 =	sshrl.u32 s12, $0x3  }
0x22: {  	s20 =	sshrl.u32 s14, $0x3;
	s21 =	sshrl.u32 s15, $0x3;
	s23 =	sadd.s32 s0, s22  }
0x23: {  	s26 =	smax.u32 s4, $0x1;
	[dreg:$0xc] =	wrdreg s5;
	s15 =	simm.s32 $0x5  }
0x24: {  	s10 =	simm.s32 $0xD;
	s4 =	simm.s32 $0x300;
	s22 =	simm.s32 $0x9  }
0x25: {  	s5 =	simm.s32 $0xB;
	[dreg:$0x16] =	wrdreg s9;
	s6 =	sadd.s32 s0, s6  }
0x26: {  	s19 =	sadd.s32 s0, s18;
	[dreg:$0x1d] =	wrdreg s23;
	s25 =	sshrl.u32 s7, $0x3  }
0x27: {  	[dreg:$0x1f] =	wrdreg s26;
	s18 =	simm.s32 $0x2C00;
	s23 =	simm.s32 $0xA  }
0x28: {  	s7 =	simm.s32 $0x1;
	s9 =	simm.s32 $0x3;
	[dreg:$0x17] =	wrdreg s6  }
0x29: {  	s6 =	sadd.s32 s0, s16;
	[dreg:$0x1a] =	wrdreg s19;
	s19 =	simm.s32 $0x7  }
0x2a: {  	s16 =	simm.s32 $0x4;
	[dreg:$0x18] =	wrdreg s6;
	s6 =	sadd.s32 s0, s17  }
0x2b: {  	s17 =	simm.s32 $0x6;
	[dreg:$0x19] =	wrdreg s6;
	s6 =	sadd.s32 s0, s20  }
0x2c: {  	s20 =	simm.s32 $0x5400;
	[dreg:$0x1b] =	wrdreg s6;
	s6 =	sadd.s32 s0, s21  }
0x2d: {  	s0 =	sadd.s32 s0, s25;
	s21 =	simm.s32 $0x8;
	[dreg:$0x1c] =	wrdreg s6  }
0x2e: {  	v0 =	vimm.f32 $0.0e+00;
	[dreg:$0x1e] =	wrdreg s0;
	s0 =	simm.s32 $0x0;
	s6 =	simm.s32 $0xC  }
.LBB2_1:
0x2f: {  	s11 =	sand.u32 $0xFE00, s3  }
0x30: {  	[smem:$0x7FD] =	sst s0;
	s14 =	sand.u32 $0x70, s3;
	s25 =	sshrl.u32 s11, $0x2  }
0x31: {  	s11 =	simm.s32 $0x40;
	s25 =	sor.u32 s14, s25;
	s14 =	simm.s32 $0x0  }
.LBB2_2:
0x32: {  	p0 =	sne.s32 s11, $0x9FC0  }
0x33: {  	[tilespmem:s25+$0x400] =	vst v0;
	s14 =	sadd.s32 $0x10, s14;
	s25 =	smov.u32 s11;
	s11 =	sadd.s32 $0x40, s11  }
.Ltmp0:
0x34: {  	(pc) =	sbr.rel @p0 .LBB2_2-.Ltmp0, $4  }
0x35: {  	_ = 	snop  }
0x36: {  	s25 =	sand.u32 $0xFE00, s25  }
0x37: {  	s26 =	sand.u32 $0x70, s14;
	s25 =	sshrl.u32 s25, $0x2  }
0x38: {  	s25 =	sor.u32 s26, s25  }
0x39: {  	[tilespmem:s25+$0x400] =	vst v0;
	s26 =	simm.s32 $0x400;
	s14 =	simm.s32 $0xE  }
0x3a: {  	[spmem:s24] =	stream.linear.scatter [tilespmem:s26], [sflag:$0xE], $0x2800, $0x38;
	[tilespmem:$0x1E400] =	vst v63  }
0x3b: {  	_ =	swait.ge [sflag:s14], $0x2800  }
0x3c: {  	[sflag:s14] =	ssyncset.done $0x0  }
0x3d: {  	[sflag:s14] =	ssyncadd.s32 $0xFFFFD800  }
0x3e: {  	[spmem:s28] =	stream.linear.scatter [tilespmem:s26], [sflag:$0xE], $0x2800, $0x38;
	[tilespmem:$0x1E400] =	vst v63  }
0x3f: {  	_ =	swait.ge [sflag:s14], $0x2800  }
0x40: {  	[sflag:s14] =	ssyncset.done $0x0  }
0x41: {  	s11 =	rddreg [dreg:$0xf];
	[sflag:s14] =	ssyncadd.s32 $0xFFFFD800  }
0x42: {  	[spmem:s11] =	stream.linear.scatter [tilespmem:s26], [sflag:$0xE], $0x2800, $0x38;
	[tilespmem:$0x1E400] =	vst v63  }
0x43: {  	_ =	swait.ge [sflag:s14], $0x2800  }
0x44: {  	[sflag:s14] =	ssyncset.done $0x0  }
0x45: {  	s28 =	rddreg [dreg:$0x10];
	[sflag:s14] =	ssyncadd.s32 $0xFFFFD800  }
0x46: {  	[spmem:s28] =	stream.linear.scatter [tilespmem:s26], [sflag:$0xE], $0x2800, $0x38;
	[tilespmem:$0x1E400] =	vst v63  }
0x47: {  	_ =	swait.ge [sflag:s14], $0x2800  }
0x48: {  	[sflag:s14] =	ssyncset.done $0x0  }
0x49: {  	s0 =	rddreg [dreg:$0x11];
	[sflag:s14] =	ssyncadd.s32 $0xFFFFD800  }
0x4a: {  	[spmem:s0] =	stream.linear.scatter [tilespmem:s26], [sflag:$0xE], $0x2800, $0x38;
	[tilespmem:$0x1E400] =	vst v63  }
0x4b: {  	_ =	swait.ge [sflag:s14], $0x2800  }
0x4c: {  	[sflag:s14] =	ssyncset.done $0x0  }
0x4d: {  	s12 =	rddreg [dreg:$0x12];
	[sflag:s14] =	ssyncadd.s32 $0xFFFFD800  }
0x4e: {  	[spmem:s12] =	stream.linear.scatter [tilespmem:s26], [sflag:$0xE], $0x2800, $0x38;
	[tilespmem:$0x1E400] =	vst v63  }
0x4f: {  	_ =	swait.ge [sflag:s14], $0x2800  }
0x50: {  	[sflag:s14] =	ssyncset.done $0x0  }
0x51: {  	s24 =	rddreg [dreg:$0x13];
	[sflag:s14] =	ssyncadd.s32 $0xFFFFD800  }
0x52: {  	[spmem:s24] =	stream.linear.scatter [tilespmem:s26], [sflag:$0xE], $0x2800, $0x38;
	[tilespmem:$0x1E400] =	vst v63  }
0x53: {  	_ =	swait.ge [sflag:s14], $0x2800  }
0x54: {  	[sflag:s14] =	ssyncset.done $0x0  }
0x55: {  	s25 =	rddreg [dreg:$0x16];
	[sflag:s14] =	ssyncadd.s32 $0xFFFFD800  }
0x56: {  	[spmem:s25] =	stream.linear.scatter [tilespmem:s26], [sflag:$0xE], $0x2800, $0x38;
	[tilespmem:$0x1E400] =	vst v63  }
0x57: {  	_ =	swait.ge [sflag:s14], $0x2800  }
0x58: {  	[sflag:s14] =	ssyncset.done $0x0  }
0x59: {  	[sflag:s14] =	ssyncadd.s32 $0xFFFFD800  }
0x5a: {  	[bflag:$0x0] =	sbarrier.arrive $0xFFFF  }
0x5b: {  	s28 =	rddreg [dreg:$0x6]  }
0x5c: {  	s0 =	rddreg [dreg:$0xc];
	s11 =	sadd.s32 $0x0, s28  }
0x5d: {  	[tilespmem:s3], [sflag:$0x5] =	stream.linear.gather [hbm4b:s11+s3], $0x50, $0x38;
	[tilespmem:$0x1E400] =	vst v63  }
0x5e: {  	s24 =	simm.s32 $0x80;
	s12 =	rddreg [dreg:$0xa];
	s14 =	sadd.s32 $0x0, s0  }
0x5f: {  	[tilespmem:s24], [sflag:$0x6] =	stream.linear.gather [hbm4b:s14+s3], $0x50, $0x38;
	[tilespmem:$0x1E400] =	vst v63  }
0x60: {  	s28 =	rddreg [dreg:$0x8];
	s0 =	sadd.s32 $0x0, s12  }
0x61: {  	[tilespmem:s29], [sflag:$0x7] =	stream.linear.gather [hbm4b:s0+s3], $0x50, $0x38;
	[tilespmem:$0x1E400] =	vst v63  }
0x62: {  	s12 =	rddreg [dreg:$0x5];
	s14 =	sadd.s32 $0x0, s28  }
0x63: {  	[tilespmem:s30], [sflag:$0x8] =	stream.linear.gather [hbm4b:s14+s3], $0x50, $0x38;
	[tilespmem:$0x1E400] =	vst v63  }
0x64: {  	s28 =	rddreg [dreg:$0xb];
	s0 =	sadd.s32 $0x0, s12;
	s12 =	simm.s32 $0x200  }
0x65: {  	[tilespmem:s12], [sflag:$0x9] =	stream.linear.gather [hbm4b:s0+s3], $0x50, $0x38;
	[tilespmem:$0x1E400] =	vst v63  }
0x66: {  	s25 =	rddreg [dreg:$0x9];
	s28 =	sadd.s32 $0x0, s28;
	s0 =	simm.s32 $0x280  }
0x67: {  	[tilespmem:s0], [sflag:$0xA] =	stream.linear.gather [hbm4b:s28+s3], $0x50, $0x38;
	[tilespmem:$0x1E400] =	vst v63  }
0x68: {  	s14 =	rddreg [dreg:$0x7];
	s28 =	sadd.s32 $0x0, s25  }
0x69: {  	[tilespmem:s4], [sflag:$0xB] =	stream.linear.gather [hbm4b:s28+s3], $0x50, $0x38;
	[tilespmem:$0x1E400] =	vst v63  }
0x6a: {  	s25 =	sadd.s32 $0x0, s14;
	s28 =	simm.s32 $0x380  }
0x6b: {  	[tilespmem:s28], [sflag:$0xC] =	stream.linear.gather [hbm4b:s25+s3], $0x50, $0x38;
	[tilespmem:$0x1E400] =	vst v63  }
0x6c: {  	_ =	swait.ge [sflag:s15], $0x50  }
0x6d: {  	[sflag:s15] =	ssyncset.done $0x0  }
0x6e: {  	[sflag:s15] =	ssyncadd.s32 $0xFFFFFFB0  }
0x6f: {  	[tilespmem:s26], [sflag:$0x1] =	stream.indirect.gather [hbm4b:s1+s13], $0x80, s3, s13, $0xb8;
	[tilespmem:$0x1E400] =	vst v63  }
0x70: {  	_ =	swait.ge [sflag:s17], $0x50  }
0x71: {  	[sflag:s17] =	ssyncset.done $0x0  }
0x72: {  	[sflag:s17] =	ssyncadd.s32 $0xFFFFFFB0  }
0x73: {  	[tilespmem:s18], [sflag:$0x2] =	stream.indirect.gather [hbm4b:s1+s13], $0x80, s24, s13, $0xb8;
	[tilespmem:$0x1E400] =	vst v63  }
0x74: {  	_ =	swait.ge [sflag:s19], $0x50  }
0x75: {  	[sflag:s19] =	ssyncset.done $0x0  }
0x76: {  	[sflag:s19] =	ssyncadd.s32 $0xFFFFFFB0  }
0x77: {  	[tilespmem:s20], [sflag:$0x3] =	stream.indirect.gather [hbm4b:s1+s13], $0x80, s29, s13, $0xb8;
	[tilespmem:$0x1E400] =	vst v63  }
0x78: {  	_ =	swait.ge [sflag:s21], $0x50  }
0x79: {  	[sflag:s21] =	ssyncset.done $0x0  }
0x7a: {  	[sflag:s21] =	ssyncadd.s32 $0xFFFFFFB0  }
0x7b: {  	[tilespmem:s31], [sflag:$0x4] =	stream.indirect.gather [hbm4b:s1+s13], $0x80, s30, s13, $0xb8;
	[tilespmem:$0x1E400] =	vst v63  }
0x7c: {  	_ =	swait.ge [sflag:s22], $0x50  }
0x7d: {  	[sflag:s22] =	ssyncset.done $0x0  }
0x7e: {  	[sflag:s22] =	ssyncadd.s32 $0xFFFFFFB0  }
0x7f: {  	_ =	swait.ge [sflag:s23], $0x50  }
0x80: {  	[sflag:s23] =	ssyncset.done $0x0  }
0x81: {  	[sflag:s23] =	ssyncadd.s32 $0xFFFFFFB0  }
0x82: {  	_ =	swait.ge [sflag:s5], $0x50  }
0x83: {  	[sflag:s5] =	ssyncset.done $0x0  }
0x84: {  	[sflag:s5] =	ssyncadd.s32 $0xFFFFFFB0  }
0x85: {  	_ =	swait.ge [sflag:s6], $0x50  }
0x86: {  	[sflag:s6] =	ssyncset.done $0x0  }
0x87: {  	[sflag:s6] =	ssyncadd.s32 $0xFFFFFFB0  }
0x88: {  	_ =	swait.ge [sflag:s7], $0x2800  }
0x89: {  	[sflag:s7] =	ssyncset.done $0x0  }
0x8a: {  	[sflag:s7] =	ssyncadd.s32 $0xFFFFD800  }
0x8b: {  	[spmem:s2] =	stream.indirect.scatter.add.f32 [tilespmem:s26], [sflag:$0xD], $0x80, s12, s13, $0xb8;
	[tilespmem:$0x1E400] =	vst v63  }
0x8c: {  	_ =	swait.ge [sflag:s8], $0x2800  }
0x8d: {  	[sflag:s8] =	ssyncset.done $0x0  }
0x8e: {  	[sflag:s8] =	ssyncadd.s32 $0xFFFFD800  }
0x8f: {  	[spmem:s2] =	stream.indirect.scatter.add.f32 [tilespmem:s18], [sflag:$0xD], $0x80, s0, s13, $0xb8;
	[tilespmem:$0x1E400] =	vst v63  }
0x90: {  	_ =	swait.ge [sflag:s9], $0x2800  }
0x91: {  	[sflag:s9] =	ssyncset.done $0x0  }
0x92: {  	[sflag:s9] =	ssyncadd.s32 $0xFFFFD800  }
0x93: {  	[spmem:s2] =	stream.indirect.scatter.add.f32 [tilespmem:s20], [sflag:$0xD], $0x80, s4, s13, $0xb8;
	[tilespmem:$0x1E400] =	vst v63  }
0x94: {  	_ =	swait.ge [sflag:s16], $0x2800  }
0x95: {  	[sflag:s16] =	ssyncset.done $0x0  }
0x96: {  	[sflag:s16] =	ssyncadd.s32 $0xFFFFD800  }
0x97: {  	[spmem:s2] =	stream.indirect.scatter.add.f32 [tilespmem:s31], [sflag:$0xD], $0x80, s28, s13, $0xb8;
	[tilespmem:$0x1E400] =	vst v63  }
0x98: {  	_ =	swait.ge [sflag:s10], $0x2800  }
0x99: {  	[sflag:s10] =	ssyncset.done $0x0  }
0x9a: {  	[sflag:s10] =	ssyncadd.s32 $0xFFFFD800  }
0x9b: {  	_ =	swait.ge [sflag:s10], $0x2800  }
0x9c: {  	[sflag:s10] =	ssyncset.done $0x0  }
0x9d: {  	[sflag:s10] =	ssyncadd.s32 $0xFFFFD800  }
0x9e: {  	_ =	swait.ge [sflag:s10], $0x2800  }
0x9f: {  	[sflag:s10] =	ssyncset.done $0x0  }
0xa0: {  	[sflag:s10] =	ssyncadd.s32 $0xFFFFD800  }
0xa1: {  	s11 =	simm.s32 $0x50;
	s14 =	simm.s32 $0x28;
	_ =	swait.ge [sflag:s10], $0x2800  }
0xa2: {  	s15 =	simm.s32 $0x5;
	s25 =	rddreg [dreg:$0x6];
	[sflag:s10] =	ssyncset.done $0x0  }
.LBB2_4:
0xa3: {  	[sflag:s10] =	ssyncadd.s32 $0xFFFFD800;
	s24 =	rddreg [dreg:$0xc];
	s25 =	sadd.s32 s14, s25  }
0xa4: {  	[tilespmem:s3], [sflag:$0x5] =	stream.linear.gather [hbm4b:s25+s3], $0x50, $0x38;
	[tilespmem:$0x1E400] =	vst v63  }
0xa5: {  	s29 =	simm.s32 $0x80;
	s28 =	rddreg [dreg:$0xa];
	s24 =	sadd.s32 s14, s24  }
0xa6: {  	[tilespmem:s29], [sflag:$0x6] =	stream.linear.gather [hbm4b:s24+s3], $0x50, $0x38;
	[tilespmem:$0x1E400] =	vst v63  }
0xa7: {  	s25 =	rddreg [dreg:$0x8];
	s12 =	sadd.s32 s14, s28;
	s29 =	simm.s32 $0x100  }
0xa8: {  	[tilespmem:s29], [sflag:$0x7] =	stream.linear.gather [hbm4b:s12+s3], $0x50, $0x38;
	[tilespmem:$0x1E400] =	vst v63  }
0xa9: {  	s28 =	rddreg [dreg:$0x5];
	s12 =	sadd.s32 s14, s25  }
0xaa: {  	[tilespmem:s30], [sflag:$0x8] =	stream.linear.gather [hbm4b:s12+s3], $0x50, $0x38;
	[tilespmem:$0x1E400] =	vst v63  }
0xab: {  	s24 =	sadd.s32 s14, s28;
	s25 =	rddreg [dreg:$0xb];
	s12 =	simm.s32 $0x200  }
0xac: {  	[tilespmem:s12], [sflag:$0x9] =	stream.linear.gather [hbm4b:s24+s3], $0x50, $0x38;
	[tilespmem:$0x1E400] =	vst v63  }
0xad: {  	s28 =	rddreg [dreg:$0x9];
	s24 =	sadd.s32 s14, s25  }
0xae: {  	[tilespmem:s0], [sflag:$0xA] =	stream.linear.gather [hbm4b:s24+s3], $0x50, $0x38;
	[tilespmem:$0x1E400] =	vst v63  }
0xaf: {  	s25 =	rddreg [dreg:$0x7];
	s24 =	sadd.s32 s14, s28  }
0xb0: {  	[tilespmem:s4], [sflag:$0xB] =	stream.linear.gather [hbm4b:s24+s3], $0x50, $0x38;
	[tilespmem:$0x1E400] =	vst v63  }
0xb1: {  	s24 =	sadd.s32 s14, s25;
	s25 =	simm.s32 $0x380  }
0xb2: {  	[tilespmem:s25], [sflag:$0xC] =	stream.linear.gather [hbm4b:s24+s3], $0x50, $0x38;
	[tilespmem:$0x1E400] =	vst v63  }
0xb3: {  	_ =	swait.ge [sflag:s15], $0x50  }
0xb4: {  	s26 =	smov.u32 s11;
	[sflag:s15] =	ssyncset.done $0x0  }
0xb5: {  	s14 =	smov.u32 s26;
	s26 =	simm.s32 $0x400;
	[sflag:s15] =	ssyncadd.s32 $0xFFFFFFB0  }
0xb6: {  	[tilespmem:s26], [sflag:$0x1] =	stream.indirect.gather [hbm4b:s1+s13], $0x80, s3, s13, $0xb8;
	[tilespmem:$0x1E400] =	vst v63  }
0xb7: {  	_ =	swait.ge [sflag:s17], $0x50  }
0xb8: {  	[sflag:s17] =	ssyncset.done $0x0  }
0xb9: {  	s28 =	simm.s32 $0x80;
	[sflag:s17] =	ssyncadd.s32 $0xFFFFFFB0  }
0xba: {  	[tilespmem:s18], [sflag:$0x2] =	stream.indirect.gather [hbm4b:s1+s13], $0x80, s28, s13, $0xb8;
	[tilespmem:$0x1E400] =	vst v63  }
0xbb: {  	_ =	swait.ge [sflag:s19], $0x50  }
0xbc: {  	[sflag:s19] =	ssyncset.done $0x0  }
0xbd: {  	[sflag:s19] =	ssyncadd.s32 $0xFFFFFFB0  }
0xbe: {  	[tilespmem:s20], [sflag:$0x3] =	stream.indirect.gather [hbm4b:s1+s13], $0x80, s29, s13, $0xb8;
	[tilespmem:$0x1E400] =	vst v63  }
0xbf: {  	_ =	swait.ge [sflag:s21], $0x50  }
0xc0: {  	[sflag:s21] =	ssyncset.done $0x0  }
0xc1: {  	[sflag:s21] =	ssyncadd.s32 $0xFFFFFFB0  }
0xc2: {  	[tilespmem:s31], [sflag:$0x4] =	stream.indirect.gather [hbm4b:s1+s13], $0x80, s30, s13, $0xb8;
	[tilespmem:$0x1E400] =	vst v63  }
0xc3: {  	_ =	swait.ge [sflag:s22], $0x50  }
0xc4: {  	[sflag:s22] =	ssyncset.done $0x0  }
0xc5: {  	[sflag:s22] =	ssyncadd.s32 $0xFFFFFFB0  }
0xc6: {  	_ =	swait.ge [sflag:s23], $0x50  }
0xc7: {  	[sflag:s23] =	ssyncset.done $0x0  }
0xc8: {  	[sflag:s23] =	ssyncadd.s32 $0xFFFFFFB0  }
0xc9: {  	_ =	swait.ge [sflag:s5], $0x50  }
0xca: {  	[sflag:s5] =	ssyncset.done $0x0  }
0xcb: {  	[sflag:s5] =	ssyncadd.s32 $0xFFFFFFB0  }
0xcc: {  	_ =	swait.ge [sflag:s6], $0x50  }
0xcd: {  	[sflag:s6] =	ssyncset.done $0x0  }
0xce: {  	[sflag:s6] =	ssyncadd.s32 $0xFFFFFFB0  }
0xcf: {  	_ =	swait.ge [sflag:s7], $0x2800  }
0xd0: {  	[sflag:s7] =	ssyncset.done $0x0  }
0xd1: {  	[sflag:s7] =	ssyncadd.s32 $0xFFFFD800  }
0xd2: {  	[spmem:s2] =	stream.indirect.scatter.add.f32 [tilespmem:s26], [sflag:$0xD], $0x80, s12, s13, $0xb8;
	[tilespmem:$0x1E400] =	vst v63  }
0xd3: {  	_ =	swait.ge [sflag:s8], $0x2800  }
0xd4: {  	[sflag:s8] =	ssyncset.done $0x0  }
0xd5: {  	[sflag:s8] =	ssyncadd.s32 $0xFFFFD800  }
0xd6: {  	[spmem:s2] =	stream.indirect.scatter.add.f32 [tilespmem:s18], [sflag:$0xD], $0x80, s0, s13, $0xb8;
	[tilespmem:$0x1E400] =	vst v63  }
0xd7: {  	_ =	swait.ge [sflag:s9], $0x2800  }
0xd8: {  	[sflag:s9] =	ssyncset.done $0x0  }
0xd9: {  	[sflag:s9] =	ssyncadd.s32 $0xFFFFD800  }
0xda: {  	[spmem:s2] =	stream.indirect.scatter.add.f32 [tilespmem:s20], [sflag:$0xD], $0x80, s4, s13, $0xb8;
	[tilespmem:$0x1E400] =	vst v63  }
0xdb: {  	_ =	swait.ge [sflag:s16], $0x2800  }
0xdc: {  	[sflag:s16] =	ssyncset.done $0x0  }
0xdd: {  	[sflag:s16] =	ssyncadd.s32 $0xFFFFD800  }
0xde: {  	[spmem:s2] =	stream.indirect.scatter.add.f32 [tilespmem:s31], [sflag:$0xD], $0x80, s25, s13, $0xb8;
	[tilespmem:$0x1E400] =	vst v63  }
0xdf: {  	_ =	swait.ge [sflag:s10], $0x2800  }
0xe0: {  	[sflag:s10] =	ssyncset.done $0x0  }
0xe1: {  	[sflag:s10] =	ssyncadd.s32 $0xFFFFD800  }
0xe2: {  	_ =	swait.ge [sflag:s10], $0x2800  }
0xe3: {  	[sflag:s10] =	ssyncset.done $0x0  }
0xe4: {  	p0 =	sne.s32 s11, $0x4B0;
	[sflag:s10] =	ssyncadd.s32 $0xFFFFD800  }
.Ltmp1:
0xe5: {  	_ =	swait.ge [sflag:s10], $0x2800;
	(pc) =	sbr.rel @p0 .LBB2_4-.Ltmp1, $4  }
0xe6: {  	[sflag:s10] =	ssyncset.done $0x0  }
0xe7: {  	[sflag:s10] =	ssyncadd.s32 $0xFFFFD800  }
0xe8: {  	_ =	swait.ge [sflag:s10], $0x2800  }
0xe9: {  	s11 =	sadd.s32 $0x28, s11;
	s25 =	rddreg [dreg:$0x6];
	[sflag:s10] =	ssyncset.done $0x0  }
0xea: {  	s11 =	rddreg [dreg:$0xc];
	[sflag:s10] =	ssyncadd.s32 $0xFFFFD800;
	s24 =	sadd.s32 s14, s25  }
0xeb: {  	[tilespmem:s3], [sflag:$0x5] =	stream.linear.gather [hbm4b:s24+s3], $0x50, $0x38;
	[tilespmem:$0x1E400] =	vst v63  }
0xec: {  	s12 =	rddreg [dreg:$0xa];
	s11 =	sadd.s32 s14, s11  }
0xed: {  	[tilespmem:s28], [sflag:$0x6] =	stream.linear.gather [hbm4b:s11+s3], $0x50, $0x38;
	[tilespmem:$0x1E400] =	vst v63  }
0xee: {  	s25 =	rddreg [dreg:$0x8];
	s24 =	sadd.s32 s14, s12  }
0xef: {  	[tilespmem:s29], [sflag:$0x7] =	stream.linear.gather [hbm4b:s24+s3], $0x50, $0x38;
	[tilespmem:$0x1E400] =	vst v63  }
0xf0: {  	s12 =	rddreg [dreg:$0x5];
	s11 =	sadd.s32 s14, s25  }
0xf1: {  	[tilespmem:s30], [sflag:$0x8] =	stream.linear.gather [hbm4b:s11+s3], $0x50, $0x38;
	[tilespmem:$0x1E400] =	vst v63  }
0xf2: {  	s25 =	rddreg [dreg:$0xb];
	s24 =	sadd.s32 s14, s12;
	s12 =	simm.s32 $0x200  }
0xf3: {  	[tilespmem:s12], [sflag:$0x9] =	stream.linear.gather [hbm4b:s24+s3], $0x50, $0x38;
	[tilespmem:$0x1E400] =	vst v63  }
0xf4: {  	s11 =	sadd.s32 s14, s25;
	s24 =	rddreg [dreg:$0x9]  }
0xf5: {  	[tilespmem:s0], [sflag:$0xA] =	stream.linear.gather [hbm4b:s11+s3], $0x50, $0x38;
	[tilespmem:$0x1E400] =	vst v63  }
0xf6: {  	s25 =	rddreg [dreg:$0x7];
	s24 =	sadd.s32 s14, s24  }
0xf7: {  	[tilespmem:s4], [sflag:$0xB] =	stream.linear.gather [hbm4b:s24+s3], $0x50, $0x38;
	[tilespmem:$0x1E400] =	vst v63  }
0xf8: {  	s11 =	sadd.s32 s14, s25;
	s25 =	simm.s32 $0x380  }
0xf9: {  	[tilespmem:s25], [sflag:$0xC] =	stream.linear.gather [hbm4b:s11+s3], $0x50, $0x38;
	[tilespmem:$0x1E400] =	vst v63  }
0xfa: {  	_ =	swait.ge [sflag:s15], $0x50  }
0xfb: {  	[sflag:s15] =	ssyncset.done $0x0  }
0xfc: {  	[sflag:s15] =	ssyncadd.s32 $0xFFFFFFB0  }
0xfd: {  	[tilespmem:s26], [sflag:$0x1] =	stream.indirect.gather [hbm4b:s1+s13], $0x80, s3, s13, $0xb8;
	[tilespmem:$0x1E400] =	vst v63  }
0xfe: {  	_ =	swait.ge [sflag:s17], $0x50  }
0xff: {  	[sflag:s17] =	ssyncset.done $0x0  }
0x100: {  	[sflag:s17] =	ssyncadd.s32 $0xFFFFFFB0  }
0x101: {  	[tilespmem:s18], [sflag:$0x2] =	stream.indirect.gather [hbm4b:s1+s13], $0x80, s28, s13, $0xb8;
	[tilespmem:$0x1E400] =	vst v63  }
0x102: {  	_ =	swait.ge [sflag:s19], $0x50  }
0x103: {  	[sflag:s19] =	ssyncset.done $0x0  }
0x104: {  	[sflag:s19] =	ssyncadd.s32 $0xFFFFFFB0  }
0x105: {  	[tilespmem:s20], [sflag:$0x3] =	stream.indirect.gather [hbm4b:s1+s13], $0x80, s29, s13, $0xb8;
	[tilespmem:$0x1E400] =	vst v63  }
0x106: {  	_ =	swait.ge [sflag:s21], $0x50  }
0x107: {  	[sflag:s21] =	ssyncset.done $0x0  }
0x108: {  	[sflag:s21] =	ssyncadd.s32 $0xFFFFFFB0  }
0x109: {  	[tilespmem:s31], [sflag:$0x4] =	stream.indirect.gather [hbm4b:s1+s13], $0x80, s30, s13, $0xb8;
	[tilespmem:$0x1E400] =	vst v63  }
0x10a: {  	_ =	swait.ge [sflag:s22], $0x50  }
0x10b: {  	[sflag:s22] =	ssyncset.done $0x0  }
0x10c: {  	[sflag:s22] =	ssyncadd.s32 $0xFFFFFFB0  }
0x10d: {  	_ =	swait.ge [sflag:s23], $0x50  }
0x10e: {  	[sflag:s23] =	ssyncset.done $0x0  }
0x10f: {  	[sflag:s23] =	ssyncadd.s32 $0xFFFFFFB0  }
0x110: {  	_ =	swait.ge [sflag:s5], $0x50  }
0x111: {  	[sflag:s5] =	ssyncset.done $0x0  }
0x112: {  	[sflag:s5] =	ssyncadd.s32 $0xFFFFFFB0  }
0x113: {  	_ =	swait.ge [sflag:s6], $0x50  }
0x114: {  	[sflag:s6] =	ssyncset.done $0x0  }
0x115: {  	[sflag:s6] =	ssyncadd.s32 $0xFFFFFFB0  }
0x116: {  	_ =	swait.ge [sflag:s7], $0x2800  }
0x117: {  	[sflag:s7] =	ssyncset.done $0x0  }
0x118: {  	[sflag:s7] =	ssyncadd.s32 $0xFFFFD800  }
0x119: {  	[spmem:s2] =	stream.indirect.scatter.add.f32 [tilespmem:s26], [sflag:$0xD], $0x80, s12, s13, $0xb8;
	[tilespmem:$0x1E400] =	vst v63  }
0x11a: {  	_ =	swait.ge [sflag:s8], $0x2800  }
0x11b: {  	[sflag:s8] =	ssyncset.done $0x0  }
0x11c: {  	[sflag:s8] =	ssyncadd.s32 $0xFFFFD800  }
0x11d: {  	[spmem:s2] =	stream.indirect.scatter.add.f32 [tilespmem:s18], [sflag:$0xD], $0x80, s0, s13, $0xb8;
	[tilespmem:$0x1E400] =	vst v63  }
0x11e: {  	_ =	swait.ge [sflag:s9], $0x2800  }
0x11f: {  	[sflag:s9] =	ssyncset.done $0x0  }
0x120: {  	[sflag:s9] =	ssyncadd.s32 $0xFFFFD800  }
0x121: {  	[spmem:s2] =	stream.indirect.scatter.add.f32 [tilespmem:s20], [sflag:$0xD], $0x80, s4, s13, $0xb8;
	[tilespmem:$0x1E400] =	vst v63  }
0x122: {  	_ =	swait.ge [sflag:s16], $0x2800  }
0x123: {  	[sflag:s16] =	ssyncset.done $0x0  }
0x124: {  	[sflag:s16] =	ssyncadd.s32 $0xFFFFD800  }
0x125: {  	[spmem:s2] =	stream.indirect.scatter.add.f32 [tilespmem:s31], [sflag:$0xD], $0x80, s25, s13, $0xb8;
	[tilespmem:$0x1E400] =	vst v63  }
0x126: {  	_ =	swait.ge [sflag:s10], $0x2800  }
0x127: {  	[sflag:s10] =	ssyncset.done $0x0  }
0x128: {  	[sflag:s10] =	ssyncadd.s32 $0xFFFFD800  }
0x129: {  	_ =	swait.ge [sflag:s10], $0x2800  }
0x12a: {  	[sflag:s10] =	ssyncset.done $0x0  }
0x12b: {  	[sflag:s10] =	ssyncadd.s32 $0xFFFFD800  }
0x12c: {  	_ =	swait.ge [sflag:s10], $0x2800  }
0x12d: {  	[sflag:s10] =	ssyncset.done $0x0  }
0x12e: {  	[sflag:s10] =	ssyncadd.s32 $0xFFFFD800  }
0x12f: {  	_ =	swait.ge [sflag:s10], $0x2800  }
0x130: {  	[sflag:s10] =	ssyncset.done $0x0  }
0x131: {  	s24 =	rddreg [dreg:$0x15];
	[sflag:s10] =	ssyncadd.s32 $0xFFFFD800  }
0x132: {  	[tilespmem:s3], [sflag:$0x5] =	stream.linear.gather [hbm4b:s24+s3], $0x50, $0x38;
	[tilespmem:$0x1E400] =	vst v63  }
0x133: {  	s25 =	rddreg [dreg:$0x14]  }
0x134: {  	[tilespmem:s12], [sflag:$0x9] =	stream.linear.gather [hbm4b:s25+s3], $0x50, $0x38;
	[tilespmem:$0x1E400] =	vst v63  }
0x135: {  	_ =	swait.ge [sflag:s15], $0x50  }
0x136: {  	[sflag:s15] =	ssyncset.done $0x0  }
0x137: {  	[sflag:s15] =	ssyncadd.s32 $0xFFFFFFB0  }
0x138: {  	[tilespmem:s26], [sflag:$0x1] =	stream.indirect.gather [hbm4b:s1+s13], $0x80, s3, s13, $0xb8;
	[tilespmem:$0x1E400] =	vst v63  }
0x139: {  	_ =	swait.ge [sflag:s22], $0x50  }
0x13a: {  	[sflag:s22] =	ssyncset.done $0x0  }
0x13b: {  	[sflag:s22] =	ssyncadd.s32 $0xFFFFFFB0  }
0x13c: {  	_ =	swait.ge [sflag:s7], $0x2800  }
0x13d: {  	[sflag:s7] =	ssyncset.done $0x0  }
0x13e: {  	[sflag:s7] =	ssyncadd.s32 $0xFFFFD800  }
0x13f: {  	[spmem:s2] =	stream.indirect.scatter.add.f32 [tilespmem:s26], [sflag:$0xD], $0x80, s12, s13, $0xb8;
	[tilespmem:$0x1E400] =	vst v63  }
0x140: {  	_ =	swait.ge [sflag:s10], $0x2800  }
0x141: {  	[sflag:s10] =	ssyncset.done $0x0  }
0x142: {  	s0 =	stileid.u32;
	[sflag:s10] =	ssyncadd.s32 $0xFFFFD800  }
0x143: {  	s11 =	sshll.u32 s0, $0x6;
	[bflag:$0x0] =	sbarrier.arrive $0xFFFF  }
0x144: {  	s11 =	sor.u32 $0x1C0E, s11;
	s24 =	rddreg [dreg:$0xd]  }
0x145: {  	s26 =	simm.s32 $0xE;
	s15 =	rddreg [dreg:$0x17];
	s12 =	sshrl.u32 s24, $0x3  }
0x146: {  	[hbm:s15], [sflag:s11] =	dma.local [spmem:s12], $0x500  }
0x147: {  	_ =	swait.ge [sflag:s26], $0x500  }
0x148: {  	[sflag:s26] =	ssyncset.done $0x0;
	s28 =	rddreg [dreg:$0xe]  }
0x149: {  	s0 =	rddreg [dreg:$0x18];
	[sflag:s26] =	ssyncadd.s32 $0xFFFFFB00;
	s25 =	sshrl.u32 s28, $0x3  }
0x14a: {  	[hbm:s0], [sflag:s11] =	dma.local [spmem:s25], $0x500  }
0x14b: {  	_ =	swait.ge [sflag:s26], $0x500  }
0x14c: {  	[sflag:s26] =	ssyncset.done $0x0;
	s12 =	rddreg [dreg:$0xf]  }
0x14d: {  	s15 =	rddreg [dreg:$0x19];
	[sflag:s26] =	ssyncadd.s32 $0xFFFFFB00;
	s14 =	sshrl.u32 s12, $0x3  }
0x14e: {  	[hbm:s15], [sflag:s11] =	dma.local [spmem:s14], $0x500  }
0x14f: {  	_ =	swait.ge [sflag:s26], $0x500  }
0x150: {  	[sflag:s26] =	ssyncset.done $0x0;
	s25 =	rddreg [dreg:$0x10]  }
0x151: {  	s0 =	rddreg [dreg:$0x1a];
	[sflag:s26] =	ssyncadd.s32 $0xFFFFFB00;
	s14 =	sshrl.u32 s25, $0x3  }
0x152: {  	[hbm:s0], [sflag:s11] =	dma.local [spmem:s14], $0x500  }
0x153: {  	_ =	swait.ge [sflag:s26], $0x500  }
0x154: {  	[sflag:s26] =	ssyncset.done $0x0;
	s12 =	rddreg [dreg:$0x11]  }
0x155: {  	s15 =	rddreg [dreg:$0x1b];
	[sflag:s26] =	ssyncadd.s32 $0xFFFFFB00;
	s14 =	sshrl.u32 s12, $0x3  }
0x156: {  	[hbm:s15], [sflag:s11] =	dma.local [spmem:s14], $0x500  }
0x157: {  	_ =	swait.ge [sflag:s26], $0x500  }
0x158: {  	[sflag:s26] =	ssyncset.done $0x0;
	s25 =	rddreg [dreg:$0x12]  }
0x159: {  	s0 =	rddreg [dreg:$0x1c];
	[sflag:s26] =	ssyncadd.s32 $0xFFFFFB00;
	s14 =	sshrl.u32 s25, $0x3  }
0x15a: {  	[hbm:s0], [sflag:s11] =	dma.local [spmem:s14], $0x500  }
0x15b: {  	_ =	swait.ge [sflag:s26], $0x500  }
0x15c: {  	[sflag:s26] =	ssyncset.done $0x0;
	s12 =	rddreg [dreg:$0x13]  }
0x15d: {  	s15 =	rddreg [dreg:$0x1d];
	[sflag:s26] =	ssyncadd.s32 $0xFFFFFB00;
	s14 =	sshrl.u32 s12, $0x3  }
0x15e: {  	[hbm:s15], [sflag:s11] =	dma.local [spmem:s14], $0x500  }
0x15f: {  	_ =	swait.ge [sflag:s26], $0x500  }
0x160: {  	[sflag:s26] =	ssyncset.done $0x0;
	s0 =	rddreg [dreg:$0x16]  }
0x161: {  	s12 =	rddreg [dreg:$0x1e];
	[sflag:s26] =	ssyncadd.s32 $0xFFFFFB00;
	s14 =	sshrl.u32 s0, $0x3  }
0x162: {  	[hbm:s12], [sflag:s11] =	dma.local [spmem:s14], $0x500  }
0x163: {  	_ =	swait.ge [sflag:s26], $0x500  }
0x164: {  	s15 =	sld [smem:$0x7FD];
	_ =	sdelay $0x2  }
0x165: {  	s25 =	rddreg [dreg:$0x1f];
	s0 =	sadd.s32 $0x1, s15  }
0x166: {  	p0 =	sne.s32 s0, s25  }
.Ltmp2:
0x167: {  	_ = 	snop;
	(pc) =	sbr.rel @p0 .LBB2_1-.Ltmp2, $3  }
0x168: {  	_ =	sdelay $0x1  }
0x169: {  	[sflag:s26] =	ssyncset.done $0x0  }
0x16a: {  	[sflag:s26] =	ssyncadd.s32 $0xFFFFFB00;
	s15 =	simm.s32 $0x5  }
0x16b: {  	_ =	sfence.sel $0x180000  }
0x16c: {  	[bflag:$0x0] =	sbarrier.arrive $0xFFFF  }
0x16d: {  	_ =	strace $0x9000004A  }
0x16e: {  	s0 =	stileid.u32;
	[bflag:$0x2] =	sbarrier.arrive $0xFFFF  }
0x16f: {  	p0 =	sne.s32 s0, $0x0;
	s0 =	rddreg [dreg:$0x4]  }
0x170: {  	s0 =	sadd.s32 @!p0 $0x100000, s0  }
0x171: {  	[sflag:s0] =	ssyncadd.tile.s32 @!p0 $0x1;
	_ =	shalt  }
.Lfunc_end2:
_tile_overlayer_lowered:
.L_overlay_start_2:
0x172: {  	(tag) =	ssettag $0x2  }
0x173: {  	s0 =	rddreg [dreg:$0x0];
	s2 =	stileid.u32  }
0x174: {  	s1 =	rddreg [dreg:$0x1];
	p0 =	sne.s32 s2, $0x0  }
0x175: {  	s3 =	rddreg [dreg:$0x2];
	[bflag:$0x3] =	sbarrier.arrive $0xFFFF;
	s2 =	simm.s32 @!p0 $0x1C0E  }
0x176: {  	[timem:s3], [sflag:s2] =	dma.local @!p0 [hbm:s0], s1  }
0x177: {  	s0 =	simm.s32 @!p0 $0xE  }
0x178: {  	_ =	swait.ge @!p0 [sflag:s0], s1  }
0x179: {  	s1 =	ssub.s32 @!p0 $0x0, s1;
	[sflag:s0] =	ssyncset.done @!p0 $0x0  }
0x17a: {  	[sflag:s0] =	ssyncadd.s32 @!p0 s1  }
0x17b: {  	[bflag:$0x3] =	sbarrier.arrive $0xFFFF  }
0x17c: {  	_ =	shalt  }

// kernel: kernel.14.cloned.1.call-start
scs
__scs_entry_jumppad:
0x0: {  	(pc) =	sbr.rel $0x88, $3  }
0x1: {  	(tag) =	ssettag $0x0;
	lr =	simm.s32 $0x1  }
0x2: {  	[smem:$0x3F97] =	sst lr;
	_ =	strace $0xD0000000  }
0x3: {  	_ = 	snop  }
0x4: {  	_ = 	snop  }
0x5: {  	_ = 	snop  }
0x6: {  	_ = 	snop  }
0x7: {  	_ = 	snop  }
__scs_overlays_trampoline_lowered:
0x8: {  	[smem:$0x3FA6] =	sst s0  }
0x9: {  	[smem:$0x3FA7] =	sst s1  }
0xa: {  	[smem:$0x3FA8] =	sst s2  }
0xb: {  	[smem:$0x3FA9] =	sst s3  }
0xc: {  	[smem:$0x3FAA] =	sst s4  }
0xd: {  	[smem:$0x3FAB] =	sst s5  }
0xe: {  	[smem:$0x3FAC] =	sst s6  }
0xf: {  	[smem:$0x3FAD] =	sst s7  }
0x10: {  	[smem:$0x3FAE] =	sst s8  }
0x11: {  	[smem:$0x3FAF] =	sst s9;
	s0 =	simm.s32 @!p0 $0x0  }
0x12: {  	s1 =	sld [smem:$0x3F95];
	s0 =	simm.s32 @p0 $0x1  }
0x13: {  	[smem:$0x3FB0] =	sst s0;
	s0 =	simm.s32 @!p1 $0x0  }
0x14: {  	s2 =	sld [smem:$0x3F94];
	s0 =	simm.s32 @p1 $0x1  }
0x15: {  	[smem:$0x3FB1] =	sst s0;
	s0 =	simm.s32 @!p2 $0x0  }
0x16: {  	s3 =	sld [smem:$0x3FDB];
	s0 =	simm.s32 @p2 $0x1  }
0x17: {  	s4 =	simm.s32 $0x1BF5;
	[smem:$0x3FB3] =	sst s0  }
0x18: {  	s0 =	sld [smem:$0x3F96];
	_ =	swait.ge [sflag:s4], $0x0  }
0x19: {  	s7 =	sld [smem:$0x3F97]  }
0x1a: {  	s8 =	sadd.s32 $0xFFFFE003, lr  }
0x1b: {  	s9 =	sadd.s32 $0xFFFFFEF7, lr;
	s5 =	simm.s32 $0xFFFFFFFF;
	p2 =	slt.u32 s8, $0xFFFFF086  }
0x1c: {  	p1 =	slt.u32 s9, $0xF7A;
	s5 =	simm.s32 @!p2 $0x0  }
0x1d: {  	s5 =	simm.s32 @p1 $0x1;
	p0 =	seq.s32 s7, s2  }
0x1e: {  	s7 =	smul.u32 @!p0 $0xF7A, s2;
	p2 =	seq.s32 @!p0 s5, $0x0  }
0x1f: {  	s9 =	smul.u32 $0xF7A, s1;
	s8 =	simm.s32 @!p0 $0x1BF5;
	p2 =	por !p2, p0  }
0x20: {  	[sflag:s8] =	ssyncset.s32 @!p0 $0xFFFFF086;
	s6 =	sadd.s32 @!p0 s3, s7;
	s7 =	simm.s32 @!p0 $0x108  }
0x21: {  	s3 =	sadd.s32 s3, s9;
	s6 =	sadd.s32 @!p0 $0x88, s6;
	s7 =	simm.s32 @p2 $0x1082  }
0x22: {  	[simem:s7], [sflag:s8] =	dma.local @!p0 [hbm:s6], $0xF7A  }
0x23: {  	s9 =	sor.u32 $0xD0000000, s2;
	s6 =	simm.s32 $0x108;
	_ =	swait.ge @!p0 [sflag:s8], $0x0  }
0x24: {  	s3 =	sadd.s32 $0x88, s3;
	s6 =	simm.s32 @!p1 $0x1082;
	[sflag:s4] =	ssyncset.s32 $0xFFFFF086  }
0x25: {  	[simem:s6], [sflag:s4] =	dma.local [hbm:s3], $0xF7A  }
0x26: {  	[smem:$0x3F97] =	sst s1;
	(tag) =	ssettag s2;
	_ =	strace s9  }
0x27: {  	s1 =	sld [smem:$0x3FA7]  }
0x28: {  	s2 =	sld [smem:$0x3FA8]  }
0x29: {  	s4 =	sld [smem:$0x3FAA]  }
0x2a: {  	p0 =	seq.s32 s5, $0x0;
	s5 =	sld [smem:$0x3FAB]  }
0x2b: {  	s6 =	sld [smem:$0x3FAC]  }
0x2c: {  	s7 =	sld [smem:$0x3FAD]  }
0x2d: {  	s3 =	simm.s32 $0x108;
	s8 =	sld [smem:$0x3FAE]  }
0x2e: {  	s3 =	simm.s32 @!p0 $0x1082;
	s9 =	sld [smem:$0x3FAF]  }
0x2f: {  	lr =	sadd.s32 s0, s3;
	s0 =	sld [smem:$0x3FA6]  }
0x30: {  	s3 =	sld [smem:$0x3FA9]  }
0x31: {  	[smem:$0x3FB2] =	sst s10  }
0x32: {  	s10 =	sld [smem:$0x3FB0];
	_ =	sdelay $0x3  }
0x33: {  	p0 =	seq.s32 s10, $0x1;
	s10 =	sld [smem:$0x3FB2];
	_ =	sdelay $0x3  }
0x34: {  	[smem:$0x3FB2] =	sst s10  }
0x35: {  	s10 =	sld [smem:$0x3FB1];
	_ =	sdelay $0x3  }
0x36: {  	p1 =	seq.s32 s10, $0x1;
	s10 =	sld [smem:$0x3FB2];
	_ =	sdelay $0x3  }
0x37: {  	[smem:$0x3FB2] =	sst s10  }
0x38: {  	s10 =	sld [smem:$0x3FB3]  }
0x39: {  	_ = 	snop;
	(pc) =	sbr.ind lr, $3  }
0x3a: {  	_ = 	snop  }
0x3b: {  	_ = 	snop  }
0x3c: {  	p2 =	seq.s32 s10, $0x1;
	s10 =	sld [smem:$0x3FB2]  }
0x3d: {  	_ =	shalt  }
0x3e: {  	_ =	shalt  }
0x3f: {  	_ =	shalt  }
0x40: {  	_ =	shalt  }
0x41: {  	_ =	shalt  }
0x42: {  	_ =	shalt  }
0x43: {  	_ =	shalt  }
0x44: {  	_ =	shalt  }
0x45: {  	_ =	shalt  }
0x46: {  	_ =	shalt  }
0x47: {  	_ =	shalt  }
0x48: {  	_ =	shalt  }
0x49: {  	_ =	shalt  }
0x4a: {  	_ =	shalt  }
0x4b: {  	_ =	shalt  }
0x4c: {  	_ =	shalt  }
0x4d: {  	_ =	shalt  }
0x4e: {  	_ =	shalt  }
0x4f: {  	_ =	shalt  }
0x50: {  	_ =	shalt  }
0x51: {  	_ =	shalt  }
0x52: {  	_ =	shalt  }
0x53: {  	_ =	shalt  }
0x54: {  	_ =	shalt  }
0x55: {  	_ =	shalt  }
0x56: {  	_ =	shalt  }
0x57: {  	_ =	shalt  }
0x58: {  	_ =	shalt  }
0x59: {  	_ =	shalt  }
0x5a: {  	_ =	shalt  }
0x5b: {  	_ =	shalt  }
0x5c: {  	_ =	shalt  }
0x5d: {  	_ =	shalt  }
0x5e: {  	_ =	shalt  }
0x5f: {  	_ =	shalt  }
0x60: {  	_ =	shalt  }
0x61: {  	_ =	shalt  }
0x62: {  	_ =	shalt  }
0x63: {  	_ =	shalt  }
0x64: {  	_ =	shalt  }
0x65: {  	_ =	shalt  }
0x66: {  	_ =	shalt  }
0x67: {  	_ =	shalt  }
0x68: {  	_ =	shalt  }
0x69: {  	_ =	shalt  }
0x6a: {  	_ =	shalt  }
0x6b: {  	_ =	shalt  }
0x6c: {  	_ =	shalt  }
0x6d: {  	_ =	shalt  }
0x6e: {  	_ =	shalt  }
0x6f: {  	_ =	shalt  }
0x70: {  	_ =	shalt  }
0x71: {  	_ =	shalt  }
0x72: {  	_ =	shalt  }
0x73: {  	_ =	shalt  }
0x74: {  	_ =	shalt  }
0x75: {  	_ =	shalt  }
0x76: {  	_ =	shalt  }
0x77: {  	_ =	shalt  }
0x78: {  	_ =	shalt  }
0x79: {  	_ =	shalt  }
0x7a: {  	_ =	shalt  }
0x7b: {  	_ =	shalt  }
0x7c: {  	_ =	shalt  }
0x7d: {  	_ =	shalt  }
0x7e: {  	_ =	shalt  }
0x7f: {  	_ =	shalt  }
0x80: {  	_ =	shalt  }
0x81: {  	_ =	shalt  }
0x82: {  	_ =	shalt  }
0x83: {  	_ =	shalt  }
0x84: {  	_ =	shalt  }
0x85: {  	_ =	shalt  }
0x86: {  	_ =	shalt  }
0x87: {  	_ =	shalt  }
.Lfunc_end0:
.L_simem_size_0:
called_computation.2_lowered:
.L_overlay_start_0:
0x88: {  	s2 =	sld [smem:$0x3FD9]  }
0x89: {  	s3 =	sld [smem:$0x3FFE];
	_ =	sdelay $0x1  }
0x8a: {  	s1 =	srdreg.scid  }
0x8b: {  	s0 =	sand.u32 $0x1, s1  }
0x8c: {  	s14 =	sshll.u32 s0, $0xA;
	s2 =	sadd.s32 s3, s2  }
0x8d: {  	s2 =	sadd.s32 s2, s14  }
0x8e: {  	[smem:$0x3FBE] =	sst s2  }
0x8f: {  	_ = 	snop  }
0x90: {  	s2 =	sld [smem:$0x3FD0];
	_ =	sdelay $0x2  }
0x91: {  	s15 =	simm.s32 $0xA;
	s4 =	simm.s32 $0x10  }
0x92: {  	[smem:s4], [sflag:s15] =	dma.local [hbm:s2], $0x1  }
0x93: {  	_ =	swait.eq [sflag:s15], $0x1  }
0x94: {  	[sflag:s15] =	ssyncset.done $0x0  }
0x95: {  	s16 =	sld [smem:$0x10];
	[sflag:s15] =	ssyncadd.s32 $0xFFFFFFFF  }
0x96: {  	s17 =	sld [smem:$0x11];
	(tm) =	ssettm $0x1  }
0x97: {  	s18 =	sld [smem:$0x3FFB];
	_ =	sdelay $0x3  }
0x98: {  	_ =	strace s18  }
0x99: {  	s4 =	sld [smem:$0x3FFC];
	_ =	sdelay $0x3  }
0x9a: {  	_ =	strace s4  }
0x9b: {  	s4 =	sld [smem:$0x3FFD];
	_ =	sdelay $0x3  }
0x9c: {  	_ =	strace s4  }
0x9d: {  	_ =	strace $0x8FFFFFFF  }
0x9e: {  	s19 =	sld [smem:$0x3FDB];
	_ =	sdelay $0x1  }
0x9f: {  	s5 =	simm.s32 $_scs_section_size  }
0xa0: {  	s6 =	simm.s32 $_size__tile_overlayer_lowered;
	s7 =	simm.s32 $_tile_overlayer_lowered  }
0xa1: {  	s22 =	simm.s32 $0x1BFF;
	s21 =	sshll.u32 s7, $0x1;
	s4 =	sadd.s32 s5, s19  }
0xa2: {  	s8 =	simm.s32 $0x0;
	s20 =	sshll.u32 s6, $0x1;
	s6 =	sadd.s32 s21, s4  }
0xa3: {  	[timem:s8], [sflag:s22] =	dma.local [hbm:s6], s20  }
0xa4: {  	_ =	swait.ge [sflag:s22], s20  }
0xa5: {  	s5 =	ssub.s32 $0x0, s20;
	[sflag:s22] =	ssyncset.done $0x0  }
0xa6: {  	[sflag:s22] =	ssyncadd.s32 s5;
	_ =	sdelay $0x1  }
0xa7: {  	s23 =	simm.s32 $0x1B8B  }
0xa8: {  	_ =	swait.ge [sflag:s23], $0x1  }
0xa9: {  	[sflag:s23] =	ssyncset.done $0x0  }
0xaa: {  	s25 =	simm.s32 $0x1B8E;
	s24 =	sld [smem:$0x3FFE];
	[sflag:s23] =	ssyncadd.s32 $0xFFFFFFFF  }
0xab: {  	s26 =	simm.s32 $execute0_lowered;
	[smem:$0x3FD2] =	sst s25  }
0xac: {  	s6 =	sshll.u32 s26, $0x1;
	_ =	strace $0x8000004C;
	[dreg:$0x1] =	wrdreg $0xFFFFFFFF  }
0xad: {  	s28 =	simm.s32 $_size_execute0_lowered;
	s4 =	sadd.s32 s4, s6;
	[dreg:$0x0] =	wrdreg $0x0  }
0xae: {  	s6 =	sshll.u32 s28, $0x1;
	[dreg:$0x2] =	wrdreg s4  }
0xaf: {  	[dreg:$0x3] =	wrdreg s6  }
0xb0: {  	[dreg:$0x4] =	wrdreg $0xC0  }
0xb1: {  	_ =	task [dreg:s8], $0x5FFFF  }
0xb2: {  	[dreg:$0x1] =	wrdreg $0xFFFFFFFF  }
0xb3: {  	[dreg:$0x0] =	wrdreg $0x60  }
0xb4: {  	[dreg:$0x2] =	wrdreg s17  }
0xb5: {  	[dreg:$0x3] =	wrdreg s16  }
0xb6: {  	[dreg:$0x4] =	wrdreg s24  }
0xb7: {  	[dreg:$0x5] =	wrdreg $0x52800  }
0xb8: {  	[dreg:$0x6] =	wrdreg $0x9  }
0xb9: {  	_ =	task.clear_ibuf [dreg:s8], $0x7FFFF;
	_ =	strace $0x9000004C  }
0xba: {  	s29 =	simm.s32 $0x9;
	_ =	strace $0x8000004E  }
0xbb: {  	_ =	swait.ge [sflag:s29], $0x1  }
0xbc: {  	[sflag:s29] =	ssyncadd.s32 $0xFFFFFFFF  }
0xbd: {  	_ =	strace $0x9000004E  }
0xbe: {  	_ =	sfence  }
0xbf: {  	s30 =	sld [smem:$0x0];
	_ =	sdelay $0x2  }
0xc0: {  	s31 =	sshll.u32 s1, $0xD;
	s1 =	sshrl.u32 s1, $0x2  }
0xc1: {  	s3 =	sand.u32 $0x4000, s31;
	s1 =	sadd.s32 s1, s30  }
0xc2: {  	s0 =	sor.u32 s3, s0;
	s1 =	sshll.u32 s1, $0x11  }
0xc3: {  	s0 =	sor.u32 s1, s0  }
0xc4: {  	s0 =	sadd.s32 $0x8F2B, s0  }
0xc5: {  	[sflag:s0] =	ssyncadd.remote.s32 $0x1  }
0xc6: {  	_ =	sfence.sel $0xFFFF  }
0xc7: {  	[dreg:$0x0] =	wrdreg $0xFFFFFFFF;
	(pc) =	sbr.abs _section_cstart, $3  }
0xc8: {  	[dreg:$0x1] =	wrdreg $0xFFFFFFFF  }
0xc9: {  	_ =	task.clear_ibuf [dreg:s8], $0x2FFFF;
	_ =	strace $0x9FFFFFFF  }
0xca: {  	(tm) =	ssettm $0x7FFFFFFF  }
0xcb: {  	_ =	shalt  }
tec
execute0_lowered:
.L_overlay_start_1:
0x0: {  	(tag) =	ssettag $0x1  }
0x1: {  	s1 =	rddreg [dreg:$0x0]  }
0x2: {  	s0 =	rddreg [dreg:$0x1];
	s2 =	srdreg.scid  }
0x3: {  	s13 =	rddreg [dreg:$0x2];
	s20 =	stileid.u32;
	s29 =	simm.s32 $0xF0  }
0x4: {  	s30 =	simm.s32 $0x140;
	s31 =	simm.s32 $0x190;
	s12 =	sand.u32 $0x1, s2  }
0x5: {  	s2 =	rddreg [dreg:$0x3];
	s4 =	smul.u32 $0xA000, s20;
	s14 =	sadd.s32 $0xCC00, s13  }
0x6: {  	s6 =	sshll.u32 s20, $0x1;
	s13 =	sadd.s32 $0x2E00, s13;
	s16 =	smul.u32 $0xA0000, s12  }
0x7: {  	s3 =	ssub.s32 $0x2, s12;
	s15 =	sor.u32 s12, s6;
	s12 =	smul.u32 $0x2710, s12  }
0x8: {  	s5 =	sshrl.u32 s3, $0x1;
	s7 =	sor.u32 $0x1400, s4;
	s8 =	sadd.s32 $0x2800, s4  }
0x9: {  	s9 =	sadd.s32 $0x3C00, s4;
	s10 =	sadd.s32 $0x5000, s4;
	s11 =	sadd.s32 $0x6400, s4  }
0xa: {  	s6 =	sadd.s32 $0x8C00, s4;
	s15 =	smul.u32 $0x2710, s15;
	s3 =	ssub.s32 s3, s5  }
0xb: {  	s5 =	sadd.s32 $0x7800, s4;
	s17 =	sadd.s32 s4, s16;
	s18 =	sadd.s32 s16, s7  }
0xc: {  	s19 =	sadd.s32 s16, s8;
	s24 =	sadd.s32 s16, s9;
	s25 =	sadd.s32 s16, s10  }
0xd: {  	s26 =	sadd.s32 s16, s11;
	s28 =	sadd.s32 s7, s2;
	s17 =	sshrl.u32 s17, $0x3  }
0xe: {  	s7 =	simm.s32 $0x2A80;
	s18 =	sshrl.u32 s18, $0x3;
	s17 =	sadd.s32 s14, s17  }
0xf: {  	s23 =	sshrl.u32 s19, $0x3;
	s22 =	sadd.s32 s14, s18;
	[dreg:$0xd] =	wrdreg s17  }
0x10: {  	s18 =	sshrl.u32 s25, $0x3;
	[dreg:$0xe] =	wrdreg s22;
	s17 =	sadd.s32 s14, s23  }
0x11: {  	s21 =	sadd.s32 s14, s18;
	s22 =	sshrl.u32 s26, $0x3;
	s23 =	sadd.s32 s16, s5  }
0x12: {  	s16 =	sadd.s32 s16, s6;
	[dreg:$0xf] =	wrdreg s17;
	s17 =	sshrl.u32 s24, $0x3  }
0x13: {  	[dreg:$0x11] =	wrdreg s21;
	s18 =	sshrl.u32 s23, $0x3;
	s17 =	sadd.s32 s14, s17  }
0x14: {  	s24 =	smul.u32 $0x4E20, s20;
	s25 =	sadd.s32 s14, s18;
	[dreg:$0x10] =	wrdreg s17  }
0x15: {  	s16 =	sshrl.u32 s16, $0x3;
	s17 =	sadd.s32 s14, s22;
	[dreg:$0x13] =	wrdreg s25  }
0x16: {  	s3 =	smax.u32 s3, $0x1;
	s14 =	sadd.s32 s14, s16;
	[dreg:$0x12] =	wrdreg s17  }
0x17: {  	s26 =	sadd.s32 s12, s24;
	s12 =	simm.s32 $0x0;
	[dreg:$0x14] =	wrdreg s14  }
0x18: {  	s5 =	sadd.s32 s5, s2;
	[smem:$0x7FF] =	sst s12;
	s18 =	sshrl.u32 s26, $0x3  }
0x19: {  	s20 =	sadd.s32 $0xF0, s26;
	s23 =	sadd.s32 $0xA0, s26;
	s14 =	sadd.s32 $0x50, s26  }
0x1a: {  	_ =	strace $0x8000004D;
	s19 =	sadd.s32 s18, s13;
	[dreg:$0x1b] =	wrdreg s5  }
0x1b: {  	s16 =	sadd.s32 s18, s0;
	s21 =	sshrl.u32 s20, $0x3;
	[dreg:$0x1f] =	wrdreg s3  }
0x1c: {  	s25 =	sshrl.u32 s23, $0x3;
	s14 =	sshrl.u32 s14, $0x3;
	[dreg:$0x16] =	wrdreg s28  }
0x1d: {  	s20 =	sadd.s32 s9, s2;
	s23 =	sadd.s32 s11, s2;
	[dreg:$0x5] =	wrdreg s19  }
0x1e: {  	s3 =	simm.s32 $0x5;
	s5 =	simm.s32 $0x1680;
	[dreg:$0x6] =	wrdreg s16  }
0x1f: {  	s9 =	simm.s32 $0x8;
	s11 =	simm.s32 $0x9;
	[dreg:$0x18] =	wrdreg s20  }
0x20: {  	s22 =	sadd.s32 s21, s13;
	s24 =	sadd.s32 s21, s0;
	[dreg:$0x1a] =	wrdreg s23  }
0x21: {  	s26 =	sadd.s32 s25, s13;
	s17 =	sadd.s32 s25, s0;
	[dreg:$0x7] =	wrdreg s22  }
0x22: {  	s18 =	sadd.s32 s14, s13;
	s19 =	sadd.s32 s8, s2;
	[dreg:$0x8] =	wrdreg s24  }
0x23: {  	s21 =	sshrl.u32 s15, $0x3;
	s25 =	sadd.s32 s6, s2;
	[dreg:$0x9] =	wrdreg s26  }
0x24: {  	s8 =	simm.s32 $0x1E0;
	s6 =	simm.s32 $0x7;
	[dreg:$0xa] =	wrdreg s17  }
0x25: {  	s23 =	simm.s32 $0xC;
	s15 =	simm.s32 $0x3;
	[dreg:$0xb] =	wrdreg s18  }
0x26: {  	s16 =	simm.s32 $0x4;
	s24 =	sadd.s32 s4, s2;
	[dreg:$0x17] =	wrdreg s19  }
0x27: {  	s22 =	sadd.s32 s10, s2;
	s4 =	sadd.s32 $0x4D8, s21;
	[dreg:$0x1c] =	wrdreg s25  }
0x28: {  	s10 =	simm.s32 $0x3E80;
	s21 =	simm.s32 $0xA;
	[dreg:$0x19] =	wrdreg s22  }
0x29: {  	s17 =	simm.s32 $0xD;
	s26 =	sadd.s32 s13, s4;
	[dreg:$0x15] =	wrdreg s24  }
0x2a: {  	s19 =	simm.s32 $0x0;
	s4 =	sadd.s32 s0, s4;
	[dreg:$0x1d] =	wrdreg s26  }
0x2b: {  	s0 =	sadd.s32 s14, s0;
	s22 =	simm.s32 $0xB;
	[dreg:$0x1e] =	wrdreg s4  }
0x2c: {  	s13 =	simm.s32 $0x1;
	s14 =	simm.s32 $0x2;
	[dreg:$0xc] =	wrdreg s0  }
0x2d: {  	v0 =	vimm.f32 $0.0e+00;
	s26 =	simm.s32 $0x50;
	s0 =	simm.s32 $0x230;
	s4 =	simm.s32 $0x6  }
.LBB2_1:
0x2e: {  	s18 =	sand.u32 $0x7F00, s12  }
0x2f: {  	[smem:$0x7FD] =	sst s19;
	s20 =	sand.u32 $0x30, s12;
	s18 =	sshrl.u32 s18, $0x2  }
0x30: {  	s19 =	simm.s32 $0x40;
	s18 =	sor.u32 s20, s18;
	s20 =	simm.s32 $0x0  }
.LBB2_2:
0x31: {  	p0 =	sne.s32 s19, $0x4FC0  }
0x32: {  	[tilespmem:s18+$0x280] =	vst v0;
	s20 =	sadd.s32 $0x10, s20;
	s18 =	smov.u32 s19;
	s19 =	sadd.s32 $0x40, s19  }
.Ltmp0:
0x33: {  	(pc) =	sbr.rel @p0 .LBB2_2-.Ltmp0, $4  }
0x34: {  	_ = 	snop  }
0x35: {  	s18 =	sand.u32 $0x7F00, s18  }
0x36: {  	s25 =	sand.u32 $0x30, s20;
	s18 =	sshrl.u32 s18, $0x2  }
0x37: {  	s18 =	sor.u32 s25, s18  }
0x38: {  	[tilespmem:s18+$0x280] =	vst v0;
	s25 =	simm.s32 $0x280;
	s19 =	simm.s32 $0xE  }
0x39: {  	[spmem:s24] =	stream.linear.scatter [tilespmem:s25], [sflag:$0xE], $0x1400, $0x38;
	[tilespmem:$0xF280] =	vst v63  }
0x3a: {  	_ =	swait.ge [sflag:s19], $0x1400  }
0x3b: {  	[sflag:s19] =	ssyncset.done $0x0  }
0x3c: {  	[sflag:s19] =	ssyncadd.s32 $0xFFFFEC00  }
0x3d: {  	[spmem:s28] =	stream.linear.scatter [tilespmem:s25], [sflag:$0xE], $0x1400, $0x38;
	[tilespmem:$0xF280] =	vst v63  }
0x3e: {  	_ =	swait.ge [sflag:s19], $0x1400  }
0x3f: {  	[sflag:s19] =	ssyncset.done $0x0  }
0x40: {  	s24 =	rddreg [dreg:$0x17];
	[sflag:s19] =	ssyncadd.s32 $0xFFFFEC00  }
0x41: {  	[spmem:s24] =	stream.linear.scatter [tilespmem:s25], [sflag:$0xE], $0x1400, $0x38;
	[tilespmem:$0xF280] =	vst v63  }
0x42: {  	_ =	swait.ge [sflag:s19], $0x1400  }
0x43: {  	[sflag:s19] =	ssyncset.done $0x0  }
0x44: {  	s28 =	rddreg [dreg:$0x18];
	[sflag:s19] =	ssyncadd.s32 $0xFFFFEC00  }
0x45: {  	[spmem:s28] =	stream.linear.scatter [tilespmem:s25], [sflag:$0xE], $0x1400, $0x38;
	[tilespmem:$0xF280] =	vst v63  }
0x46: {  	_ =	swait.ge [sflag:s19], $0x1400  }
0x47: {  	[sflag:s19] =	ssyncset.done $0x0  }
0x48: {  	s20 =	rddreg [dreg:$0x19];
	[sflag:s19] =	ssyncadd.s32 $0xFFFFEC00  }
0x49: {  	[spmem:s20] =	stream.linear.scatter [tilespmem:s25], [sflag:$0xE], $0x1400, $0x38;
	[tilespmem:$0xF280] =	vst v63  }
0x4a: {  	_ =	swait.ge [sflag:s19], $0x1400  }
0x4b: {  	[sflag:s19] =	ssyncset.done $0x0  }
0x4c: {  	s24 =	rddreg [dreg:$0x1a];
	[sflag:s19] =	ssyncadd.s32 $0xFFFFEC00  }
0x4d: {  	[spmem:s24] =	stream.linear.scatter [tilespmem:s25], [sflag:$0xE], $0x1400, $0x38;
	[tilespmem:$0xF280] =	vst v63  }
0x4e: {  	_ =	swait.ge [sflag:s19], $0x1400  }
0x4f: {  	[sflag:s19] =	ssyncset.done $0x0  }
0x50: {  	s28 =	rddreg [dreg:$0x1b];
	[sflag:s19] =	ssyncadd.s32 $0xFFFFEC00  }
0x51: {  	[spmem:s28] =	stream.linear.scatter [tilespmem:s25], [sflag:$0xE], $0x1400, $0x38;
	[tilespmem:$0xF280] =	vst v63  }
0x52: {  	_ =	swait.ge [sflag:s19], $0x1400  }
0x53: {  	[sflag:s19] =	ssyncset.done $0x0  }
0x54: {  	s20 =	rddreg [dreg:$0x1c];
	[sflag:s19] =	ssyncadd.s32 $0xFFFFEC00  }
0x55: {  	[spmem:s20] =	stream.linear.scatter [tilespmem:s25], [sflag:$0xE], $0x1400, $0x38;
	[tilespmem:$0xF280] =	vst v63  }
0x56: {  	_ =	swait.ge [sflag:s19], $0x1400  }
0x57: {  	[sflag:s19] =	ssyncset.done $0x0  }
0x58: {  	[sflag:s19] =	ssyncadd.s32 $0xFFFFEC00  }
0x59: {  	[bflag:$0x0] =	sbarrier.arrive $0xFFFF  }
0x5a: {  	s24 =	rddreg [dreg:$0x6]  }
0x5b: {  	s28 =	rddreg [dreg:$0xc];
	s18 =	sadd.s32 $0x0, s24  }
0x5c: {  	[tilespmem:s12], [sflag:$0x5] =	stream.linear.gather [hbm4b:s18+s12], $0x50, $0x38;
	[tilespmem:$0xF280] =	vst v63  }
0x5d: {  	s20 =	rddreg [dreg:$0xa];
	s24 =	sadd.s32 $0x0, s28  }
0x5e: {  	[tilespmem:s26], [sflag:$0x6] =	stream.linear.gather [hbm4b:s24+s12], $0x50, $0x38;
	[tilespmem:$0xF280] =	vst v63  }
0x5f: {  	s19 =	rddreg [dreg:$0x8];
	s28 =	sadd.s32 $0x0, s20;
	s24 =	simm.s32 $0xA0  }
0x60: {  	[tilespmem:s24], [sflag:$0x7] =	stream.linear.gather [hbm4b:s28+s12], $0x50, $0x38;
	[tilespmem:$0xF280] =	vst v63  }
0x61: {  	s20 =	rddreg [dreg:$0x5];
	s28 =	sadd.s32 $0x0, s19  }
0x62: {  	[tilespmem:s29], [sflag:$0x8] =	stream.linear.gather [hbm4b:s28+s12], $0x50, $0x38;
	[tilespmem:$0xF280] =	vst v63  }
0x63: {  	s19 =	rddreg [dreg:$0xb];
	s28 =	sadd.s32 $0x0, s20  }
0x64: {  	[tilespmem:s30], [sflag:$0x9] =	stream.linear.gather [hbm4b:s28+s12], $0x50, $0x38;
	[tilespmem:$0xF280] =	vst v63  }
0x65: {  	s19 =	sadd.s32 $0x0, s19;
	s20 =	rddreg [dreg:$0x9]  }
0x66: {  	[tilespmem:s31], [sflag:$0xA] =	stream.linear.gather [hbm4b:s19+s12], $0x50, $0x38;
	[tilespmem:$0xF280] =	vst v63  }
0x67: {  	s20 =	sadd.s32 $0x0, s20;
	s28 =	rddreg [dreg:$0x7]  }
0x68: {  	[tilespmem:s8], [sflag:$0xB] =	stream.linear.gather [hbm4b:s20+s12], $0x50, $0x38;
	[tilespmem:$0xF280] =	vst v63  }
0x69: {  	s28 =	sadd.s32 $0x0, s28  }
0x6a: {  	[tilespmem:s0], [sflag:$0xC] =	stream.linear.gather [hbm4b:s28+s12], $0x50, $0x38;
	[tilespmem:$0xF280] =	vst v63  }
0x6b: {  	_ =	swait.ge [sflag:s3], $0x50  }
0x6c: {  	[sflag:s3] =	ssyncset.done $0x0  }
0x6d: {  	[sflag:s3] =	ssyncadd.s32 $0xFFFFFFB0  }
0x6e: {  	[tilespmem:s25], [sflag:$0x1] =	stream.indirect.gather [hbm4b:s1+s26], $0x40, s12, s26, $0xb8;
	[tilespmem:$0xF280] =	vst v63  }
0x6f: {  	_ =	swait.ge [sflag:s4], $0x50  }
0x70: {  	[sflag:s4] =	ssyncset.done $0x0  }
0x71: {  	[sflag:s4] =	ssyncadd.s32 $0xFFFFFFB0  }
0x72: {  	[tilespmem:s5], [sflag:$0x2] =	stream.indirect.gather [hbm4b:s1+s26], $0x40, s26, s26, $0xb8;
	[tilespmem:$0xF280] =	vst v63  }
0x73: {  	_ =	swait.ge [sflag:s6], $0x50  }
0x74: {  	[sflag:s6] =	ssyncset.done $0x0  }
0x75: {  	[sflag:s6] =	ssyncadd.s32 $0xFFFFFFB0  }
0x76: {  	[tilespmem:s7], [sflag:$0x3] =	stream.indirect.gather [hbm4b:s1+s26], $0x40, s24, s26, $0xb8;
	[tilespmem:$0xF280] =	vst v63  }
0x77: {  	_ =	swait.ge [sflag:s9], $0x50  }
0x78: {  	[sflag:s9] =	ssyncset.done $0x0  }
0x79: {  	[sflag:s9] =	ssyncadd.s32 $0xFFFFFFB0  }
0x7a: {  	[tilespmem:s10], [sflag:$0x4] =	stream.indirect.gather [hbm4b:s1+s26], $0x40, s29, s26, $0xb8;
	[tilespmem:$0xF280] =	vst v63  }
0x7b: {  	_ =	swait.ge [sflag:s11], $0x50  }
0x7c: {  	[sflag:s11] =	ssyncset.done $0x0  }
0x7d: {  	[sflag:s11] =	ssyncadd.s32 $0xFFFFFFB0  }
0x7e: {  	_ =	swait.ge [sflag:s21], $0x50  }
0x7f: {  	[sflag:s21] =	ssyncset.done $0x0  }
0x80: {  	[sflag:s21] =	ssyncadd.s32 $0xFFFFFFB0  }
0x81: {  	_ =	swait.ge [sflag:s22], $0x50  }
0x82: {  	[sflag:s22] =	ssyncset.done $0x0  }
0x83: {  	[sflag:s22] =	ssyncadd.s32 $0xFFFFFFB0  }
0x84: {  	_ =	swait.ge [sflag:s23], $0x50  }
0x85: {  	[sflag:s23] =	ssyncset.done $0x0  }
0x86: {  	[sflag:s23] =	ssyncadd.s32 $0xFFFFFFB0  }
0x87: {  	_ =	swait.ge [sflag:s13], $0x1400  }
0x88: {  	[sflag:s13] =	ssyncset.done $0x0  }
0x89: {  	[sflag:s13] =	ssyncadd.s32 $0xFFFFEC00  }
0x8a: {  	[spmem:s2] =	stream.indirect.scatter.add.f32 [tilespmem:s25], [sflag:$0xD], $0x40, s30, s26, $0xb8;
	[tilespmem:$0xF280] =	vst v63  }
0x8b: {  	_ =	swait.ge [sflag:s14], $0x1400  }
0x8c: {  	[sflag:s14] =	ssyncset.done $0x0  }
0x8d: {  	[sflag:s14] =	ssyncadd.s32 $0xFFFFEC00  }
0x8e: {  	[spmem:s2] =	stream.indirect.scatter.add.f32 [tilespmem:s5], [sflag:$0xD], $0x40, s31, s26, $0xb8;
	[tilespmem:$0xF280] =	vst v63  }
0x8f: {  	_ =	swait.ge [sflag:s15], $0x1400  }
0x90: {  	[sflag:s15] =	ssyncset.done $0x0  }
0x91: {  	[sflag:s15] =	ssyncadd.s32 $0xFFFFEC00  }
0x92: {  	[spmem:s2] =	stream.indirect.scatter.add.f32 [tilespmem:s7], [sflag:$0xD], $0x40, s8, s26, $0xb8;
	[tilespmem:$0xF280] =	vst v63  }
0x93: {  	_ =	swait.ge [sflag:s16], $0x1400  }
0x94: {  	[sflag:s16] =	ssyncset.done $0x0  }
0x95: {  	[sflag:s16] =	ssyncadd.s32 $0xFFFFEC00  }
0x96: {  	[spmem:s2] =	stream.indirect.scatter.add.f32 [tilespmem:s10], [sflag:$0xD], $0x40, s0, s26, $0xb8;
	[tilespmem:$0xF280] =	vst v63  }
0x97: {  	_ =	swait.ge [sflag:s17], $0x1400  }
0x98: {  	[sflag:s17] =	ssyncset.done $0x0  }
0x99: {  	[sflag:s17] =	ssyncadd.s32 $0xFFFFEC00  }
0x9a: {  	_ =	swait.ge [sflag:s17], $0x1400  }
0x9b: {  	[sflag:s17] =	ssyncset.done $0x0  }
0x9c: {  	[sflag:s17] =	ssyncadd.s32 $0xFFFFEC00  }
0x9d: {  	_ =	swait.ge [sflag:s17], $0x1400  }
0x9e: {  	[sflag:s17] =	ssyncset.done $0x0  }
0x9f: {  	[sflag:s17] =	ssyncadd.s32 $0xFFFFEC00  }
0xa0: {  	s19 =	simm.s32 $0x28;
	_ =	swait.ge [sflag:s17], $0x1400  }
0xa1: {  	s20 =	simm.s32 $0x50;
	s18 =	rddreg [dreg:$0x6];
	[sflag:s17] =	ssyncset.done $0x0  }
.LBB2_4:
0xa2: {  	[sflag:s17] =	ssyncadd.s32 $0xFFFFEC00;
	s24 =	rddreg [dreg:$0xc];
	s18 =	sadd.s32 s19, s18  }
0xa3: {  	[tilespmem:s12], [sflag:$0x5] =	stream.linear.gather [hbm4b:s18+s12], $0x50, $0x38;
	[tilespmem:$0xF280] =	vst v63  }
0xa4: {  	s28 =	rddreg [dreg:$0xa];
	s18 =	sadd.s32 s19, s24  }
0xa5: {  	[tilespmem:s26], [sflag:$0x6] =	stream.linear.gather [hbm4b:s18+s12], $0x50, $0x38;
	[tilespmem:$0xF280] =	vst v63  }
0xa6: {  	s29 =	simm.s32 $0xA0;
	s24 =	rddreg [dreg:$0x8];
	s18 =	sadd.s32 s19, s28  }
0xa7: {  	[tilespmem:s29], [sflag:$0x7] =	stream.linear.gather [hbm4b:s18+s12], $0x50, $0x38;
	[tilespmem:$0xF280] =	vst v63  }
0xa8: {  	s28 =	rddreg [dreg:$0x5];
	s29 =	simm.s32 $0xF0;
	s18 =	sadd.s32 s19, s24  }
0xa9: {  	[tilespmem:s29], [sflag:$0x8] =	stream.linear.gather [hbm4b:s18+s12], $0x50, $0x38;
	[tilespmem:$0xF280] =	vst v63  }
0xaa: {  	s24 =	rddreg [dreg:$0xb];
	s18 =	sadd.s32 s19, s28  }
0xab: {  	[tilespmem:s30], [sflag:$0x9] =	stream.linear.gather [hbm4b:s18+s12], $0x50, $0x38;
	[tilespmem:$0xF280] =	vst v63  }
0xac: {  	s28 =	rddreg [dreg:$0x9];
	s18 =	sadd.s32 s19, s24  }
0xad: {  	[tilespmem:s31], [sflag:$0xA] =	stream.linear.gather [hbm4b:s18+s12], $0x50, $0x38;
	[tilespmem:$0xF280] =	vst v63  }
0xae: {  	s24 =	rddreg [dreg:$0x7];
	s18 =	sadd.s32 s19, s28  }
0xaf: {  	[tilespmem:s8], [sflag:$0xB] =	stream.linear.gather [hbm4b:s18+s12], $0x50, $0x38;
	[tilespmem:$0xF280] =	vst v63  }
0xb0: {  	s18 =	sadd.s32 s19, s24  }
0xb1: {  	[tilespmem:s0], [sflag:$0xC] =	stream.linear.gather [hbm4b:s18+s12], $0x50, $0x38;
	[tilespmem:$0xF280] =	vst v63  }
0xb2: {  	_ =	swait.ge [sflag:s3], $0x50  }
0xb3: {  	[sflag:s3] =	ssyncset.done $0x0  }
0xb4: {  	s24 =	simm.s32 $0x280;
	[sflag:s3] =	ssyncadd.s32 $0xFFFFFFB0  }
0xb5: {  	[tilespmem:s24], [sflag:$0x1] =	stream.indirect.gather [hbm4b:s1+s26], $0x40, s12, s26, $0xb8;
	[tilespmem:$0xF280] =	vst v63  }
0xb6: {  	_ =	swait.ge [sflag:s4], $0x50  }
0xb7: {  	[sflag:s4] =	ssyncset.done $0x0  }
0xb8: {  	[sflag:s4] =	ssyncadd.s32 $0xFFFFFFB0  }
0xb9: {  	[tilespmem:s5], [sflag:$0x2] =	stream.indirect.gather [hbm4b:s1+s26], $0x40, s26, s26, $0xb8;
	[tilespmem:$0xF280] =	vst v63  }
0xba: {  	_ =	swait.ge [sflag:s6], $0x50  }
0xbb: {  	[sflag:s6] =	ssyncset.done $0x0  }
0xbc: {  	s28 =	simm.s32 $0xA0;
	[sflag:s6] =	ssyncadd.s32 $0xFFFFFFB0  }
0xbd: {  	[tilespmem:s7], [sflag:$0x3] =	stream.indirect.gather [hbm4b:s1+s26], $0x40, s28, s26, $0xb8;
	[tilespmem:$0xF280] =	vst v63  }
0xbe: {  	_ =	swait.ge [sflag:s9], $0x50  }
0xbf: {  	[sflag:s9] =	ssyncset.done $0x0  }
0xc0: {  	[sflag:s9] =	ssyncadd.s32 $0xFFFFFFB0  }
0xc1: {  	[tilespmem:s10], [sflag:$0x4] =	stream.indirect.gather [hbm4b:s1+s26], $0x40, s29, s26, $0xb8;
	[tilespmem:$0xF280] =	vst v63  }
0xc2: {  	_ =	swait.ge [sflag:s11], $0x50  }
0xc3: {  	[sflag:s11] =	ssyncset.done $0x0  }
0xc4: {  	[sflag:s11] =	ssyncadd.s32 $0xFFFFFFB0  }
0xc5: {  	_ =	swait.ge [sflag:s21], $0x50  }
0xc6: {  	[sflag:s21] =	ssyncset.done $0x0  }
0xc7: {  	[sflag:s21] =	ssyncadd.s32 $0xFFFFFFB0  }
0xc8: {  	_ =	swait.ge [sflag:s22], $0x50  }
0xc9: {  	[sflag:s22] =	ssyncset.done $0x0  }
0xca: {  	[sflag:s22] =	ssyncadd.s32 $0xFFFFFFB0  }
0xcb: {  	_ =	swait.ge [sflag:s23], $0x50  }
0xcc: {  	[sflag:s23] =	ssyncset.done $0x0  }
0xcd: {  	[sflag:s23] =	ssyncadd.s32 $0xFFFFFFB0  }
0xce: {  	_ =	swait.ge [sflag:s13], $0x1400  }
0xcf: {  	[sflag:s13] =	ssyncset.done $0x0  }
0xd0: {  	[sflag:s13] =	ssyncadd.s32 $0xFFFFEC00  }
0xd1: {  	[spmem:s2] =	stream.indirect.scatter.add.f32 [tilespmem:s24], [sflag:$0xD], $0x40, s30, s26, $0xb8;
	[tilespmem:$0xF280] =	vst v63  }
0xd2: {  	_ =	swait.ge [sflag:s14], $0x1400  }
0xd3: {  	[sflag:s14] =	ssyncset.done $0x0  }
0xd4: {  	[sflag:s14] =	ssyncadd.s32 $0xFFFFEC00  }
0xd5: {  	[spmem:s2] =	stream.indirect.scatter.add.f32 [tilespmem:s5], [sflag:$0xD], $0x40, s31, s26, $0xb8;
	[tilespmem:$0xF280] =	vst v63  }
0xd6: {  	_ =	swait.ge [sflag:s15], $0x1400  }
0xd7: {  	[sflag:s15] =	ssyncset.done $0x0  }
0xd8: {  	[sflag:s15] =	ssyncadd.s32 $0xFFFFEC00  }
0xd9: {  	[spmem:s2] =	stream.indirect.scatter.add.f32 [tilespmem:s7], [sflag:$0xD], $0x40, s8, s26, $0xb8;
	[tilespmem:$0xF280] =	vst v63  }
0xda: {  	_ =	swait.ge [sflag:s16], $0x1400  }
0xdb: {  	[sflag:s16] =	ssyncset.done $0x0  }
0xdc: {  	[sflag:s16] =	ssyncadd.s32 $0xFFFFEC00  }
0xdd: {  	[spmem:s2] =	stream.indirect.scatter.add.f32 [tilespmem:s10], [sflag:$0xD], $0x40, s0, s26, $0xb8;
	[tilespmem:$0xF280] =	vst v63  }
0xde: {  	_ =	swait.ge [sflag:s17], $0x1400  }
0xdf: {  	[sflag:s17] =	ssyncset.done $0x0  }
0xe0: {  	[sflag:s17] =	ssyncadd.s32 $0xFFFFEC00  }
0xe1: {  	_ =	swait.ge [sflag:s17], $0x1400  }
0xe2: {  	[sflag:s17] =	ssyncset.done $0x0  }
0xe3: {  	p0 =	sne.s32 s20, $0x4B0;
	[sflag:s17] =	ssyncadd.s32 $0xFFFFEC00  }
.Ltmp1:
0xe4: {  	_ =	swait.ge [sflag:s17], $0x1400;
	(pc) =	sbr.rel @p0 .LBB2_4-.Ltmp1, $4  }
0xe5: {  	[sflag:s17] =	ssyncset.done $0x0  }
0xe6: {  	[sflag:s17] =	ssyncadd.s32 $0xFFFFEC00  }
0xe7: {  	s25 =	smov.u32 s20;
	s20 =	sadd.s32 $0x28, s20;
	_ =	swait.ge [sflag:s17], $0x1400  }
0xe8: {  	s19 =	smov.u32 s25;
	s18 =	rddreg [dreg:$0x6];
	[sflag:s17] =	ssyncset.done $0x0  }
0xe9: {  	s20 =	rddreg [dreg:$0xc];
	[sflag:s17] =	ssyncadd.s32 $0xFFFFEC00;
	s18 =	sadd.s32 s19, s18  }
0xea: {  	[tilespmem:s12], [sflag:$0x5] =	stream.linear.gather [hbm4b:s18+s12], $0x50, $0x38;
	[tilespmem:$0xF280] =	vst v63  }
0xeb: {  	s18 =	rddreg [dreg:$0xa];
	s20 =	sadd.s32 s19, s20  }
0xec: {  	[tilespmem:s26], [sflag:$0x6] =	stream.linear.gather [hbm4b:s20+s12], $0x50, $0x38;
	[tilespmem:$0xF280] =	vst v63  }
0xed: {  	s25 =	rddreg [dreg:$0x8];
	s18 =	sadd.s32 s19, s18  }
0xee: {  	[tilespmem:s28], [sflag:$0x7] =	stream.linear.gather [hbm4b:s18+s12], $0x50, $0x38;
	[tilespmem:$0xF280] =	vst v63  }
0xef: {  	s20 =	sadd.s32 s19, s25;
	s18 =	rddreg [dreg:$0x5]  }
0xf0: {  	[tilespmem:s29], [sflag:$0x8] =	stream.linear.gather [hbm4b:s20+s12], $0x50, $0x38;
	[tilespmem:$0xF280] =	vst v63  }
0xf1: {  	s25 =	rddreg [dreg:$0xb];
	s18 =	sadd.s32 s19, s18  }
0xf2: {  	[tilespmem:s30], [sflag:$0x9] =	stream.linear.gather [hbm4b:s18+s12], $0x50, $0x38;
	[tilespmem:$0xF280] =	vst v63  }
0xf3: {  	s20 =	sadd.s32 s19, s25;
	s18 =	rddreg [dreg:$0x9]  }
0xf4: {  	[tilespmem:s31], [sflag:$0xA] =	stream.linear.gather [hbm4b:s20+s12], $0x50, $0x38;
	[tilespmem:$0xF280] =	vst v63  }
0xf5: {  	s25 =	rddreg [dreg:$0x7];
	s18 =	sadd.s32 s19, s18  }
0xf6: {  	[tilespmem:s8], [sflag:$0xB] =	stream.linear.gather [hbm4b:s18+s12], $0x50, $0x38;
	[tilespmem:$0xF280] =	vst v63  }
0xf7: {  	s19 =	sadd.s32 s19, s25  }
0xf8: {  	[tilespmem:s0], [sflag:$0xC] =	stream.linear.gather [hbm4b:s19+s12], $0x50, $0x38;
	[tilespmem:$0xF280] =	vst v63  }
0xf9: {  	_ =	swait.ge [sflag:s3], $0x50  }
0xfa: {  	[sflag:s3] =	ssyncset.done $0x0  }
0xfb: {  	[sflag:s3] =	ssyncadd.s32 $0xFFFFFFB0  }
0xfc: {  	[tilespmem:s24], [sflag:$0x1] =	stream.indirect.gather [hbm4b:s1+s26], $0x40, s12, s26, $0xb8;
	[tilespmem:$0xF280] =	vst v63  }
0xfd: {  	_ =	swait.ge [sflag:s4], $0x50  }
0xfe: {  	[sflag:s4] =	ssyncset.done $0x0  }
0xff: {  	[sflag:s4] =	ssyncadd.s32 $0xFFFFFFB0  }
0x100: {  	[tilespmem:s5], [sflag:$0x2] =	stream.indirect.gather [hbm4b:s1+s26], $0x40, s26, s26, $0xb8;
	[tilespmem:$0xF280] =	vst v63  }
0x101: {  	_ =	swait.ge [sflag:s6], $0x50  }
0x102: {  	[sflag:s6] =	ssyncset.done $0x0  }
0x103: {  	[sflag:s6] =	ssyncadd.s32 $0xFFFFFFB0  }
0x104: {  	[tilespmem:s7], [sflag:$0x3] =	stream.indirect.gather [hbm4b:s1+s26], $0x40, s28, s26, $0xb8;
	[tilespmem:$0xF280] =	vst v63  }
0x105: {  	_ =	swait.ge [sflag:s9], $0x50  }
0x106: {  	[sflag:s9] =	ssyncset.done $0x0  }
0x107: {  	[sflag:s9] =	ssyncadd.s32 $0xFFFFFFB0  }
0x108: {  	[tilespmem:s10], [sflag:$0x4] =	stream.indirect.gather [hbm4b:s1+s26], $0x40, s29, s26, $0xb8;
	[tilespmem:$0xF280] =	vst v63  }
0x109: {  	_ =	swait.ge [sflag:s11], $0x50  }
0x10a: {  	[sflag:s11] =	ssyncset.done $0x0  }
0x10b: {  	[sflag:s11] =	ssyncadd.s32 $0xFFFFFFB0  }
0x10c: {  	_ =	swait.ge [sflag:s21], $0x50  }
0x10d: {  	[sflag:s21] =	ssyncset.done $0x0  }
0x10e: {  	[sflag:s21] =	ssyncadd.s32 $0xFFFFFFB0  }
0x10f: {  	_ =	swait.ge [sflag:s22], $0x50  }
0x110: {  	[sflag:s22] =	ssyncset.done $0x0  }
0x111: {  	[sflag:s22] =	ssyncadd.s32 $0xFFFFFFB0  }
0x112: {  	_ =	swait.ge [sflag:s23], $0x50  }
0x113: {  	[sflag:s23] =	ssyncset.done $0x0  }
0x114: {  	[sflag:s23] =	ssyncadd.s32 $0xFFFFFFB0  }
0x115: {  	_ =	swait.ge [sflag:s13], $0x1400  }
0x116: {  	[sflag:s13] =	ssyncset.done $0x0  }
0x117: {  	[sflag:s13] =	ssyncadd.s32 $0xFFFFEC00  }
0x118: {  	[spmem:s2] =	stream.indirect.scatter.add.f32 [tilespmem:s24], [sflag:$0xD], $0x40, s30, s26, $0xb8;
	[tilespmem:$0xF280] =	vst v63  }
0x119: {  	_ =	swait.ge [sflag:s14], $0x1400  }
0x11a: {  	[sflag:s14] =	ssyncset.done $0x0  }
0x11b: {  	[sflag:s14] =	ssyncadd.s32 $0xFFFFEC00  }
0x11c: {  	[spmem:s2] =	stream.indirect.scatter.add.f32 [tilespmem:s5], [sflag:$0xD], $0x40, s31, s26, $0xb8;
	[tilespmem:$0xF280] =	vst v63  }
0x11d: {  	_ =	swait.ge [sflag:s15], $0x1400  }
0x11e: {  	[sflag:s15] =	ssyncset.done $0x0  }
0x11f: {  	[sflag:s15] =	ssyncadd.s32 $0xFFFFEC00  }
0x120: {  	[spmem:s2] =	stream.indirect.scatter.add.f32 [tilespmem:s7], [sflag:$0xD], $0x40, s8, s26, $0xb8;
	[tilespmem:$0xF280] =	vst v63  }
0x121: {  	_ =	swait.ge [sflag:s16], $0x1400  }
0x122: {  	[sflag:s16] =	ssyncset.done $0x0  }
0x123: {  	[sflag:s16] =	ssyncadd.s32 $0xFFFFEC00  }
0x124: {  	[spmem:s2] =	stream.indirect.scatter.add.f32 [tilespmem:s10], [sflag:$0xD], $0x40, s0, s26, $0xb8;
	[tilespmem:$0xF280] =	vst v63  }
0x125: {  	_ =	swait.ge [sflag:s17], $0x1400  }
0x126: {  	[sflag:s17] =	ssyncset.done $0x0  }
0x127: {  	[sflag:s17] =	ssyncadd.s32 $0xFFFFEC00  }
0x128: {  	_ =	swait.ge [sflag:s17], $0x1400  }
0x129: {  	[sflag:s17] =	ssyncset.done $0x0  }
0x12a: {  	[sflag:s17] =	ssyncadd.s32 $0xFFFFEC00  }
0x12b: {  	_ =	swait.ge [sflag:s17], $0x1400  }
0x12c: {  	[sflag:s17] =	ssyncset.done $0x0  }
0x12d: {  	[sflag:s17] =	ssyncadd.s32 $0xFFFFEC00  }
0x12e: {  	_ =	swait.ge [sflag:s17], $0x1400  }
0x12f: {  	[sflag:s17] =	ssyncset.done $0x0  }
0x130: {  	s20 =	rddreg [dreg:$0x1e];
	[sflag:s17] =	ssyncadd.s32 $0xFFFFEC00  }
0x131: {  	[tilespmem:s12], [sflag:$0x5] =	stream.linear.gather [hbm4b:s20+s12], $0x50, $0x38;
	[tilespmem:$0xF280] =	vst v63  }
0x132: {  	s25 =	rddreg [dreg:$0x1d]  }
0x133: {  	[tilespmem:s30], [sflag:$0x9] =	stream.linear.gather [hbm4b:s25+s12], $0x50, $0x38;
	[tilespmem:$0xF280] =	vst v63  }
0x134: {  	_ =	swait.ge [sflag:s3], $0x50  }
0x135: {  	[sflag:s3] =	ssyncset.done $0x0  }
0x136: {  	[sflag:s3] =	ssyncadd.s32 $0xFFFFFFB0  }
0x137: {  	[tilespmem:s24], [sflag:$0x1] =	stream.indirect.gather [hbm4b:s1+s26], $0x40, s12, s26, $0xb8;
	[tilespmem:$0xF280] =	vst v63  }
0x138: {  	_ =	swait.ge [sflag:s11], $0x50  }
0x139: {  	[sflag:s11] =	ssyncset.done $0x0  }
0x13a: {  	[sflag:s11] =	ssyncadd.s32 $0xFFFFFFB0  }
0x13b: {  	_ =	swait.ge [sflag:s13], $0x1400  }
0x13c: {  	[sflag:s13] =	ssyncset.done $0x0  }
0x13d: {  	[sflag:s13] =	ssyncadd.s32 $0xFFFFEC00  }
0x13e: {  	[spmem:s2] =	stream.indirect.scatter.add.f32 [tilespmem:s24], [sflag:$0xD], $0x40, s30, s26, $0xb8;
	[tilespmem:$0xF280] =	vst v63  }
0x13f: {  	_ =	swait.ge [sflag:s17], $0x1400  }
0x140: {  	[sflag:s17] =	ssyncset.done $0x0  }
0x141: {  	[sflag:s17] =	ssyncadd.s32 $0xFFFFEC00  }
0x142: {  	s19 =	stileid.u32;
	[bflag:$0x0] =	sbarrier.arrive $0xFFFF  }
0x143: {  	s18 =	sshll.u32 s19, $0x6;
	s24 =	rddreg [dreg:$0x15]  }
0x144: {  	s18 =	sor.u32 $0x1C0E, s18;
	s25 =	rddreg [dreg:$0xd];
	s20 =	sshrl.u32 s24, $0x3  }
0x145: {  	[hbm:s25], [sflag:s18] =	dma.local [spmem:s20], $0x280  }
0x146: {  	s25 =	simm.s32 $0xE  }
0x147: {  	_ =	swait.ge [sflag:s25], $0x280  }
0x148: {  	[sflag:s25] =	ssyncset.done $0x0;
	s28 =	rddreg [dreg:$0x16]  }
0x149: {  	s20 =	rddreg [dreg:$0xe];
	[sflag:s25] =	ssyncadd.s32 $0xFFFFFD80;
	s19 =	sshrl.u32 s28, $0x3  }
0x14a: {  	[hbm:s20], [sflag:s18] =	dma.local [spmem:s19], $0x280  }
0x14b: {  	_ =	swait.ge [sflag:s25], $0x280  }
0x14c: {  	[sflag:s25] =	ssyncset.done $0x0;
	s20 =	rddreg [dreg:$0x17]  }
0x14d: {  	[sflag:s25] =	ssyncadd.s32 $0xFFFFFD80;
	s19 =	sshrl.u32 s20, $0x3;
	s20 =	rddreg [dreg:$0xf]  }
0x14e: {  	[hbm:s20], [sflag:s18] =	dma.local [spmem:s19], $0x280  }
0x14f: {  	_ =	swait.ge [sflag:s25], $0x280  }
0x150: {  	[sflag:s25] =	ssyncset.done $0x0;
	s20 =	rddreg [dreg:$0x18]  }
0x151: {  	[sflag:s25] =	ssyncadd.s32 $0xFFFFFD80;
	s19 =	sshrl.u32 s20, $0x3;
	s20 =	rddreg [dreg:$0x10]  }
0x152: {  	[hbm:s20], [sflag:s18] =	dma.local [spmem:s19], $0x280  }
0x153: {  	_ =	swait.ge [sflag:s25], $0x280  }
0x154: {  	[sflag:s25] =	ssyncset.done $0x0;
	s20 =	rddreg [dreg:$0x19]  }
0x155: {  	[sflag:s25] =	ssyncadd.s32 $0xFFFFFD80;
	s19 =	sshrl.u32 s20, $0x3;
	s20 =	rddreg [dreg:$0x11]  }
0x156: {  	[hbm:s20], [sflag:s18] =	dma.local [spmem:s19], $0x280  }
0x157: {  	_ =	swait.ge [sflag:s25], $0x280  }
0x158: {  	[sflag:s25] =	ssyncset.done $0x0;
	s20 =	rddreg [dreg:$0x1a]  }
0x159: {  	[sflag:s25] =	ssyncadd.s32 $0xFFFFFD80;
	s19 =	sshrl.u32 s20, $0x3;
	s20 =	rddreg [dreg:$0x12]  }
0x15a: {  	[hbm:s20], [sflag:s18] =	dma.local [spmem:s19], $0x280  }
0x15b: {  	_ =	swait.ge [sflag:s25], $0x280  }
0x15c: {  	[sflag:s25] =	ssyncset.done $0x0;
	s20 =	rddreg [dreg:$0x1b]  }
0x15d: {  	[sflag:s25] =	ssyncadd.s32 $0xFFFFFD80;
	s19 =	sshrl.u32 s20, $0x3;
	s20 =	rddreg [dreg:$0x13]  }
0x15e: {  	[hbm:s20], [sflag:s18] =	dma.local [spmem:s19], $0x280  }
0x15f: {  	_ =	swait.ge [sflag:s25], $0x280  }
0x160: {  	[sflag:s25] =	ssyncset.done $0x0;
	s20 =	rddreg [dreg:$0x1c]  }
0x161: {  	[sflag:s25] =	ssyncadd.s32 $0xFFFFFD80;
	s19 =	sshrl.u32 s20, $0x3;
	s20 =	rddreg [dreg:$0x14]  }
0x162: {  	[hbm:s20], [sflag:s18] =	dma.local [spmem:s19], $0x280  }
0x163: {  	_ =	swait.ge [sflag:s25], $0x280  }
0x164: {  	s18 =	sld [smem:$0x7FD];
	_ =	sdelay $0x2  }
0x165: {  	s20 =	rddreg [dreg:$0x1f];
	s19 =	sadd.s32 $0x1, s18  }
0x166: {  	p0 =	sne.s32 s19, s20  }
.Ltmp2:
0x167: {  	_ = 	snop;
	(pc) =	sbr.rel @p0 .LBB2_1-.Ltmp2, $3  }
0x168: {  	_ =	sdelay $0x1  }
0x169: {  	[sflag:s25] =	ssyncset.done $0x0  }
0x16a: {  	[sflag:s25] =	ssyncadd.s32 $0xFFFFFD80  }
0x16b: {  	_ =	sfence.sel $0x180000  }
0x16c: {  	[bflag:$0x0] =	sbarrier.arrive $0xFFFF  }
0x16d: {  	_ =	strace $0x9000004D  }
0x16e: {  	s0 =	stileid.u32;
	[bflag:$0x2] =	sbarrier.arrive $0xFFFF  }
0x16f: {  	p0 =	sne.s32 s0, $0x0;
	s0 =	rddreg [dreg:$0x4]  }
0x170: {  	s0 =	sadd.s32 @!p0 $0x100000, s0  }
0x171: {  	[sflag:s0] =	ssyncadd.tile.s32 @!p0 $0x1;
	_ =	shalt  }
.Lfunc_end2:
_tile_overlayer_lowered:
.L_overlay_start_2:
0x172: {  	(tag) =	ssettag $0x2  }
0x173: {  	s0 =	rddreg [dreg:$0x0];
	s2 =	stileid.u32  }
0x174: {  	s1 =	rddreg [dreg:$0x1];
	p0 =	sne.s32 s2, $0x0  }
0x175: {  	s3 =	rddreg [dreg:$0x2];
	[bflag:$0x3] =	sbarrier.arrive $0xFFFF;
	s2 =	simm.s32 @!p0 $0x1C0E  }
0x176: {  	[timem:s3], [sflag:s2] =	dma.local @!p0 [hbm:s0], s1  }
0x177: {  	s0 =	simm.s32 @!p0 $0xE  }
0x178: {  	_ =	swait.ge @!p0 [sflag:s0], s1  }
0x179: {  	s1 =	ssub.s32 @!p0 $0x0, s1;
	[sflag:s0] =	ssyncset.done @!p0 $0x0  }
0x17a: {  	[sflag:s0] =	ssyncadd.s32 @!p0 s1  }
0x17b: {  	[bflag:$0x3] =	sbarrier.arrive $0xFFFF  }
0x17c: {  	_ =	shalt  }

// kernel: kernel.8.cloned.1.call-start
scs
__scs_entry_jumppad:
0x0: {  	(pc) =	sbr.rel $0x88, $3  }
0x1: {  	(tag) =	ssettag $0x0;
	lr =	simm.s32 $0x1  }
0x2: {  	[smem:$0x3F97] =	sst lr;
	_ =	strace $0xD0000000  }
0x3: {  	_ = 	snop  }
0x4: {  	_ = 	snop  }
0x5: {  	_ = 	snop  }
0x6: {  	_ = 	snop  }
0x7: {  	_ = 	snop  }
__scs_overlays_trampoline_lowered:
0x8: {  	[smem:$0x3FA6] =	sst s0  }
0x9: {  	[smem:$0x3FA7] =	sst s1  }
0xa: {  	[smem:$0x3FA8] =	sst s2  }
0xb: {  	[smem:$0x3FA9] =	sst s3  }
0xc: {  	[smem:$0x3FAA] =	sst s4  }
0xd: {  	[smem:$0x3FAB] =	sst s5  }
0xe: {  	[smem:$0x3FAC] =	sst s6  }
0xf: {  	[smem:$0x3FAD] =	sst s7  }
0x10: {  	[smem:$0x3FAE] =	sst s8  }
0x11: {  	[smem:$0x3FAF] =	sst s9;
	s0 =	simm.s32 @!p0 $0x0  }
0x12: {  	s1 =	sld [smem:$0x3F95];
	s0 =	simm.s32 @p0 $0x1  }
0x13: {  	[smem:$0x3FB0] =	sst s0;
	s0 =	simm.s32 @!p1 $0x0  }
0x14: {  	s2 =	sld [smem:$0x3F94];
	s0 =	simm.s32 @p1 $0x1  }
0x15: {  	[smem:$0x3FB1] =	sst s0;
	s0 =	simm.s32 @!p2 $0x0  }
0x16: {  	s3 =	sld [smem:$0x3FDB];
	s0 =	simm.s32 @p2 $0x1  }
0x17: {  	s4 =	simm.s32 $0x1BF5;
	[smem:$0x3FB3] =	sst s0  }
0x18: {  	s0 =	sld [smem:$0x3F96];
	_ =	swait.ge [sflag:s4], $0x0  }
0x19: {  	s7 =	sld [smem:$0x3F97]  }
0x1a: {  	s8 =	sadd.s32 $0xFFFFE003, lr  }
0x1b: {  	s9 =	sadd.s32 $0xFFFFFEF7, lr;
	s5 =	simm.s32 $0xFFFFFFFF;
	p2 =	slt.u32 s8, $0xFFFFF086  }
0x1c: {  	p1 =	slt.u32 s9, $0xF7A;
	s5 =	simm.s32 @!p2 $0x0  }
0x1d: {  	s5 =	simm.s32 @p1 $0x1;
	p0 =	seq.s32 s7, s2  }
0x1e: {  	s7 =	smul.u32 @!p0 $0xF7A, s2;
	p2 =	seq.s32 @!p0 s5, $0x0  }
0x1f: {  	s9 =	smul.u32 $0xF7A, s1;
	s8 =	simm.s32 @!p0 $0x1BF5;
	p2 =	por !p2, p0  }
0x20: {  	[sflag:s8] =	ssyncset.s32 @!p0 $0xFFFFF086;
	s6 =	sadd.s32 @!p0 s3, s7;
	s7 =	simm.s32 @!p0 $0x108  }
0x21: {  	s3 =	sadd.s32 s3, s9;
	s6 =	sadd.s32 @!p0 $0x88, s6;
	s7 =	simm.s32 @p2 $0x1082  }
0x22: {  	[simem:s7], [sflag:s8] =	dma.local @!p0 [hbm:s6], $0xF7A  }
0x23: {  	s9 =	sor.u32 $0xD0000000, s2;
	s6 =	simm.s32 $0x108;
	_ =	swait.ge @!p0 [sflag:s8], $0x0  }
0x24: {  	s3 =	sadd.s32 $0x88, s3;
	s6 =	simm.s32 @!p1 $0x1082;
	[sflag:s4] =	ssyncset.s32 $0xFFFFF086  }
0x25: {  	[simem:s6], [sflag:s4] =	dma.local [hbm:s3], $0xF7A  }
0x26: {  	[smem:$0x3F97] =	sst s1;
	(tag) =	ssettag s2;
	_ =	strace s9  }
0x27: {  	s1 =	sld [smem:$0x3FA7]  }
0x28: {  	s2 =	sld [smem:$0x3FA8]  }
0x29: {  	s4 =	sld [smem:$0x3FAA]  }
0x2a: {  	p0 =	seq.s32 s5, $0x0;
	s5 =	sld [smem:$0x3FAB]  }
0x2b: {  	s6 =	sld [smem:$0x3FAC]  }
0x2c: {  	s7 =	sld [smem:$0x3FAD]  }
0x2d: {  	s3 =	simm.s32 $0x108;
	s8 =	sld [smem:$0x3FAE]  }
0x2e: {  	s3 =	simm.s32 @!p0 $0x1082;
	s9 =	sld [smem:$0x3FAF]  }
0x2f: {  	lr =	sadd.s32 s0, s3;
	s0 =	sld [smem:$0x3FA6]  }
0x30: {  	s3 =	sld [smem:$0x3FA9]  }
0x31: {  	[smem:$0x3FB2] =	sst s10  }
0x32: {  	s10 =	sld [smem:$0x3FB0];
	_ =	sdelay $0x3  }
0x33: {  	p0 =	seq.s32 s10, $0x1;
	s10 =	sld [smem:$0x3FB2];
	_ =	sdelay $0x3  }
0x34: {  	[smem:$0x3FB2] =	sst s10  }
0x35: {  	s10 =	sld [smem:$0x3FB1];
	_ =	sdelay $0x3  }
0x36: {  	p1 =	seq.s32 s10, $0x1;
	s10 =	sld [smem:$0x3FB2];
	_ =	sdelay $0x3  }
0x37: {  	[smem:$0x3FB2] =	sst s10  }
0x38: {  	s10 =	sld [smem:$0x3FB3]  }
0x39: {  	_ = 	snop;
	(pc) =	sbr.ind lr, $3  }
0x3a: {  	_ = 	snop  }
0x3b: {  	_ = 	snop  }
0x3c: {  	p2 =	seq.s32 s10, $0x1;
	s10 =	sld [smem:$0x3FB2]  }
0x3d: {  	_ =	shalt  }
0x3e: {  	_ =	shalt  }
0x3f: {  	_ =	shalt  }
0x40: {  	_ =	shalt  }
0x41: {  	_ =	shalt  }
0x42: {  	_ =	shalt  }
0x43: {  	_ =	shalt  }
0x44: {  	_ =	shalt  }
0x45: {  	_ =	shalt  }
0x46: {  	_ =	shalt  }
0x47: {  	_ =	shalt  }
0x48: {  	_ =	shalt  }
0x49: {  	_ =	shalt  }
0x4a: {  	_ =	shalt  }
0x4b: {  	_ =	shalt  }
0x4c: {  	_ =	shalt  }
0x4d: {  	_ =	shalt  }
0x4e: {  	_ =	shalt  }
0x4f: {  	_ =	shalt  }
0x50: {  	_ =	shalt  }
0x51: {  	_ =	shalt  }
0x52: {  	_ =	shalt  }
0x53: {  	_ =	shalt  }
0x54: {  	_ =	shalt  }
0x55: {  	_ =	shalt  }
0x56: {  	_ =	shalt  }
0x57: {  	_ =	shalt  }
0x58: {  	_ =	shalt  }
0x59: {  	_ =	shalt  }
0x5a: {  	_ =	shalt  }
0x5b: {  	_ =	shalt  }
0x5c: {  	_ =	shalt  }
0x5d: {  	_ =	shalt  }
0x5e: {  	_ =	shalt  }
0x5f: {  	_ =	shalt  }
0x60: {  	_ =	shalt  }
0x61: {  	_ =	shalt  }
0x62: {  	_ =	shalt  }
0x63: {  	_ =	shalt  }
0x64: {  	_ =	shalt  }
0x65: {  	_ =	shalt  }
0x66: {  	_ =	shalt  }
0x67: {  	_ =	shalt  }
0x68: {  	_ =	shalt  }
0x69: {  	_ =	shalt  }
0x6a: {  	_ =	shalt  }
0x6b: {  	_ =	shalt  }
0x6c: {  	_ =	shalt  }
0x6d: {  	_ =	shalt  }
0x6e: {  	_ =	shalt  }
0x6f: {  	_ =	shalt  }
0x70: {  	_ =	shalt  }
0x71: {  	_ =	shalt  }
0x72: {  	_ =	shalt  }
0x73: {  	_ =	shalt  }
0x74: {  	_ =	shalt  }
0x75: {  	_ =	shalt  }
0x76: {  	_ =	shalt  }
0x77: {  	_ =	shalt  }
0x78: {  	_ =	shalt  }
0x79: {  	_ =	shalt  }
0x7a: {  	_ =	shalt  }
0x7b: {  	_ =	shalt  }
0x7c: {  	_ =	shalt  }
0x7d: {  	_ =	shalt  }
0x7e: {  	_ =	shalt  }
0x7f: {  	_ =	shalt  }
0x80: {  	_ =	shalt  }
0x81: {  	_ =	shalt  }
0x82: {  	_ =	shalt  }
0x83: {  	_ =	shalt  }
0x84: {  	_ =	shalt  }
0x85: {  	_ =	shalt  }
0x86: {  	_ =	shalt  }
0x87: {  	_ =	shalt  }
.Lfunc_end0:
.L_simem_size_0:
called_computation_lowered:
.L_overlay_start_0:
0x88: {  	s2 =	sld [smem:$0x3FD9]  }
0x89: {  	s3 =	sld [smem:$0x3FFE];
	_ =	sdelay $0x1  }
0x8a: {  	s1 =	srdreg.scid  }
0x8b: {  	s0 =	sand.u32 $0x1, s1  }
0x8c: {  	s14 =	sshll.u32 s0, $0xA;
	s2 =	sadd.s32 s3, s2  }
0x8d: {  	s2 =	sadd.s32 s2, s14  }
0x8e: {  	[smem:$0x3FBE] =	sst s2  }
0x8f: {  	_ = 	snop  }
0x90: {  	s2 =	sld [smem:$0x3FD0];
	_ =	sdelay $0x2  }
0x91: {  	s15 =	simm.s32 $0xA;
	s4 =	simm.s32 $0x10  }
0x92: {  	[smem:s4], [sflag:s15] =	dma.local [hbm:s2], $0x1  }
0x93: {  	_ =	swait.eq [sflag:s15], $0x1  }
0x94: {  	[sflag:s15] =	ssyncset.done $0x0  }
0x95: {  	s16 =	sld [smem:$0x11];
	[sflag:s15] =	ssyncadd.s32 $0xFFFFFFFF  }
0x96: {  	s17 =	sld [smem:$0x12];
	(tm) =	ssettm $0x1  }
0x97: {  	s18 =	sld [smem:$0x3FFB];
	_ =	sdelay $0x3  }
0x98: {  	_ =	strace s18  }
0x99: {  	s4 =	sld [smem:$0x3FFC];
	_ =	sdelay $0x3  }
0x9a: {  	_ =	strace s4  }
0x9b: {  	s4 =	sld [smem:$0x3FFD];
	_ =	sdelay $0x3  }
0x9c: {  	_ =	strace s4  }
0x9d: {  	_ =	strace $0x8FFFFFFF  }
0x9e: {  	s19 =	sld [smem:$0x3FDB];
	_ =	sdelay $0x1  }
0x9f: {  	s5 =	simm.s32 $_scs_section_size  }
0xa0: {  	s6 =	simm.s32 $_size__tile_overlayer_lowered;
	s7 =	simm.s32 $_tile_overlayer_lowered  }
0xa1: {  	s22 =	simm.s32 $0x1BFF;
	s21 =	sshll.u32 s7, $0x1;
	s4 =	sadd.s32 s5, s19  }
0xa2: {  	s8 =	simm.s32 $0x0;
	s20 =	sshll.u32 s6, $0x1;
	s6 =	sadd.s32 s21, s4  }
0xa3: {  	[timem:s8], [sflag:s22] =	dma.local [hbm:s6], s20  }
0xa4: {  	_ =	swait.ge [sflag:s22], s20  }
0xa5: {  	s5 =	ssub.s32 $0x0, s20;
	[sflag:s22] =	ssyncset.done $0x0  }
0xa6: {  	[sflag:s22] =	ssyncadd.s32 s5;
	_ =	sdelay $0x1  }
0xa7: {  	s23 =	simm.s32 $0x1B8B  }
0xa8: {  	_ =	swait.ge [sflag:s23], $0x1  }
0xa9: {  	[sflag:s23] =	ssyncset.done $0x0  }
0xaa: {  	s25 =	simm.s32 $0x1B8E;
	s24 =	sld [smem:$0x3FFE];
	[sflag:s23] =	ssyncadd.s32 $0xFFFFFFFF  }
0xab: {  	s26 =	simm.s32 $execute0_lowered;
	[smem:$0x3FD2] =	sst s25  }
0xac: {  	s6 =	sshll.u32 s26, $0x1;
	_ =	strace $0x80000046;
	[dreg:$0x1] =	wrdreg $0xFFFFFFFF  }
0xad: {  	s28 =	simm.s32 $_size_execute0_lowered;
	s4 =	sadd.s32 s4, s6;
	[dreg:$0x0] =	wrdreg $0x0  }
0xae: {  	s6 =	sshll.u32 s28, $0x1;
	[dreg:$0x2] =	wrdreg s4  }
0xaf: {  	[dreg:$0x3] =	wrdreg s6  }
0xb0: {  	[dreg:$0x4] =	wrdreg $0xC0  }
0xb1: {  	_ =	task [dreg:s8], $0x5FFFF  }
0xb2: {  	[dreg:$0x1] =	wrdreg $0xFFFFFFFF  }
0xb3: {  	[dreg:$0x0] =	wrdreg $0x60  }
0xb4: {  	[dreg:$0x2] =	wrdreg s24  }
0xb5: {  	[dreg:$0x3] =	wrdreg s17  }
0xb6: {  	[dreg:$0x4] =	wrdreg s16  }
0xb7: {  	[dreg:$0x5] =	wrdreg $0x5000  }
0xb8: {  	[dreg:$0x6] =	wrdreg $0x7800  }
0xb9: {  	[dreg:$0x7] =	wrdreg $0x9  }
0xba: {  	_ =	task.clear_ibuf [dreg:s8], $0x8FFFF;
	_ =	strace $0x90000046  }
0xbb: {  	s29 =	simm.s32 $0x9;
	_ =	strace $0x80000048  }
0xbc: {  	_ =	swait.ge [sflag:s29], $0x1  }
0xbd: {  	[sflag:s29] =	ssyncadd.s32 $0xFFFFFFFF  }
0xbe: {  	_ =	strace $0x90000048  }
0xbf: {  	_ =	sfence  }
0xc0: {  	s30 =	sld [smem:$0x0];
	_ =	sdelay $0x2  }
0xc1: {  	s31 =	sshll.u32 s1, $0xD;
	s1 =	sshrl.u32 s1, $0x2  }
0xc2: {  	s3 =	sand.u32 $0x4000, s31;
	s1 =	sadd.s32 s1, s30  }
0xc3: {  	s0 =	sor.u32 s3, s0;
	s1 =	sshll.u32 s1, $0x11  }
0xc4: {  	s0 =	sor.u32 s1, s0  }
0xc5: {  	s0 =	sadd.s32 $0x8F2B, s0  }
0xc6: {  	[sflag:s0] =	ssyncadd.remote.s32 $0x1  }
0xc7: {  	_ =	sfence.sel $0xFFFF  }
0xc8: {  	[dreg:$0x0] =	wrdreg $0xFFFFFFFF;
	(pc) =	sbr.abs _section_cstart, $3  }
0xc9: {  	[dreg:$0x1] =	wrdreg $0xFFFFFFFF  }
0xca: {  	_ =	task.clear_ibuf [dreg:s8], $0x2FFFF;
	_ =	strace $0x9FFFFFFF  }
0xcb: {  	(tm) =	ssettm $0x7FFFFFFF  }
tec
execute0_lowered:
.L_overlay_start_1:
0x0: {  	(tag) =	ssettag $0x1  }
0x1: {  	s0 =	rddreg [dreg:$0x0]  }
0x2: {  	s2 =	rddreg [dreg:$0x1]  }
0x3: {  	s4 =	rddreg [dreg:$0x2]  }
0x4: {  	s1 =	rddreg [dreg:$0x3]  }
0x5: {  	s15 =	rddreg [dreg:$0x4]  }
0x6: {  	s3 =	simm.s32 $0x0;
	s5 =	srdreg.scid;
	s14 =	stileid.u32  }
0x7: {  	s28 =	simm.s32 $0x4;
	s29 =	simm.s32 $0x5;
	s30 =	simm.s32 $0x20  }
0x8: {  	s31 =	simm.s32 $0x10;
	[smem:$0x7FF] =	sst s3;
	s16 =	smul.u32 $0x500, s14  }
0x9: {  	s7 =	sadd.s32 $0x2E00, s0;
	s6 =	sand.u32 $0x1, s5;
	s10 =	smul.u32 $0x280, s14  }
0xa: {  	s8 =	sshll.u32 s14, $0x1;
	s19 =	smul.u32 $0x4E20, s14;
	_ =	strace $0x80000047  }
0xb: {  	s9 =	sshll.u32 s6, $0x7;
	s8 =	sor.u32 s6, s8;
	s20 =	smul.u32 $0x2710, s6  }
0xc: {  	s17 =	ssub.s32 $0x2, s6;
	s5 =	sor.u32 s9, s16;
	s11 =	smul.u32 $0x2710, s8  }
0xd: {  	s18 =	sshrl.u32 s17, $0x1;
	s8 =	smul.u32 $0xA0, s8;
	s6 =	sadd.s32 s10, s15  }
0xe: {  	s12 =	sshrl.u32 s5, $0x3;
	s13 =	ssub.s32 s17, s18;
	s5 =	sadd.s32 s10, s1  }
0xf: {  	s22 =	sadd.s32 s20, s19;
	s17 =	simm.s32 $0x280;
	s18 =	simm.s32 $0x6  }
0x10: {  	s19 =	simm.s32 $0x80;
	s20 =	simm.s32 $0x100;
	s0 =	sadd.s32 s12, s0  }
0x11: {  	s11 =	sshrl.u32 s11, $0x3;
	s8 =	sshrl.u32 s8, $0x3;
	s4 =	sadd.s32 s4, s12  }
0x12: {  	s24 =	sshrl.u32 s22, $0x3;
	s12 =	smax.u32 s13, $0x1;
	s25 =	sadd.s32 $0xF0, s22  }
0x13: {  	s26 =	sadd.s32 $0xA0, s22;
	s21 =	sadd.s32 s7, s11;
	s8 =	sadd.s32 s2, s8  }
0x14: {  	[dreg:$0x8] =	wrdreg s4;
	s11 =	sadd.s32 $0xCC00, s0;
	s13 =	sadd.s32 s24, s7  }
0x15: {  	s2 =	sadd.s32 $0x50, s22;
	s0 =	sshrl.u32 s25, $0x3;
	s4 =	sshrl.u32 s26, $0x3  }
0x16: {  	s22 =	simm.s32 $0x1;
	s24 =	simm.s32 $0x200;
	s25 =	simm.s32 $0x2  }
0x17: {  	s26 =	simm.s32 $0x3;
	s10 =	sadd.s32 $0x4D8, s21;
	s23 =	sadd.s32 $0xA, s8  }
0x18: {  	s2 =	sshrl.u32 s2, $0x3;
	s14 =	sadd.s32 s0, s7;
	s15 =	sadd.s32 s4, s7  }
0x19: {  	s21 =	simm.s32 $0x180;
	s0 =	simm.s32 $0x0;
	[dreg:$0x6] =	wrdreg s10  }
0x1a: {  	v0 =	vimm.f32 $1.000000000e+00;
	v1 =	vimm.f32 $0.0e+00;
	[dreg:$0x7] =	wrdreg s23;
	s16 =	sadd.s32 s2, s7;
	s23 =	simm.s32 $0x50  }
.LBB2_1:
0x1b: {  	[tilespmem:$0x200] =	vst v0  }
0x1c: {  	[tilespmem:$0x210] =	vst v0  }
0x1d: {  	[tilespmem:$0x220] =	vst v0  }
0x1e: {  	[tilespmem:$0x230] =	vst v0  }
0x1f: {  	[tilespmem:$0x240] =	vst v0  }
0x20: {  	[tilespmem:$0x280] =	vst v1  }
0x21: {  	[tilespmem:$0x290] =	vst v1  }
0x22: {  	[tilespmem:$0x2A0] =	vst v1  }
0x23: {  	[tilespmem:$0x2B0] =	vst v1  }
0x24: {  	[tilespmem:$0x2C0] =	vst v1  }
0x25: {  	[tilespmem:$0x2D0] =	vst v1  }
0x26: {  	[tilespmem:$0x2E0] =	vst v1  }
0x27: {  	[tilespmem:$0x2F0] =	vst v1  }
0x28: {  	[tilespmem:$0x300] =	vst v1  }
0x29: {  	[tilespmem:$0x310] =	vst v1  }
0x2a: {  	[tilespmem:$0x320] =	vst v1  }
0x2b: {  	[tilespmem:$0x330] =	vst v1  }
0x2c: {  	[tilespmem:$0x340] =	vst v1  }
0x2d: {  	[tilespmem:$0x350] =	vst v1  }
0x2e: {  	[tilespmem:$0x360] =	vst v1  }
0x2f: {  	[tilespmem:$0x370] =	vst v1  }
0x30: {  	[tilespmem:$0x380] =	vst v1  }
0x31: {  	[tilespmem:$0x390] =	vst v1  }
0x32: {  	[tilespmem:$0x3A0] =	vst v1  }
0x33: {  	[tilespmem:$0x3B0] =	vst v1  }
0x34: {  	[tilespmem:$0x3C0] =	vst v1  }
0x35: {  	[tilespmem:$0x3D0] =	vst v1  }
0x36: {  	[tilespmem:$0x3E0] =	vst v1  }
0x37: {  	[tilespmem:$0x3F0] =	vst v1  }
0x38: {  	[tilespmem:$0x400] =	vst v1  }
0x39: {  	[tilespmem:$0x410] =	vst v1  }
0x3a: {  	[tilespmem:$0x420] =	vst v1  }
0x3b: {  	[tilespmem:$0x430] =	vst v1  }
0x3c: {  	[tilespmem:$0x440] =	vst v1  }
0x3d: {  	[tilespmem:$0x450] =	vst v1  }
0x3e: {  	[tilespmem:$0x460] =	vst v1  }
0x3f: {  	[tilespmem:$0x470] =	vst v1  }
0x40: {  	[tilespmem:$0x480] =	vst v1  }
0x41: {  	[tilespmem:$0x490] =	vst v1  }
0x42: {  	[tilespmem:$0x4A0] =	vst v1  }
0x43: {  	[tilespmem:$0x4B0] =	vst v1  }
0x44: {  	[tilespmem:$0x4C0] =	vst v1  }
0x45: {  	[tilespmem:$0x4D0] =	vst v1  }
0x46: {  	[tilespmem:$0x4E0] =	vst v1  }
0x47: {  	[tilespmem:$0x4F0] =	vst v1  }
0x48: {  	[spmem:s5] =	stream.linear.scatter [tilespmem:s17], [sflag:$0x6], $0x280, $0x38;
	[tilespmem:$0xA00] =	vst v63  }
0x49: {  	_ =	swait.ge [sflag:s18], $0x280  }
0x4a: {  	[sflag:s18] =	ssyncset.done $0x0  }
0x4b: {  	[sflag:s18] =	ssyncadd.s32 $0xFFFFFD80  }
0x4c: {  	[spmem:s6] =	stream.linear.scatter [tilespmem:s17], [sflag:$0x6], $0x280, $0x38;
	[tilespmem:$0xA00] =	vst v63  }
0x4d: {  	_ =	swait.ge [sflag:s18], $0x280  }
0x4e: {  	[sflag:s18] =	ssyncset.done $0x0  }
0x4f: {  	[sflag:s18] =	ssyncadd.s32 $0xFFFFFD80  }
0x50: {  	s2 =	sadd.s32 $0x0, s13;
	[bflag:$0x0] =	sbarrier.arrive $0xFFFF  }
0x51: {  	[tilespmem:s3], [sflag:$0x1] =	stream.linear.gather [hbm4b:s2+s3], $0x50, $0x38;
	[tilespmem:$0xA00] =	vst v63  }
0x52: {  	s7 =	sadd.s32 $0x0, s16  }
0x53: {  	[tilespmem:s19], [sflag:$0x2] =	stream.linear.gather [hbm4b:s7+s3], $0x50, $0x38;
	[tilespmem:$0xA00] =	vst v63  }
0x54: {  	s9 =	sadd.s32 $0x0, s15  }
0x55: {  	[tilespmem:s20], [sflag:$0x3] =	stream.linear.gather [hbm4b:s9+s3], $0x50, $0x38;
	[tilespmem:$0xA00] =	vst v63  }
0x56: {  	s10 =	sadd.s32 $0x0, s14  }
0x57: {  	[tilespmem:s21], [sflag:$0x4] =	stream.linear.gather [hbm4b:s10+s3], $0x50, $0x38;
	[tilespmem:$0xA00] =	vst v63  }
0x58: {  	_ =	swait.ge [sflag:s22], $0x50  }
0x59: {  	[sflag:s22] =	ssyncset.done $0x0  }
0x5a: {  	[sflag:s22] =	ssyncadd.s32 $0xFFFFFFB0  }
0x5b: {  	[spmem:s1] =	stream.indirect.scatter.add.f32 [tilespmem:s24], [sflag:$0x5], $0x1, s3, s23, $0xb8;
	[tilespmem:$0xA00] =	vst v63  }
0x5c: {  	_ =	swait.ge [sflag:s25], $0x50  }
0x5d: {  	[sflag:s25] =	ssyncset.done $0x0  }
0x5e: {  	[sflag:s25] =	ssyncadd.s32 $0xFFFFFFB0  }
0x5f: {  	[spmem:s1] =	stream.indirect.scatter.add.f32 [tilespmem:s24], [sflag:$0x5], $0x1, s19, s23, $0xb8;
	[tilespmem:$0xA00] =	vst v63  }
0x60: {  	_ =	swait.ge [sflag:s26], $0x50  }
0x61: {  	[sflag:s26] =	ssyncset.done $0x0  }
0x62: {  	[sflag:s26] =	ssyncadd.s32 $0xFFFFFFB0  }
0x63: {  	[spmem:s1] =	stream.indirect.scatter.add.f32 [tilespmem:s24], [sflag:$0x5], $0x1, s20, s23, $0xb8;
	[tilespmem:$0xA00] =	vst v63  }
0x64: {  	_ =	swait.ge [sflag:s28], $0x50  }
0x65: {  	[sflag:s28] =	ssyncset.done $0x0  }
0x66: {  	[sflag:s28] =	ssyncadd.s32 $0xFFFFFFB0  }
0x67: {  	[spmem:s1] =	stream.indirect.scatter.add.f32 [tilespmem:s24], [sflag:$0x5], $0x1, s21, s23, $0xb8;
	[tilespmem:$0xA00] =	vst v63  }
0x68: {  	_ =	swait.ge [sflag:s29], $0x50  }
0x69: {  	[sflag:s29] =	ssyncset.done $0x0  }
0x6a: {  	[sflag:s29] =	ssyncadd.s32 $0xFFFFFFB0  }
0x6b: {  	_ =	swait.ge [sflag:s29], $0x50  }
0x6c: {  	[sflag:s29] =	ssyncset.done $0x0  }
0x6d: {  	[sflag:s29] =	ssyncadd.s32 $0xFFFFFFB0  }
0x6e: {  	_ =	swait.ge [sflag:s29], $0x50  }
0x6f: {  	[sflag:s29] =	ssyncset.done $0x0  }
0x70: {  	[sflag:s29] =	ssyncadd.s32 $0xFFFFFFB0  }
0x71: {  	_ =	swait.ge [sflag:s29], $0x50  }
0x72: {  	s4 =	simm.s32 $0x28;
	s2 =	simm.s32 $0x50;
	[sflag:s29] =	ssyncset.done $0x0  }
.LBB2_2:
0x73: {  	s9 =	sadd.s32 s4, s13  }
0x74: {  	[sflag:s29] =	ssyncadd.s32 $0xFFFFFFB0;
	s10 =	smov.u32 s2;
	s7 =	sadd.s32 $0x28, s2  }
0x75: {  	[tilespmem:s3], [sflag:$0x1] =	stream.linear.gather [hbm4b:s9+s3], $0x50, $0x38;
	[tilespmem:$0xA00] =	vst v63  }
0x76: {  	p0 =	sne.s32 s2, $0x4B0;
	s2 =	sadd.s32 s4, s16  }
0x77: {  	[tilespmem:s19], [sflag:$0x2] =	stream.linear.gather [hbm4b:s2+s3], $0x50, $0x38;
	[tilespmem:$0xA00] =	vst v63  }
0x78: {  	s2 =	sadd.s32 s4, s15  }
0x79: {  	[tilespmem:s20], [sflag:$0x3] =	stream.linear.gather [hbm4b:s2+s3], $0x50, $0x38;
	[tilespmem:$0xA00] =	vst v63  }
0x7a: {  	s2 =	sadd.s32 s4, s14;
	s4 =	smov.u32 s10  }
0x7b: {  	[tilespmem:s21], [sflag:$0x4] =	stream.linear.gather [hbm4b:s2+s3], $0x50, $0x38;
	[tilespmem:$0xA00] =	vst v63  }
0x7c: {  	_ =	swait.ge [sflag:s22], $0x50  }
0x7d: {  	[sflag:s22] =	ssyncset.done $0x0  }
0x7e: {  	[sflag:s22] =	ssyncadd.s32 $0xFFFFFFB0  }
0x7f: {  	[spmem:s1] =	stream.indirect.scatter.add.f32 [tilespmem:s24], [sflag:$0x5], $0x1, s3, s23, $0xb8;
	[tilespmem:$0xA00] =	vst v63  }
0x80: {  	_ =	swait.ge [sflag:s25], $0x50  }
0x81: {  	[sflag:s25] =	ssyncset.done $0x0  }
0x82: {  	[sflag:s25] =	ssyncadd.s32 $0xFFFFFFB0  }
0x83: {  	[spmem:s1] =	stream.indirect.scatter.add.f32 [tilespmem:s24], [sflag:$0x5], $0x1, s19, s23, $0xb8;
	[tilespmem:$0xA00] =	vst v63  }
0x84: {  	_ =	swait.ge [sflag:s26], $0x50  }
0x85: {  	[sflag:s26] =	ssyncset.done $0x0  }
0x86: {  	[sflag:s26] =	ssyncadd.s32 $0xFFFFFFB0  }
0x87: {  	[spmem:s1] =	stream.indirect.scatter.add.f32 [tilespmem:s24], [sflag:$0x5], $0x1, s20, s23, $0xb8;
	[tilespmem:$0xA00] =	vst v63  }
0x88: {  	_ =	swait.ge [sflag:s28], $0x50  }
0x89: {  	[sflag:s28] =	ssyncset.done $0x0  }
0x8a: {  	[sflag:s28] =	ssyncadd.s32 $0xFFFFFFB0  }
0x8b: {  	[spmem:s1] =	stream.indirect.scatter.add.f32 [tilespmem:s24], [sflag:$0x5], $0x1, s21, s23, $0xb8;
	[tilespmem:$0xA00] =	vst v63  }
0x8c: {  	_ =	swait.ge [sflag:s29], $0x50  }
0x8d: {  	[sflag:s29] =	ssyncset.done $0x0  }
0x8e: {  	[sflag:s29] =	ssyncadd.s32 $0xFFFFFFB0  }
0x8f: {  	_ =	swait.ge [sflag:s29], $0x50  }
0x90: {  	[sflag:s29] =	ssyncset.done $0x0  }
0x91: {  	[sflag:s29] =	ssyncadd.s32 $0xFFFFFFB0  }
.Ltmp0:
0x92: {  	_ =	swait.ge [sflag:s29], $0x50;
	(pc) =	sbr.rel @p0 .LBB2_2-.Ltmp0, $4  }
0x93: {  	[sflag:s29] =	ssyncset.done $0x0  }
0x94: {  	[sflag:s29] =	ssyncadd.s32 $0xFFFFFFB0  }
0x95: {  	_ =	swait.ge [sflag:s29], $0x50  }
0x96: {  	s2 =	smov.u32 s7;
	[sflag:s29] =	ssyncset.done $0x0  }
0x97: {  	s2 =	sadd.s32 s4, s13;
	[sflag:s29] =	ssyncadd.s32 $0xFFFFFFB0  }
0x98: {  	[tilespmem:s3], [sflag:$0x1] =	stream.linear.gather [hbm4b:s2+s3], $0x50, $0x38;
	[tilespmem:$0xA00] =	vst v63  }
0x99: {  	s9 =	sadd.s32 s4, s16  }
0x9a: {  	[tilespmem:s19], [sflag:$0x2] =	stream.linear.gather [hbm4b:s9+s3], $0x50, $0x38;
	[tilespmem:$0xA00] =	vst v63  }
0x9b: {  	s10 =	sadd.s32 s4, s15  }
0x9c: {  	[tilespmem:s20], [sflag:$0x3] =	stream.linear.gather [hbm4b:s10+s3], $0x50, $0x38;
	[tilespmem:$0xA00] =	vst v63  }
0x9d: {  	s7 =	sadd.s32 s4, s14  }
0x9e: {  	[tilespmem:s21], [sflag:$0x4] =	stream.linear.gather [hbm4b:s7+s3], $0x50, $0x38;
	[tilespmem:$0xA00] =	vst v63  }
0x9f: {  	_ =	swait.ge [sflag:s22], $0x50  }
0xa0: {  	[sflag:s22] =	ssyncset.done $0x0  }
0xa1: {  	[sflag:s22] =	ssyncadd.s32 $0xFFFFFFB0  }
0xa2: {  	[spmem:s1] =	stream.indirect.scatter.add.f32 [tilespmem:s24], [sflag:$0x5], $0x1, s3, s23, $0xb8;
	[tilespmem:$0xA00] =	vst v63  }
0xa3: {  	_ =	swait.ge [sflag:s25], $0x50  }
0xa4: {  	[sflag:s25] =	ssyncset.done $0x0  }
0xa5: {  	[sflag:s25] =	ssyncadd.s32 $0xFFFFFFB0  }
0xa6: {  	[spmem:s1] =	stream.indirect.scatter.add.f32 [tilespmem:s24], [sflag:$0x5], $0x1, s19, s23, $0xb8;
	[tilespmem:$0xA00] =	vst v63  }
0xa7: {  	_ =	swait.ge [sflag:s26], $0x50  }
0xa8: {  	[sflag:s26] =	ssyncset.done $0x0  }
0xa9: {  	[sflag:s26] =	ssyncadd.s32 $0xFFFFFFB0  }
0xaa: {  	[spmem:s1] =	stream.indirect.scatter.add.f32 [tilespmem:s24], [sflag:$0x5], $0x1, s20, s23, $0xb8;
	[tilespmem:$0xA00] =	vst v63  }
0xab: {  	_ =	swait.ge [sflag:s28], $0x50  }
0xac: {  	[sflag:s28] =	ssyncset.done $0x0  }
0xad: {  	[sflag:s28] =	ssyncadd.s32 $0xFFFFFFB0  }
0xae: {  	[spmem:s1] =	stream.indirect.scatter.add.f32 [tilespmem:s24], [sflag:$0x5], $0x1, s21, s23, $0xb8;
	[tilespmem:$0xA00] =	vst v63  }
0xaf: {  	_ =	swait.ge [sflag:s29], $0x50  }
0xb0: {  	[sflag:s29] =	ssyncset.done $0x0  }
0xb1: {  	[sflag:s29] =	ssyncadd.s32 $0xFFFFFFB0  }
0xb2: {  	_ =	swait.ge [sflag:s29], $0x50  }
0xb3: {  	[sflag:s29] =	ssyncset.done $0x0  }
0xb4: {  	[sflag:s29] =	ssyncadd.s32 $0xFFFFFFB0  }
0xb5: {  	_ =	swait.ge [sflag:s29], $0x50  }
0xb6: {  	[sflag:s29] =	ssyncset.done $0x0  }
0xb7: {  	[sflag:s29] =	ssyncadd.s32 $0xFFFFFFB0  }
0xb8: {  	_ =	swait.ge [sflag:s29], $0x50  }
0xb9: {  	[sflag:s29] =	ssyncset.done $0x0  }
0xba: {  	s9 =	rddreg [dreg:$0x6];
	[sflag:s29] =	ssyncadd.s32 $0xFFFFFFB0  }
0xbb: {  	[tilespmem:s3], [sflag:$0x1] =	stream.linear.gather [hbm4b:s9+s3], $0x50, $0x38;
	[tilespmem:$0xA00] =	vst v63  }
0xbc: {  	_ =	swait.ge [sflag:s22], $0x50  }
0xbd: {  	[sflag:s22] =	ssyncset.done $0x0  }
0xbe: {  	[sflag:s22] =	ssyncadd.s32 $0xFFFFFFB0  }
0xbf: {  	[spmem:s1] =	stream.indirect.scatter.add.f32 [tilespmem:s24], [sflag:$0x5], $0x1, s3, s23, $0xb8;
	[tilespmem:$0xA00] =	vst v63  }
0xc0: {  	_ =	swait.ge [sflag:s29], $0x50  }
0xc1: {  	[sflag:s29] =	ssyncset.done $0x0  }
0xc2: {  	[sflag:s29] =	ssyncadd.s32 $0xFFFFFFB0  }
0xc3: {  	[tilespmem:s3], [sflag:$0x1] =	stream.linear.gather [hbm4b:s8+s3], $0x50, $0x38;
	[tilespmem:$0xA00] =	vst v63  }
0xc4: {  	s10 =	rddreg [dreg:$0x7]  }
0xc5: {  	[tilespmem:s19], [sflag:$0x2] =	stream.linear.gather [hbm4b:s10+s3], $0x50, $0x38;
	[tilespmem:$0xA00] =	vst v63  }
0xc6: {  	_ =	swait.ge [sflag:s22], $0x50  }
0xc7: {  	[sflag:s22] =	ssyncset.done $0x0  }
0xc8: {  	[sflag:s22] =	ssyncadd.s32 $0xFFFFFFB0  }
0xc9: {  	s4 =	rddreg [dreg:$0x4]  }
0xca: {  	[spmem:s4] =	stream.indirect.scatter.add.f32 [tilespmem:s24], [sflag:$0x5], $0x1, s3, s23, $0xb8;
	[tilespmem:$0xA00] =	vst v63  }
0xcb: {  	_ =	swait.ge [sflag:s25], $0x50  }
0xcc: {  	[sflag:s25] =	ssyncset.done $0x0  }
0xcd: {  	[sflag:s25] =	ssyncadd.s32 $0xFFFFFFB0  }
0xce: {  	[spmem:s4] =	stream.indirect.scatter.add.f32 [tilespmem:s24], [sflag:$0x5], $0x1, s19, s23, $0xb8;
	[tilespmem:$0xA00] =	vst v63  }
0xcf: {  	_ =	swait.ge [sflag:s29], $0x50  }
0xd0: {  	[sflag:s29] =	ssyncset.done $0x0  }
0xd1: {  	[sflag:s29] =	ssyncadd.s32 $0xFFFFFFB0  }
0xd2: {  	_ =	swait.ge [sflag:s29], $0x50  }
0xd3: {  	[sflag:s29] =	ssyncset.done $0x0  }
0xd4: {  	s7 =	stileid.u32;
	[sflag:s29] =	ssyncadd.s32 $0xFFFFFFB0  }
0xd5: {  	s2 =	sshll.u32 s7, $0x6;
	[bflag:$0x0] =	sbarrier.arrive $0xFFFF  }
0xd6: {  	s2 =	sor.u32 $0x1C06, s2;
	s9 =	sshrl.u32 s5, $0x3;
	s7 =	rddreg [dreg:$0x8]  }
0xd7: {  	[hbm:s7@s30], [sflag:s2] =	dma.strided [spmem:s9@s31], $0x50, s22, $0x10   }
0xd8: {  	s0 =	sadd.s32 $0x1, s0;
	_ =	swait.ge [sflag:s18], $0x50  }
0xd9: {  	p0 =	sne.s32 s0, s12;
	[sflag:s18] =	ssyncset.done $0x0  }
.Ltmp1:
0xda: {  	s10 =	sshrl.u32 s6, $0x3;
	[sflag:s18] =	ssyncadd.s32 $0xFFFFFFB0;
	(pc) =	sbr.rel @p0 .LBB2_1-.Ltmp1, $4  }
0xdb: {  	[hbm:s11@s30], [sflag:s2] =	dma.strided [spmem:s10@s31], $0x50, s22, $0x10   }
0xdc: {  	_ =	swait.ge [sflag:s18], $0x50  }
0xdd: {  	[sflag:s18] =	ssyncset.done $0x0  }
0xde: {  	[sflag:s18] =	ssyncadd.s32 $0xFFFFFFB0  }
0xdf: {  	_ =	sfence.sel $0x180000  }
0xe0: {  	[bflag:$0x0] =	sbarrier.arrive $0xFFFF  }
0xe1: {  	_ =	strace $0x90000047  }
0xe2: {  	s0 =	stileid.u32;
	[bflag:$0x2] =	sbarrier.arrive $0xFFFF  }
0xe3: {  	p0 =	sne.s32 s0, $0x0;
	s0 =	rddreg [dreg:$0x5]  }
0xe4: {  	s0 =	sadd.s32 @!p0 $0x100000, s0  }
0xe5: {  	[sflag:s0] =	ssyncadd.tile.s32 @!p0 $0x1;
	_ =	shalt  }
.Lfunc_end2:
_tile_overlayer_lowered:
.L_overlay_start_2:
0xe6: {  	(tag) =	ssettag $0x2  }
0xe7: {  	s0 =	rddreg [dreg:$0x0];
	s2 =	stileid.u32  }
0xe8: {  	s1 =	rddreg [dreg:$0x1];
	p0 =	sne.s32 s2, $0x0  }
0xe9: {  	s3 =	rddreg [dreg:$0x2];
	[bflag:$0x3] =	sbarrier.arrive $0xFFFF;
	s2 =	simm.s32 @!p0 $0x1C06  }
0xea: {  	[timem:s3], [sflag:s2] =	dma.local @!p0 [hbm:s0], s1  }
0xeb: {  	s0 =	simm.s32 @!p0 $0x6  }
0xec: {  	_ =	swait.ge @!p0 [sflag:s0], s1  }
0xed: {  	s1 =	ssub.s32 @!p0 $0x0, s1;
	[sflag:s0] =	ssyncset.done @!p0 $0x0  }
0xee: {  	[sflag:s0] =	ssyncadd.s32 @!p0 s1  }
0xef: {  	[bflag:$0x3] =	sbarrier.arrive $0xFFFF  }
0xf0: {  	_ =	shalt  }

</sc_bundles>
